<compile_context>
chip_gen: v7x
topology: tpu7x:2x2x1
jax: 0.10.2.dev20260603
libtpu: 0.0.44.dev20260713+nightly
codegen_flags: <defaults>
</compile_context>

<pallas_src>
import functools

import jax
import jax.numpy as jnp
from jax import lax
from jax.experimental import pallas as pl
from jax.experimental.pallas import tpu as pltpu
from jax.experimental.pallas import tpu_sc as plsc

_N = 4194304
_NW = 32
_PER_W = _N // _NW
_CHUNK = 8192
_NCHUNK = _PER_W // _CHUNK
_L = 16
_UNROLL = 8
_NBUF = 6


def _sc_body(inp_hbm, tgt_hbm, out_hbm,
             ib0, ib1, ib2, ib3, ib4, ib5, tb0, tb1, tb2, tb3, tb4, tb5,
             accv, s0, s1, s2, s3, s4, s5):
    wid = lax.axis_index("s") * 2 + lax.axis_index("c")
    base = pl.multiple_of(wid * _PER_W, _PER_W)
    ibufs = (ib0, ib1, ib2, ib3, ib4, ib5)
    tbufs = (tb0, tb1, tb2, tb3, tb4, tb5)
    sems = (s0, s1, s2, s3, s4, s5)
    h_i = [None] * _NBUF
    h_t = [None] * _NBUF
    for c in range(_NBUF - 1):
        off = base + c * _CHUNK
        h_i[c] = pltpu.async_copy(
            inp_hbm.at[pl.ds(off, _CHUNK)], ibufs[c], sems[c])
        h_t[c] = pltpu.async_copy(
            tgt_hbm.at[pl.ds(off, _CHUNK)], tbufs[c], sems[c])
    acc = jnp.zeros((_L,), jnp.float32)
    for c in range(_NCHUNK):
        cur = c % _NBUF
        nxt = (c + _NBUF - 1) % _NBUF
        if c + _NBUF - 1 < _NCHUNK:
            off = base + (c + _NBUF - 1) * _CHUNK
            h_i[nxt] = pltpu.async_copy(
                inp_hbm.at[pl.ds(off, _CHUNK)], ibufs[nxt], sems[nxt])
            h_t[nxt] = pltpu.async_copy(
                tgt_hbm.at[pl.ds(off, _CHUNK)], tbufs[nxt], sems[nxt])
        h_i[cur].wait()
        h_t[cur].wait()
        ibuf = ibufs[cur]
        tbuf = tbufs[cur]

        def _vec_body(i, a, ibuf=ibuf, tbuf=tbuf):
            j = i * (_UNROLL * _L)
            for u in range(_UNROLL):
                x = ibuf[pl.ds(j + u * _L, _L)]
                t = tbuf[pl.ds(j + u * _L, _L)]
                d = t - x
                a = a + d * d
            return a

        acc = lax.fori_loop(0, _CHUNK // (_UNROLL * _L), _vec_body, acc)
    accv[...] = acc * (1.0 / _N)
    pltpu.sync_copy(accv, out_hbm.at[wid])


_sc_mse = functools.partial(
    pl.kernel,
    mesh=plsc.VectorSubcoreMesh(core_axis_name="c", subcore_axis_name="s"),
    out_type=jax.ShapeDtypeStruct((_NW, _L), jnp.float32),
    scratch_types=(
        [pltpu.VMEM((_CHUNK,), jnp.float32)] * 12
        + [pltpu.VMEM((_L,), jnp.float32)]
        + [pltpu.SemaphoreType.DMA] * 6
    ),
)(_sc_body)


def _final_body(p_ref, o_ref):
    o_ref[...] = jnp.sum(p_ref[...]).reshape(1, 1)


def kernel(input, target):
    parts = _sc_mse(input, target)
    out = pl.pallas_call(
        _final_body,
        out_shape=jax.ShapeDtypeStruct((1, 1), jnp.float32),
    )(parts)
    return out[0, 0]

# --- scband reference (transcript-rebuilt; emitter-appended) ---
"""Pipeline reference for scband-max-npercent-35227321762474 (READ-ONLY COPY).

The authoritative reference and input builder live on the scoring server;
editing this copy changes nothing except your own understanding.
"""

import jax, jax.numpy as jnp
import numpy as np
import math

PERCENT = 0.1
N = 4194304

def setup_inputs(seed: int = 0) -> dict:
    key = jax.random.key(seed)
    k1, k2 = jax.random.split(key)
    inp = jax.random.normal(k1, (N,), dtype=jnp.float32)
    tgt = jax.random.normal(k2, (N,), dtype=jnp.float32)
    return {"input": inp, "target": tgt}

def reference(input, target):
    # n = ceil(percent * len(input))
    n = math.ceil(PERCENT * float(input.shape[0]))
    # stack -> [2, N]; diff along dim 0 -> [1, N] (target - input)
    stacked_tensor = jnp.stack([input, target])
    diff_tensor = jnp.diff(stacked_tensor, axis=0)
    # torch.argsort(descending=True) sorts along last dim; [:n] slices dim 0
    # (faithful to original: since diff_tensor has 1 row, [:n] keeps shape [1, N])
    sorted_indices = jnp.argsort(-diff_tensor, axis=-1)[:n]
    sorted_inputs = input[sorted_indices]
    sorted_targets = target[sorted_indices]
    # sub_function = mse_loss
    loss = jnp.mean((sorted_inputs - sorted_targets) ** 2)
    return loss

if __name__ == "__main__":
    import jax
    _d = setup_inputs()
    print(jax.jit(kernel)(*tuple(_d.values())))

</pallas_src>

<mosaic_0001>
#map = affine_map<(d0, d1) -> (0)>
#map1 = affine_map<(d0, d1) -> (0, 0)>
module attributes {stable_mosaic.version = 14 : i64} {
  func.func @_sc_body(%arg0: i32, %arg1: i32, %arg2: memref<4194304xf32, #tpu.memory_space<hbm>>, %arg3: memref<4194304xf32, #tpu.memory_space<hbm>>, %arg4: memref<32x16xf32, #tpu.memory_space<hbm>>, %arg5: memref<8192xf32, #tpu.memory_space<vmem>>, %arg6: memref<8192xf32, #tpu.memory_space<vmem>>, %arg7: memref<8192xf32, #tpu.memory_space<vmem>>, %arg8: memref<8192xf32, #tpu.memory_space<vmem>>, %arg9: memref<8192xf32, #tpu.memory_space<vmem>>, %arg10: memref<8192xf32, #tpu.memory_space<vmem>>, %arg11: memref<8192xf32, #tpu.memory_space<vmem>>, %arg12: memref<8192xf32, #tpu.memory_space<vmem>>, %arg13: memref<8192xf32, #tpu.memory_space<vmem>>, %arg14: memref<8192xf32, #tpu.memory_space<vmem>>, %arg15: memref<8192xf32, #tpu.memory_space<vmem>>, %arg16: memref<8192xf32, #tpu.memory_space<vmem>>, %arg17: memref<16xf32, #tpu.memory_space<vmem>>, %arg18: memref<!tpu.dma_semaphore, #tpu.memory_space<semaphore_mem>>, %arg19: memref<!tpu.dma_semaphore, #tpu.memory_space<semaphore_mem>>, %arg20: memref<!tpu.dma_semaphore, #tpu.memory_space<semaphore_mem>>, %arg21: memref<!tpu.dma_semaphore, #tpu.memory_space<semaphore_mem>>, %arg22: memref<!tpu.dma_semaphore, #tpu.memory_space<semaphore_mem>>, %arg23: memref<!tpu.dma_semaphore, #tpu.memory_space<semaphore_mem>>) attributes {dimension_semantics = [#tpu.dimension_semantics<core_parallel>, #tpu.dimension_semantics<subcore_parallel>], iteration_bounds = array<i64: 2, 16>, scalar_prefetch = 0 : i64, scratch_operands = 19 : i64, tpu.core_type = #tpu.core_type<sc_vector_subcore>, window_params = [{transform_indices = #map}, {transform_indices = #map}, {transform_indices = #map1}]} {
    %mul3A = arith.constant 2 : i32
    %mul3A_0 = arith.muli %arg1, %mul3A : i32
    %add3A = arith.addi %mul3A_0, %arg0 : i32
    %mul3A_1 = arith.constant 131072 : i32
    %mul3A_2 = arith.muli %add3A, %mul3A_1 : i32
    %multiple_of3A = tpu.assume_multiple %mul3A_2, 131072 : i32
    %add3A_3 = arith.constant 0 : i32
    %add3A_4 = arith.addi %multiple_of3A, %add3A_3 : i32
    %dma_start3A = tpu.memref_slice %arg2[%add3A_4] : memref<4194304xf32, #tpu.memory_space<hbm>> -> memref<8192xf32, #tpu.memory_space<hbm>>
    %dma_start3A_5 = tpu.memref_slice %arg2[%add3A_4] : memref<4194304xf32, #tpu.memory_space<hbm>> -> memref<8192xf32, #tpu.memory_space<hbm>>
    tpu.enqueue_dma source(%dma_start3A_5 : memref<8192xf32, #tpu.memory_space<hbm>>) target(%arg5 : memref<8192xf32, #tpu.memory_space<vmem>>) target_semaphore(%arg18 : memref<!tpu.dma_semaphore, #tpu.memory_space<semaphore_mem>>)
    %dma_start3A_6 = tpu.memref_slice %arg3[%add3A_4] : memref<4194304xf32, #tpu.memory_space<hbm>> -> memref<8192xf32, #tpu.memory_space<hbm>>
    %dma_start3A_7 = tpu.memref_slice %arg3[%add3A_4] : memref<4194304xf32, #tpu.memory_space<hbm>> -> memref<8192xf32, #tpu.memory_space<hbm>>
    tpu.enqueue_dma source(%dma_start3A_7 : memref<8192xf32, #tpu.memory_space<hbm>>) target(%arg11 : memref<8192xf32, #tpu.memory_space<vmem>>) target_semaphore(%arg18 : memref<!tpu.dma_semaphore, #tpu.memory_space<semaphore_mem>>)
    %add3A_8 = arith.constant 8192 : i32
    %add3A_9 = arith.addi %multiple_of3A, %add3A_8 : i32
    %dma_start3A_10 = tpu.memref_slice %arg2[%add3A_9] : memref<4194304xf32, #tpu.memory_space<hbm>> -> memref<8192xf32, #tpu.memory_space<hbm>>
    %dma_start3A_11 = tpu.memref_slice %arg2[%add3A_9] : memref<4194304xf32, #tpu.memory_space<hbm>> -> memref<8192xf32, #tpu.memory_space<hbm>>
    tpu.enqueue_dma source(%dma_start3A_11 : memref<8192xf32, #tpu.memory_space<hbm>>) target(%arg6 : memref<8192xf32, #tpu.memory_space<vmem>>) target_semaphore(%arg19 : memref<!tpu.dma_semaphore, #tpu.memory_space<semaphore_mem>>)
    %dma_start3A_12 = tpu.memref_slice %arg3[%add3A_9] : memref<4194304xf32, #tpu.memory_space<hbm>> -> memref<8192xf32, #tpu.memory_space<hbm>>
    %dma_start3A_13 = tpu.memref_slice %arg3[%add3A_9] : memref<4194304xf32, #tpu.memory_space<hbm>> -> memref<8192xf32, #tpu.memory_space<hbm>>
    tpu.enqueue_dma source(%dma_start3A_13 : memref<8192xf32, #tpu.memory_space<hbm>>) target(%arg12 : memref<8192xf32, #tpu.memory_space<vmem>>) target_semaphore(%arg19 : memref<!tpu.dma_semaphore, #tpu.memory_space<semaphore_mem>>)
    %add3A_14 = arith.constant 16384 : i32
    %add3A_15 = arith.addi %multiple_of3A, %add3A_14 : i32
    %dma_start3A_16 = tpu.memref_slice %arg2[%add3A_15] : memref<4194304xf32, #tpu.memory_space<hbm>> -> memref<8192xf32, #tpu.memory_space<hbm>>
    %dma_start3A_17 = tpu.memref_slice %arg2[%add3A_15] : memref<4194304xf32, #tpu.memory_space<hbm>> -> memref<8192xf32, #tpu.memory_space<hbm>>
    tpu.enqueue_dma source(%dma_start3A_17 : memref<8192xf32, #tpu.memory_space<hbm>>) target(%arg7 : memref<8192xf32, #tpu.memory_space<vmem>>) target_semaphore(%arg20 : memref<!tpu.dma_semaphore, #tpu.memory_space<semaphore_mem>>)
    %dma_start3A_18 = tpu.memref_slice %arg3[%add3A_15] : memref<4194304xf32, #tpu.memory_space<hbm>> -> memref<8192xf32, #tpu.memory_space<hbm>>
    %dma_start3A_19 = tpu.memref_slice %arg3[%add3A_15] : memref<4194304xf32, #tpu.memory_space<hbm>> -> memref<8192xf32, #tpu.memory_space<hbm>>
    tpu.enqueue_dma source(%dma_start3A_19 : memref<8192xf32, #tpu.memory_space<hbm>>) target(%arg13 : memref<8192xf32, #tpu.memory_space<vmem>>) target_semaphore(%arg20 : memref<!tpu.dma_semaphore, #tpu.memory_space<semaphore_mem>>)
    %add3A_20 = arith.constant 24576 : i32
    %add3A_21 = arith.addi %multiple_of3A, %add3A_20 : i32
    %dma_start3A_22 = tpu.memref_slice %arg2[%add3A_21] : memref<4194304xf32, #tpu.memory_space<hbm>> -> memref<8192xf32, #tpu.memory_space<hbm>>
    %dma_start3A_23 = tpu.memref_slice %arg2[%add3A_21] : memref<4194304xf32, #tpu.memory_space<hbm>> -> memref<8192xf32, #tpu.memory_space<hbm>>
    tpu.enqueue_dma source(%dma_start3A_23 : memref<8192xf32, #tpu.memory_space<hbm>>) target(%arg8 : memref<8192xf32, #tpu.memory_space<vmem>>) target_semaphore(%arg21 : memref<!tpu.dma_semaphore, #tpu.memory_space<semaphore_mem>>)
    %dma_start3A_24 = tpu.memref_slice %arg3[%add3A_21] : memref<4194304xf32, #tpu.memory_space<hbm>> -> memref<8192xf32, #tpu.memory_space<hbm>>
    %dma_start3A_25 = tpu.memref_slice %arg3[%add3A_21] : memref<4194304xf32, #tpu.memory_space<hbm>> -> memref<8192xf32, #tpu.memory_space<hbm>>
    tpu.enqueue_dma source(%dma_start3A_25 : memref<8192xf32, #tpu.memory_space<hbm>>) target(%arg14 : memref<8192xf32, #tpu.memory_space<vmem>>) target_semaphore(%arg21 : memref<!tpu.dma_semaphore, #tpu.memory_space<semaphore_mem>>)
    %add3A_26 = arith.constant 32768 : i32
    %add3A_27 = arith.addi %multiple_of3A, %add3A_26 : i32
    %dma_start3A_28 = tpu.memref_slice %arg2[%add3A_27] : memref<4194304xf32, #tpu.memory_space<hbm>> -> memref<8192xf32, #tpu.memory_space<hbm>>
    %dma_start3A_29 = tpu.memref_slice %arg2[%add3A_27] : memref<4194304xf32, #tpu.memory_space<hbm>> -> memref<8192xf32, #tpu.memory_space<hbm>>
    tpu.enqueue_dma source(%dma_start3A_29 : memref<8192xf32, #tpu.memory_space<hbm>>) target(%arg9 : memref<8192xf32, #tpu.memory_space<vmem>>) target_semaphore(%arg22 : memref<!tpu.dma_semaphore, #tpu.memory_space<semaphore_mem>>)
    %dma_start3A_30 = tpu.memref_slice %arg3[%add3A_27] : memref<4194304xf32, #tpu.memory_space<hbm>> -> memref<8192xf32, #tpu.memory_space<hbm>>
    %dma_start3A_31 = tpu.memref_slice %arg3[%add3A_27] : memref<4194304xf32, #tpu.memory_space<hbm>> -> memref<8192xf32, #tpu.memory_space<hbm>>
    tpu.enqueue_dma source(%dma_start3A_31 : memref<8192xf32, #tpu.memory_space<hbm>>) target(%arg15 : memref<8192xf32, #tpu.memory_space<vmem>>) target_semaphore(%arg22 : memref<!tpu.dma_semaphore, #tpu.memory_space<semaphore_mem>>)
    %broadcast_in_dim3A = arith.constant 0.000000e+00 : f32
    %broadcast_in_dim3A_32 = vector.broadcast %broadcast_in_dim3A : f32 to vector<16xf32>
    %add3A_33 = arith.constant 40960 : i32
    %add3A_34 = arith.addi %multiple_of3A, %add3A_33 : i32
    %dma_start3A_35 = tpu.memref_slice %arg2[%add3A_34] : memref<4194304xf32, #tpu.memory_space<hbm>> -> memref<8192xf32, #tpu.memory_space<hbm>>
    %dma_start3A_36 = tpu.memref_slice %arg2[%add3A_34] : memref<4194304xf32, #tpu.memory_space<hbm>> -> memref<8192xf32, #tpu.memory_space<hbm>>
    tpu.enqueue_dma source(%dma_start3A_36 : memref<8192xf32, #tpu.memory_space<hbm>>) target(%arg10 : memref<8192xf32, #tpu.memory_space<vmem>>) target_semaphore(%arg23 : memref<!tpu.dma_semaphore, #tpu.memory_space<semaphore_mem>>)
    %dma_start3A_37 = tpu.memref_slice %arg3[%add3A_34] : memref<4194304xf32, #tpu.memory_space<hbm>> -> memref<8192xf32, #tpu.memory_space<hbm>>
    %dma_start3A_38 = tpu.memref_slice %arg3[%add3A_34] : memref<4194304xf32, #tpu.memory_space<hbm>> -> memref<8192xf32, #tpu.memory_space<hbm>>
    tpu.enqueue_dma source(%dma_start3A_38 : memref<8192xf32, #tpu.memory_space<hbm>>) target(%arg16 : memref<8192xf32, #tpu.memory_space<vmem>>) target_semaphore(%arg23 : memref<!tpu.dma_semaphore, #tpu.memory_space<semaphore_mem>>)
    %dma_wait3A = tpu.memref_slice %arg2[%add3A_4] : memref<4194304xf32, #tpu.memory_space<hbm>> -> memref<8192xf32, #tpu.memory_space<hbm>>
    %dma_wait3A_39 = tpu.memref_slice %arg2[%add3A_4] : memref<4194304xf32, #tpu.memory_space<hbm>> -> memref<8192xf32, #tpu.memory_space<hbm>>
    tpu.wait_dma2 semaphore(%arg18 : memref<!tpu.dma_semaphore, #tpu.memory_space<semaphore_mem>>) src(%dma_wait3A_39 : memref<8192xf32, #tpu.memory_space<hbm>>) dst(%arg5 : memref<8192xf32, #tpu.memory_space<vmem>>)
    %dma_wait3A_40 = tpu.memref_slice %arg3[%add3A_4] : memref<4194304xf32, #tpu.memory_space<hbm>> -> memref<8192xf32, #tpu.memory_space<hbm>>
    %dma_wait3A_41 = tpu.memref_slice %arg3[%add3A_4] : memref<4194304xf32, #tpu.memory_space<hbm>> -> memref<8192xf32, #tpu.memory_space<hbm>>
    tpu.wait_dma2 semaphore(%arg18 : memref<!tpu.dma_semaphore, #tpu.memory_space<semaphore_mem>>) src(%dma_wait3A_41 : memref<8192xf32, #tpu.memory_space<hbm>>) dst(%arg11 : memref<8192xf32, #tpu.memory_space<vmem>>)
    %scan3A = arith.constant 0 : i32
    %scan3A_42 = arith.constant 64 : i32
    %scan3A_43 = arith.addi %scan3A, %scan3A_42 : i32
    %scan3A_44 = arith.constant 1 : i32
    %scan3A_45 = scf.for %scan3A_263 = %scan3A to %scan3A_43 step %scan3A_44 iter_args(%scan3A_264 = %broadcast_in_dim3A_32) -> (vector<16xf32>)  : i32 {
      %mul3A_265 = arith.constant 128 : i32
      %mul3A_266 = arith.muli %scan3A_263, %mul3A_265 : i32
      %add3A_267 = arith.constant 0 : i32
      %add3A_268 = arith.addi %mul3A_266, %add3A_267 : i32
      %get3A = arith.index_cast %add3A_268 : i32 to index
      %get3A_269 = tpu.vector_load %arg5[%get3A] {strides = array<i32>} : memref<8192xf32, #tpu.memory_space<vmem>>, vector<16xf32>,
      %get3A_270 = vector.shape_cast %get3A_269 : vector<16xf32> to vector<16xf32>
      %add3A_271 = arith.constant 0 : i32
      %add3A_272 = arith.addi %mul3A_266, %add3A_271 : i32
      %get3A_273 = arith.index_cast %add3A_272 : i32 to index
      %get3A_274 = tpu.vector_load %arg11[%get3A_273] {strides = array<i32>} : memref<8192xf32, #tpu.memory_space<vmem>>, vector<16xf32>,
      %get3A_275 = vector.shape_cast %get3A_274 : vector<16xf32> to vector<16xf32>
      %sub3A = arith.subf %get3A_275, %get3A_270 : vector<16xf32>
      %mul3A_276 = arith.mulf %sub3A, %sub3A : vector<16xf32>
      %add3A_277 = arith.addf %scan3A_264, %mul3A_276 : vector<16xf32>
      %add3A_278 = arith.constant 16 : i32
      %add3A_279 = arith.addi %mul3A_266, %add3A_278 : i32
      %get3A_280 = arith.index_cast %add3A_279 : i32 to index
      %get3A_281 = tpu.vector_load %arg5[%get3A_280] {strides = array<i32>} : memref<8192xf32, #tpu.memory_space<vmem>>, vector<16xf32>,
      %get3A_282 = vector.shape_cast %get3A_281 : vector<16xf32> to vector<16xf32>
      %add3A_283 = arith.constant 16 : i32
      %add3A_284 = arith.addi %mul3A_266, %add3A_283 : i32
      %get3A_285 = arith.index_cast %add3A_284 : i32 to index
      %get3A_286 = tpu.vector_load %arg11[%get3A_285] {strides = array<i32>} : memref<8192xf32, #tpu.memory_space<vmem>>, vector<16xf32>,
      %get3A_287 = vector.shape_cast %get3A_286 : vector<16xf32> to vector<16xf32>
      %sub3A_288 = arith.subf %get3A_287, %get3A_282 : vector<16xf32>
      %mul3A_289 = arith.mulf %sub3A_288, %sub3A_288 : vector<16xf32>
      %add3A_290 = arith.addf %add3A_277, %mul3A_289 : vector<16xf32>
      %add3A_291 = arith.constant 32 : i32
      %add3A_292 = arith.addi %mul3A_266, %add3A_291 : i32
      %get3A_293 = arith.index_cast %add3A_292 : i32 to index
      %get3A_294 = tpu.vector_load %arg5[%get3A_293] {strides = array<i32>} : memref<8192xf32, #tpu.memory_space<vmem>>, vector<16xf32>,
      %get3A_295 = vector.shape_cast %get3A_294 : vector<16xf32> to vector<16xf32>
      %add3A_296 = arith.constant 32 : i32
      %add3A_297 = arith.addi %mul3A_266, %add3A_296 : i32
      %get3A_298 = arith.index_cast %add3A_297 : i32 to index
      %get3A_299 = tpu.vector_load %arg11[%get3A_298] {strides = array<i32>} : memref<8192xf32, #tpu.memory_space<vmem>>, vector<16xf32>,
      %get3A_300 = vector.shape_cast %get3A_299 : vector<16xf32> to vector<16xf32>
      %sub3A_301 = arith.subf %get3A_300, %get3A_295 : vector<16xf32>
      %mul3A_302 = arith.mulf %sub3A_301, %sub3A_301 : vector<16xf32>
      %add3A_303 = arith.addf %add3A_290, %mul3A_302 : vector<16xf32>
      %add3A_304 = arith.constant 48 : i32
      %add3A_305 = arith.addi %mul3A_266, %add3A_304 : i32
      %get3A_306 = arith.index_cast %add3A_305 : i32 to index
      %get3A_307 = tpu.vector_load %arg5[%get3A_306] {strides = array<i32>} : memref<8192xf32, #tpu.memory_space<vmem>>, vector<16xf32>,
      %get3A_308 = vector.shape_cast %get3A_307 : vector<16xf32> to vector<16xf32>
      %add3A_309 = arith.constant 48 : i32
      %add3A_310 = arith.addi %mul3A_266, %add3A_309 : i32
      %get3A_311 = arith.index_cast %add3A_310 : i32 to index
      %get3A_312 = tpu.vector_load %arg11[%get3A_311] {strides = array<i32>} : memref<8192xf32, #tpu.memory_space<vmem>>, vector<16xf32>,
      %get3A_313 = vector.shape_cast %get3A_312 : vector<16xf32> to vector<16xf32>
      %sub3A_314 = arith.subf %get3A_313, %get3A_308 : vector<16xf32>
      %mul3A_315 = arith.mulf %sub3A_314, %sub3A_314 : vector<16xf32>
      %add3A_316 = arith.addf %add3A_303, %mul3A_315 : vector<16xf32>
      %add3A_317 = arith.constant 64 : i32
      %add3A_318 = arith.addi %mul3A_266, %add3A_317 : i32
      %get3A_319 = arith.index_cast %add3A_318 : i32 to index
      %get3A_320 = tpu.vector_load %arg5[%get3A_319] {strides = array<i32>} : memref<8192xf32, #tpu.memory_space<vmem>>, vector<16xf32>,
      %get3A_321 = vector.shape_cast %get3A_320 : vector<16xf32> to vector<16xf32>
      %add3A_322 = arith.constant 64 : i32
      %add3A_323 = arith.addi %mul3A_266, %add3A_322 : i32
      %get3A_324 = arith.index_cast %add3A_323 : i32 to index
      %get3A_325 = tpu.vector_load %arg11[%get3A_324] {strides = array<i32>} : memref<8192xf32, #tpu.memory_space<vmem>>, vector<16xf32>,
      %get3A_326 = vector.shape_cast %get3A_325 : vector<16xf32> to vector<16xf32>
      %sub3A_327 = arith.subf %get3A_326, %get3A_321 : vector<16xf32>
      %mul3A_328 = arith.mulf %sub3A_327, %sub3A_327 : vector<16xf32>
      %add3A_329 = arith.addf %add3A_316, %mul3A_328 : vector<16xf32>
      %add3A_330 = arith.constant 80 : i32
      %add3A_331 = arith.addi %mul3A_266, %add3A_330 : i32
      %get3A_332 = arith.index_cast %add3A_331 : i32 to index
      %get3A_333 = tpu.vector_load %arg5[%get3A_332] {strides = array<i32>} : memref<8192xf32, #tpu.memory_space<vmem>>, vector<16xf32>,
      %get3A_334 = vector.shape_cast %get3A_333 : vector<16xf32> to vector<16xf32>
      %add3A_335 = arith.constant 80 : i32
      %add3A_336 = arith.addi %mul3A_266, %add3A_335 : i32
      %get3A_337 = arith.index_cast %add3A_336 : i32 to index
      %get3A_338 = tpu.vector_load %arg11[%get3A_337] {strides = array<i32>} : memref<8192xf32, #tpu.memory_space<vmem>>, vector<16xf32>,
      %get3A_339 = vector.shape_cast %get3A_338 : vector<16xf32> to vector<16xf32>
      %sub3A_340 = arith.subf %get3A_339, %get3A_334 : vector<16xf32>
      %mul3A_341 = arith.mulf %sub3A_340, %sub3A_340 : vector<16xf32>
      %add3A_342 = arith.addf %add3A_329, %mul3A_341 : vector<16xf32>
      %add3A_343 = arith.constant 96 : i32
      %add3A_344 = arith.addi %mul3A_266, %add3A_343 : i32
      %get3A_345 = arith.index_cast %add3A_344 : i32 to index
      %get3A_346 = tpu.vector_load %arg5[%get3A_345] {strides = array<i32>} : memref<8192xf32, #tpu.memory_space<vmem>>, vector<16xf32>,
      %get3A_347 = vector.shape_cast %get3A_346 : vector<16xf32> to vector<16xf32>
      %add3A_348 = arith.constant 96 : i32
      %add3A_349 = arith.addi %mul3A_266, %add3A_348 : i32
      %get3A_350 = arith.index_cast %add3A_349 : i32 to index
      %get3A_351 = tpu.vector_load %arg11[%get3A_350] {strides = array<i32>} : memref<8192xf32, #tpu.memory_space<vmem>>, vector<16xf32>,
      %get3A_352 = vector.shape_cast %get3A_351 : vector<16xf32> to vector<16xf32>
      %sub3A_353 = arith.subf %get3A_352, %get3A_347 : vector<16xf32>
      %mul3A_354 = arith.mulf %sub3A_353, %sub3A_353 : vector<16xf32>
      %add3A_355 = arith.addf %add3A_342, %mul3A_354 : vector<16xf32>
      %add3A_356 = arith.constant 112 : i32
      %add3A_357 = arith.addi %mul3A_266, %add3A_356 : i32
      %get3A_358 = arith.index_cast %add3A_357 : i32 to index
      %get3A_359 = tpu.vector_load %arg5[%get3A_358] {strides = array<i32>} : memref<8192xf32, #tpu.memory_space<vmem>>, vector<16xf32>,
      %get3A_360 = vector.shape_cast %get3A_359 : vector<16xf32> to vector<16xf32>
      %add3A_361 = arith.constant 112 : i32
      %add3A_362 = arith.addi %mul3A_266, %add3A_361 : i32
      %get3A_363 = arith.index_cast %add3A_362 : i32 to index
      %get3A_364 = tpu.vector_load %arg11[%get3A_363] {strides = array<i32>} : memref<8192xf32, #tpu.memory_space<vmem>>, vector<16xf32>,
      %get3A_365 = vector.shape_cast %get3A_364 : vector<16xf32> to vector<16xf32>
      %sub3A_366 = arith.subf %get3A_365, %get3A_360 : vector<16xf32>
      %mul3A_367 = arith.mulf %sub3A_366, %sub3A_366 : vector<16xf32>
      %add3A_368 = arith.addf %add3A_355, %mul3A_367 : vector<16xf32>
      scf.yield %add3A_368 : vector<16xf32>
    }
    %scan3A_46 = arith.constant 64 : i32
    %add3A_47 = arith.constant 49152 : i32
    %add3A_48 = arith.addi %multiple_of3A, %add3A_47 : i32
    %dma_start3A_49 = tpu.memref_slice %arg2[%add3A_48] : memref<4194304xf32, #tpu.memory_space<hbm>> -> memref<8192xf32, #tpu.memory_space<hbm>>
    %dma_start3A_50 = tpu.memref_slice %arg2[%add3A_48] : memref<4194304xf32, #tpu.memory_space<hbm>> -> memref<8192xf32, #tpu.memory_space<hbm>>
    tpu.enqueue_dma source(%dma_start3A_50 : memref<8192xf32, #tpu.memory_space<hbm>>) target(%arg5 : memref<8192xf32, #tpu.memory_space<vmem>>) target_semaphore(%arg18 : memref<!tpu.dma_semaphore, #tpu.memory_space<semaphore_mem>>)
    %dma_start3A_51 = tpu.memref_slice %arg3[%add3A_48] : memref<4194304xf32, #tpu.memory_space<hbm>> -> memref<8192xf32, #tpu.memory_space<hbm>>
    %dma_start3A_52 = tpu.memref_slice %arg3[%add3A_48] : memref<4194304xf32, #tpu.memory_space<hbm>> -> memref<8192xf32, #tpu.memory_space<hbm>>
    tpu.enqueue_dma source(%dma_start3A_52 : memref<8192xf32, #tpu.memory_space<hbm>>) target(%arg11 : memref<8192xf32, #tpu.memory_space<vmem>>) target_semaphore(%arg18 : memref<!tpu.dma_semaphore, #tpu.memory_space<semaphore_mem>>)
    %dma_wait3A_53 = tpu.memref_slice %arg2[%add3A_9] : memref<4194304xf32, #tpu.memory_space<hbm>> -> memref<8192xf32, #tpu.memory_space<hbm>>
    %dma_wait3A_54 = tpu.memref_slice %arg2[%add3A_9] : memref<4194304xf32, #tpu.memory_space<hbm>> -> memref<8192xf32, #tpu.memory_space<hbm>>
    tpu.wait_dma2 semaphore(%arg19 : memref<!tpu.dma_semaphore, #tpu.memory_space<semaphore_mem>>) src(%dma_wait3A_54 : memref<8192xf32, #tpu.memory_space<hbm>>) dst(%arg6 : memref<8192xf32, #tpu.memory_space<vmem>>)
    %dma_wait3A_55 = tpu.memref_slice %arg3[%add3A_9] : memref<4194304xf32, #tpu.memory_space<hbm>> -> memref<8192xf32, #tpu.memory_space<hbm>>
    %dma_wait3A_56 = tpu.memref_slice %arg3[%add3A_9] : memref<4194304xf32, #tpu.memory_space<hbm>> -> memref<8192xf32, #tpu.memory_space<hbm>>
    tpu.wait_dma2 semaphore(%arg19 : memref<!tpu.dma_semaphore, #tpu.memory_space<semaphore_mem>>) src(%dma_wait3A_56 : memref<8192xf32, #tpu.memory_space<hbm>>) dst(%arg12 : memref<8192xf32, #tpu.memory_space<vmem>>)
    %scan3A_57 = arith.constant 0 : i32
    %scan3A_58 = arith.constant 64 : i32
    %scan3A_59 = arith.addi %scan3A_57, %scan3A_58 : i32
    %scan3A_60 = arith.constant 1 : i32
    %scan3A_61 = scf.for %scan3A_263 = %scan3A_57 to %scan3A_59 step %scan3A_60 iter_args(%scan3A_264 = %scan3A_45) -> (vector<16xf32>)  : i32 {
      %mul3A_265 = arith.constant 128 : i32
      %mul3A_266 = arith.muli %scan3A_263, %mul3A_265 : i32
      %add3A_267 = arith.constant 0 : i32
      %add3A_268 = arith.addi %mul3A_266, %add3A_267 : i32
      %get3A = arith.index_cast %add3A_268 : i32 to index
      %get3A_269 = tpu.vector_load %arg6[%get3A] {strides = array<i32>} : memref<8192xf32, #tpu.memory_space<vmem>>, vector<16xf32>,
      %get3A_270 = vector.shape_cast %get3A_269 : vector<16xf32> to vector<16xf32>
      %add3A_271 = arith.constant 0 : i32
      %add3A_272 = arith.addi %mul3A_266, %add3A_271 : i32
      %get3A_273 = arith.index_cast %add3A_272 : i32 to index
      %get3A_274 = tpu.vector_load %arg12[%get3A_273] {strides = array<i32>} : memref<8192xf32, #tpu.memory_space<vmem>>, vector<16xf32>,
      %get3A_275 = vector.shape_cast %get3A_274 : vector<16xf32> to vector<16xf32>
      %sub3A = arith.subf %get3A_275, %get3A_270 : vector<16xf32>
      %mul3A_276 = arith.mulf %sub3A, %sub3A : vector<16xf32>
      %add3A_277 = arith.addf %scan3A_264, %mul3A_276 : vector<16xf32>
      %add3A_278 = arith.constant 16 : i32
      %add3A_279 = arith.addi %mul3A_266, %add3A_278 : i32
      %get3A_280 = arith.index_cast %add3A_279 : i32 to index
      %get3A_281 = tpu.vector_load %arg6[%get3A_280] {strides = array<i32>} : memref<8192xf32, #tpu.memory_space<vmem>>, vector<16xf32>,
      %get3A_282 = vector.shape_cast %get3A_281 : vector<16xf32> to vector<16xf32>
      %add3A_283 = arith.constant 16 : i32
      %add3A_284 = arith.addi %mul3A_266, %add3A_283 : i32
      %get3A_285 = arith.index_cast %add3A_284 : i32 to index
      %get3A_286 = tpu.vector_load %arg12[%get3A_285] {strides = array<i32>} : memref<8192xf32, #tpu.memory_space<vmem>>, vector<16xf32>,
      %get3A_287 = vector.shape_cast %get3A_286 : vector<16xf32> to vector<16xf32>
      %sub3A_288 = arith.subf %get3A_287, %get3A_282 : vector<16xf32>
      %mul3A_289 = arith.mulf %sub3A_288, %sub3A_288 : vector<16xf32>
      %add3A_290 = arith.addf %add3A_277, %mul3A_289 : vector<16xf32>
      %add3A_291 = arith.constant 32 : i32
      %add3A_292 = arith.addi %mul3A_266, %add3A_291 : i32
      %get3A_293 = arith.index_cast %add3A_292 : i32 to index
      %get3A_294 = tpu.vector_load %arg6[%get3A_293] {strides = array<i32>} : memref<8192xf32, #tpu.memory_space<vmem>>, vector<16xf32>,
      %get3A_295 = vector.shape_cast %get3A_294 : vector<16xf32> to vector<16xf32>
      %add3A_296 = arith.constant 32 : i32
      %add3A_297 = arith.addi %mul3A_266, %add3A_296 : i32
      %get3A_298 = arith.index_cast %add3A_297 : i32 to index
      %get3A_299 = tpu.vector_load %arg12[%get3A_298] {strides = array<i32>} : memref<8192xf32, #tpu.memory_space<vmem>>, vector<16xf32>,
      %get3A_300 = vector.shape_cast %get3A_299 : vector<16xf32> to vector<16xf32>
      %sub3A_301 = arith.subf %get3A_300, %get3A_295 : vector<16xf32>
      %mul3A_302 = arith.mulf %sub3A_301, %sub3A_301 : vector<16xf32>
      %add3A_303 = arith.addf %add3A_290, %mul3A_302 : vector<16xf32>
      %add3A_304 = arith.constant 48 : i32
      %add3A_305 = arith.addi %mul3A_266, %add3A_304 : i32
      %get3A_306 = arith.index_cast %add3A_305 : i32 to index
      %get3A_307 = tpu.vector_load %arg6[%get3A_306] {strides = array<i32>} : memref<8192xf32, #tpu.memory_space<vmem>>, vector<16xf32>,
      %get3A_308 = vector.shape_cast %get3A_307 : vector<16xf32> to vector<16xf32>
      %add3A_309 = arith.constant 48 : i32
      %add3A_310 = arith.addi %mul3A_266, %add3A_309 : i32
      %get3A_311 = arith.index_cast %add3A_310 : i32 to index
      %get3A_312 = tpu.vector_load %arg12[%get3A_311] {strides = array<i32>} : memref<8192xf32, #tpu.memory_space<vmem>>, vector<16xf32>,
      %get3A_313 = vector.shape_cast %get3A_312 : vector<16xf32> to vector<16xf32>
      %sub3A_314 = arith.subf %get3A_313, %get3A_308 : vector<16xf32>
      %mul3A_315 = arith.mulf %sub3A_314, %sub3A_314 : vector<16xf32>
      %add3A_316 = arith.addf %add3A_303, %mul3A_315 : vector<16xf32>
      %add3A_317 = arith.constant 64 : i32
      %add3A_318 = arith.addi %mul3A_266, %add3A_317 : i32
      %get3A_319 = arith.index_cast %add3A_318 : i32 to index
      %get3A_320 = tpu.vector_load %arg6[%get3A_319] {strides = array<i32>} : memref<8192xf32, #tpu.memory_space<vmem>>, vector<16xf32>,
      %get3A_321 = vector.shape_cast %get3A_320 : vector<16xf32> to vector<16xf32>
      %add3A_322 = arith.constant 64 : i32
      %add3A_323 = arith.addi %mul3A_266, %add3A_322 : i32
      %get3A_324 = arith.index_cast %add3A_323 : i32 to index
      %get3A_325 = tpu.vector_load %arg12[%get3A_324] {strides = array<i32>} : memref<8192xf32, #tpu.memory_space<vmem>>, vector<16xf32>,
      %get3A_326 = vector.shape_cast %get3A_325 : vector<16xf32> to vector<16xf32>
      %sub3A_327 = arith.subf %get3A_326, %get3A_321 : vector<16xf32>
      %mul3A_328 = arith.mulf %sub3A_327, %sub3A_327 : vector<16xf32>
      %add3A_329 = arith.addf %add3A_316, %mul3A_328 : vector<16xf32>
      %add3A_330 = arith.constant 80 : i32
      %add3A_331 = arith.addi %mul3A_266, %add3A_330 : i32
      %get3A_332 = arith.index_cast %add3A_331 : i32 to index
      %get3A_333 = tpu.vector_load %arg6[%get3A_332] {strides = array<i32>} : memref<8192xf32, #tpu.memory_space<vmem>>, vector<16xf32>,
      %get3A_334 = vector.shape_cast %get3A_333 : vector<16xf32> to vector<16xf32>
      %add3A_335 = arith.constant 80 : i32
      %add3A_336 = arith.addi %mul3A_266, %add3A_335 : i32
      %get3A_337 = arith.index_cast %add3A_336 : i32 to index
      %get3A_338 = tpu.vector_load %arg12[%get3A_337] {strides = array<i32>} : memref<8192xf32, #tpu.memory_space<vmem>>, vector<16xf32>,
      %get3A_339 = vector.shape_cast %get3A_338 : vector<16xf32> to vector<16xf32>
      %sub3A_340 = arith.subf %get3A_339, %get3A_334 : vector<16xf32>
      %mul3A_341 = arith.mulf %sub3A_340, %sub3A_340 : vector<16xf32>
      %add3A_342 = arith.addf %add3A_329, %mul3A_341 : vector<16xf32>
      %add3A_343 = arith.constant 96 : i32
      %add3A_344 = arith.addi %mul3A_266, %add3A_343 : i32
      %get3A_345 = arith.index_cast %add3A_344 : i32 to index
      %get3A_346 = tpu.vector_load %arg6[%get3A_345] {strides = array<i32>} : memref<8192xf32, #tpu.memory_space<vmem>>, vector<16xf32>,
      %get3A_347 = vector.shape_cast %get3A_346 : vector<16xf32> to vector<16xf32>
      %add3A_348 = arith.constant 96 : i32
      %add3A_349 = arith.addi %mul3A_266, %add3A_348 : i32
      %get3A_350 = arith.index_cast %add3A_349 : i32 to index
      %get3A_351 = tpu.vector_load %arg12[%get3A_350] {strides = array<i32>} : memref<8192xf32, #tpu.memory_space<vmem>>, vector<16xf32>,
      %get3A_352 = vector.shape_cast %get3A_351 : vector<16xf32> to vector<16xf32>
      %sub3A_353 = arith.subf %get3A_352, %get3A_347 : vector<16xf32>
      %mul3A_354 = arith.mulf %sub3A_353, %sub3A_353 : vector<16xf32>
      %add3A_355 = arith.addf %add3A_342, %mul3A_354 : vector<16xf32>
      %add3A_356 = arith.constant 112 : i32
      %add3A_357 = arith.addi %mul3A_266, %add3A_356 : i32
      %get3A_358 = arith.index_cast %add3A_357 : i32 to index
      %get3A_359 = tpu.vector_load %arg6[%get3A_358] {strides = array<i32>} : memref<8192xf32, #tpu.memory_space<vmem>>, vector<16xf32>,
      %get3A_360 = vector.shape_cast %get3A_359 : vector<16xf32> to vector<16xf32>
      %add3A_361 = arith.constant 112 : i32
      %add3A_362 = arith.addi %mul3A_266, %add3A_361 : i32
      %get3A_363 = arith.index_cast %add3A_362 : i32 to index
      %get3A_364 = tpu.vector_load %arg12[%get3A_363] {strides = array<i32>} : memref<8192xf32, #tpu.memory_space<vmem>>, vector<16xf32>,
      %get3A_365 = vector.shape_cast %get3A_364 : vector<16xf32> to vector<16xf32>
      %sub3A_366 = arith.subf %get3A_365, %get3A_360 : vector<16xf32>
      %mul3A_367 = arith.mulf %sub3A_366, %sub3A_366 : vector<16xf32>
      %add3A_368 = arith.addf %add3A_355, %mul3A_367 : vector<16xf32>
      scf.yield %add3A_368 : vector<16xf32>
    }
    %scan3A_62 = arith.constant 64 : i32
    %add3A_63 = arith.constant 57344 : i32
    %add3A_64 = arith.addi %multiple_of3A, %add3A_63 : i32
    %dma_start3A_65 = tpu.memref_slice %arg2[%add3A_64] : memref<4194304xf32, #tpu.memory_space<hbm>> -> memref<8192xf32, #tpu.memory_space<hbm>>
    %dma_start3A_66 = tpu.memref_slice %arg2[%add3A_64] : memref<4194304xf32, #tpu.memory_space<hbm>> -> memref<8192xf32, #tpu.memory_space<hbm>>
    tpu.enqueue_dma source(%dma_start3A_66 : memref<8192xf32, #tpu.memory_space<hbm>>) target(%arg6 : memref<8192xf32, #tpu.memory_space<vmem>>) target_semaphore(%arg19 : memref<!tpu.dma_semaphore, #tpu.memory_space<semaphore_mem>>)
    %dma_start3A_67 = tpu.memref_slice %arg3[%add3A_64] : memref<4194304xf32, #tpu.memory_space<hbm>> -> memref<8192xf32, #tpu.memory_space<hbm>>
    %dma_start3A_68 = tpu.memref_slice %arg3[%add3A_64] : memref<4194304xf32, #tpu.memory_space<hbm>> -> memref<8192xf32, #tpu.memory_space<hbm>>
    tpu.enqueue_dma source(%dma_start3A_68 : memref<8192xf32, #tpu.memory_space<hbm>>) target(%arg12 : memref<8192xf32, #tpu.memory_space<vmem>>) target_semaphore(%arg19 : memref<!tpu.dma_semaphore, #tpu.memory_space<semaphore_mem>>)
    %dma_wait3A_69 = tpu.memref_slice %arg2[%add3A_15] : memref<4194304xf32, #tpu.memory_space<hbm>> -> memref<8192xf32, #tpu.memory_space<hbm>>
    %dma_wait3A_70 = tpu.memref_slice %arg2[%add3A_15] : memref<4194304xf32, #tpu.memory_space<hbm>> -> memref<8192xf32, #tpu.memory_space<hbm>>
    tpu.wait_dma2 semaphore(%arg20 : memref<!tpu.dma_semaphore, #tpu.memory_space<semaphore_mem>>) src(%dma_wait3A_70 : memref<8192xf32, #tpu.memory_space<hbm>>) dst(%arg7 : memref<8192xf32, #tpu.memory_space<vmem>>)
    %dma_wait3A_71 = tpu.memref_slice %arg3[%add3A_15] : memref<4194304xf32, #tpu.memory_space<hbm>> -> memref<8192xf32, #tpu.memory_space<hbm>>
    %dma_wait3A_72 = tpu.memref_slice %arg3[%add3A_15] : memref<4194304xf32, #tpu.memory_space<hbm>> -> memref<8192xf32, #tpu.memory_space<hbm>>
    tpu.wait_dma2 semaphore(%arg20 : memref<!tpu.dma_semaphore, #tpu.memory_space<semaphore_mem>>) src(%dma_wait3A_72 : memref<8192xf32, #tpu.memory_space<hbm>>) dst(%arg13 : memref<8192xf32, #tpu.memory_space<vmem>>)
    %scan3A_73 = arith.constant 0 : i32
    %scan3A_74 = arith.constant 64 : i32
    %scan3A_75 = arith.addi %scan3A_73, %scan3A_74 : i32
    %scan3A_76 = arith.constant 1 : i32
    %scan3A_77 = scf.for %scan3A_263 = %scan3A_73 to %scan3A_75 step %scan3A_76 iter_args(%scan3A_264 = %scan3A_61) -> (vector<16xf32>)  : i32 {
      %mul3A_265 = arith.constant 128 : i32
      %mul3A_266 = arith.muli %scan3A_263, %mul3A_265 : i32
      %add3A_267 = arith.constant 0 : i32
      %add3A_268 = arith.addi %mul3A_266, %add3A_267 : i32
      %get3A = arith.index_cast %add3A_268 : i32 to index
      %get3A_269 = tpu.vector_load %arg7[%get3A] {strides = array<i32>} : memref<8192xf32, #tpu.memory_space<vmem>>, vector<16xf32>,
      %get3A_270 = vector.shape_cast %get3A_269 : vector<16xf32> to vector<16xf32>
      %add3A_271 = arith.constant 0 : i32
      %add3A_272 = arith.addi %mul3A_266, %add3A_271 : i32
      %get3A_273 = arith.index_cast %add3A_272 : i32 to index
      %get3A_274 = tpu.vector_load %arg13[%get3A_273] {strides = array<i32>} : memref<8192xf32, #tpu.memory_space<vmem>>, vector<16xf32>,
      %get3A_275 = vector.shape_cast %get3A_274 : vector<16xf32> to vector<16xf32>
      %sub3A = arith.subf %get3A_275, %get3A_270 : vector<16xf32>
      %mul3A_276 = arith.mulf %sub3A, %sub3A : vector<16xf32>
      %add3A_277 = arith.addf %scan3A_264, %mul3A_276 : vector<16xf32>
      %add3A_278 = arith.constant 16 : i32
      %add3A_279 = arith.addi %mul3A_266, %add3A_278 : i32
      %get3A_280 = arith.index_cast %add3A_279 : i32 to index
      %get3A_281 = tpu.vector_load %arg7[%get3A_280] {strides = array<i32>} : memref<8192xf32, #tpu.memory_space<vmem>>, vector<16xf32>,
      %get3A_282 = vector.shape_cast %get3A_281 : vector<16xf32> to vector<16xf32>
      %add3A_283 = arith.constant 16 : i32
      %add3A_284 = arith.addi %mul3A_266, %add3A_283 : i32
      %get3A_285 = arith.index_cast %add3A_284 : i32 to index
      %get3A_286 = tpu.vector_load %arg13[%get3A_285] {strides = array<i32>} : memref<8192xf32, #tpu.memory_space<vmem>>, vector<16xf32>,
      %get3A_287 = vector.shape_cast %get3A_286 : vector<16xf32> to vector<16xf32>
      %sub3A_288 = arith.subf %get3A_287, %get3A_282 : vector<16xf32>
      %mul3A_289 = arith.mulf %sub3A_288, %sub3A_288 : vector<16xf32>
      %add3A_290 = arith.addf %add3A_277, %mul3A_289 : vector<16xf32>
      %add3A_291 = arith.constant 32 : i32
      %add3A_292 = arith.addi %mul3A_266, %add3A_291 : i32
      %get3A_293 = arith.index_cast %add3A_292 : i32 to index
      %get3A_294 = tpu.vector_load %arg7[%get3A_293] {strides = array<i32>} : memref<8192xf32, #tpu.memory_space<vmem>>, vector<16xf32>,
      %get3A_295 = vector.shape_cast %get3A_294 : vector<16xf32> to vector<16xf32>
      %add3A_296 = arith.constant 32 : i32
      %add3A_297 = arith.addi %mul3A_266, %add3A_296 : i32
      %get3A_298 = arith.index_cast %add3A_297 : i32 to index
      %get3A_299 = tpu.vector_load %arg13[%get3A_298] {strides = array<i32>} : memref<8192xf32, #tpu.memory_space<vmem>>, vector<16xf32>,
      %get3A_300 = vector.shape_cast %get3A_299 : vector<16xf32> to vector<16xf32>
      %sub3A_301 = arith.subf %get3A_300, %get3A_295 : vector<16xf32>
      %mul3A_302 = arith.mulf %sub3A_301, %sub3A_301 : vector<16xf32>
      %add3A_303 = arith.addf %add3A_290, %mul3A_302 : vector<16xf32>
      %add3A_304 = arith.constant 48 : i32
      %add3A_305 = arith.addi %mul3A_266, %add3A_304 : i32
      %get3A_306 = arith.index_cast %add3A_305 : i32 to index
      %get3A_307 = tpu.vector_load %arg7[%get3A_306] {strides = array<i32>} : memref<8192xf32, #tpu.memory_space<vmem>>, vector<16xf32>,
      %get3A_308 = vector.shape_cast %get3A_307 : vector<16xf32> to vector<16xf32>
      %add3A_309 = arith.constant 48 : i32
      %add3A_310 = arith.addi %mul3A_266, %add3A_309 : i32
      %get3A_311 = arith.index_cast %add3A_310 : i32 to index
      %get3A_312 = tpu.vector_load %arg13[%get3A_311] {strides = array<i32>} : memref<8192xf32, #tpu.memory_space<vmem>>, vector<16xf32>,
      %get3A_313 = vector.shape_cast %get3A_312 : vector<16xf32> to vector<16xf32>
      %sub3A_314 = arith.subf %get3A_313, %get3A_308 : vector<16xf32>
      %mul3A_315 = arith.mulf %sub3A_314, %sub3A_314 : vector<16xf32>
      %add3A_316 = arith.addf %add3A_303, %mul3A_315 : vector<16xf32>
      %add3A_317 = arith.constant 64 : i32
      %add3A_318 = arith.addi %mul3A_266, %add3A_317 : i32
      %get3A_319 = arith.index_cast %add3A_318 : i32 to index
      %get3A_320 = tpu.vector_load %arg7[%get3A_319] {strides = array<i32>} : memref<8192xf32, #tpu.memory_space<vmem>>, vector<16xf32>,
      %get3A_321 = vector.shape_cast %get3A_320 : vector<16xf32> to vector<16xf32>
      %add3A_322 = arith.constant 64 : i32
      %add3A_323 = arith.addi %mul3A_266, %add3A_322 : i32
      %get3A_324 = arith.index_cast %add3A_323 : i32 to index
      %get3A_325 = tpu.vector_load %arg13[%get3A_324] {strides = array<i32>} : memref<8192xf32, #tpu.memory_space<vmem>>, vector<16xf32>,
      %get3A_326 = vector.shape_cast %get3A_325 : vector<16xf32> to vector<16xf32>
      %sub3A_327 = arith.subf %get3A_326, %get3A_321 : vector<16xf32>
      %mul3A_328 = arith.mulf %sub3A_327, %sub3A_327 : vector<16xf32>
      %add3A_329 = arith.addf %add3A_316, %mul3A_328 : vector<16xf32>
      %add3A_330 = arith.constant 80 : i32
      %add3A_331 = arith.addi %mul3A_266, %add3A_330 : i32
      %get3A_332 = arith.index_cast %add3A_331 : i32 to index
      %get3A_333 = tpu.vector_load %arg7[%get3A_332] {strides = array<i32>} : memref<8192xf32, #tpu.memory_space<vmem>>, vector<16xf32>,
      %get3A_334 = vector.shape_cast %get3A_333 : vector<16xf32> to vector<16xf32>
      %add3A_335 = arith.constant 80 : i32
      %add3A_336 = arith.addi %mul3A_266, %add3A_335 : i32
      %get3A_337 = arith.index_cast %add3A_336 : i32 to index
      %get3A_338 = tpu.vector_load %arg13[%get3A_337] {strides = array<i32>} : memref<8192xf32, #tpu.memory_space<vmem>>, vector<16xf32>,
      %get3A_339 = vector.shape_cast %get3A_338 : vector<16xf32> to vector<16xf32>
      %sub3A_340 = arith.subf %get3A_339, %get3A_334 : vector<16xf32>
      %mul3A_341 = arith.mulf %sub3A_340, %sub3A_340 : vector<16xf32>
      %add3A_342 = arith.addf %add3A_329, %mul3A_341 : vector<16xf32>
      %add3A_343 = arith.constant 96 : i32
      %add3A_344 = arith.addi %mul3A_266, %add3A_343 : i32
      %get3A_345 = arith.index_cast %add3A_344 : i32 to index
      %get3A_346 = tpu.vector_load %arg7[%get3A_345] {strides = array<i32>} : memref<8192xf32, #tpu.memory_space<vmem>>, vector<16xf32>,
      %get3A_347 = vector.shape_cast %get3A_346 : vector<16xf32> to vector<16xf32>
      %add3A_348 = arith.constant 96 : i32
      %add3A_349 = arith.addi %mul3A_266, %add3A_348 : i32
      %get3A_350 = arith.index_cast %add3A_349 : i32 to index
      %get3A_351 = tpu.vector_load %arg13[%get3A_350] {strides = array<i32>} : memref<8192xf32, #tpu.memory_space<vmem>>, vector<16xf32>,
      %get3A_352 = vector.shape_cast %get3A_351 : vector<16xf32> to vector<16xf32>
      %sub3A_353 = arith.subf %get3A_352, %get3A_347 : vector<16xf32>
      %mul3A_354 = arith.mulf %sub3A_353, %sub3A_353 : vector<16xf32>
      %add3A_355 = arith.addf %add3A_342, %mul3A_354 : vector<16xf32>
      %add3A_356 = arith.constant 112 : i32
      %add3A_357 = arith.addi %mul3A_266, %add3A_356 : i32
      %get3A_358 = arith.index_cast %add3A_357 : i32 to index
      %get3A_359 = tpu.vector_load %arg7[%get3A_358] {strides = array<i32>} : memref<8192xf32, #tpu.memory_space<vmem>>, vector<16xf32>,
      %get3A_360 = vector.shape_cast %get3A_359 : vector<16xf32> to vector<16xf32>
      %add3A_361 = arith.constant 112 : i32
      %add3A_362 = arith.addi %mul3A_266, %add3A_361 : i32
      %get3A_363 = arith.index_cast %add3A_362 : i32 to index
      %get3A_364 = tpu.vector_load %arg13[%get3A_363] {strides = array<i32>} : memref<8192xf32, #tpu.memory_space<vmem>>, vector<16xf32>,
      %get3A_365 = vector.shape_cast %get3A_364 : vector<16xf32> to vector<16xf32>
      %sub3A_366 = arith.subf %get3A_365, %get3A_360 : vector<16xf32>
      %mul3A_367 = arith.mulf %sub3A_366, %sub3A_366 : vector<16xf32>
      %add3A_368 = arith.addf %add3A_355, %mul3A_367 : vector<16xf32>
      scf.yield %add3A_368 : vector<16xf32>
    }
    %scan3A_78 = arith.constant 64 : i32
    %add3A_79 = arith.constant 65536 : i32
    %add3A_80 = arith.addi %multiple_of3A, %add3A_79 : i32
    %dma_start3A_81 = tpu.memref_slice %arg2[%add3A_80] : memref<4194304xf32, #tpu.memory_space<hbm>> -> memref<8192xf32, #tpu.memory_space<hbm>>
    %dma_start3A_82 = tpu.memref_slice %arg2[%add3A_80] : memref<4194304xf32, #tpu.memory_space<hbm>> -> memref<8192xf32, #tpu.memory_space<hbm>>
    tpu.enqueue_dma source(%dma_start3A_82 : memref<8192xf32, #tpu.memory_space<hbm>>) target(%arg7 : memref<8192xf32, #tpu.memory_space<vmem>>) target_semaphore(%arg20 : memref<!tpu.dma_semaphore, #tpu.memory_space<semaphore_mem>>)
    %dma_start3A_83 = tpu.memref_slice %arg3[%add3A_80] : memref<4194304xf32, #tpu.memory_space<hbm>> -> memref<8192xf32, #tpu.memory_space<hbm>>
    %dma_start3A_84 = tpu.memref_slice %arg3[%add3A_80] : memref<4194304xf32, #tpu.memory_space<hbm>> -> memref<8192xf32, #tpu.memory_space<hbm>>
    tpu.enqueue_dma source(%dma_start3A_84 : memref<8192xf32, #tpu.memory_space<hbm>>) target(%arg13 : memref<8192xf32, #tpu.memory_space<vmem>>) target_semaphore(%arg20 : memref<!tpu.dma_semaphore, #tpu.memory_space<semaphore_mem>>)
    %dma_wait3A_85 = tpu.memref_slice %arg2[%add3A_21] : memref<4194304xf32, #tpu.memory_space<hbm>> -> memref<8192xf32, #tpu.memory_space<hbm>>
    %dma_wait3A_86 = tpu.memref_slice %arg2[%add3A_21] : memref<4194304xf32, #tpu.memory_space<hbm>> -> memref<8192xf32, #tpu.memory_space<hbm>>
    tpu.wait_dma2 semaphore(%arg21 : memref<!tpu.dma_semaphore, #tpu.memory_space<semaphore_mem>>) src(%dma_wait3A_86 : memref<8192xf32, #tpu.memory_space<hbm>>) dst(%arg8 : memref<8192xf32, #tpu.memory_space<vmem>>)
    %dma_wait3A_87 = tpu.memref_slice %arg3[%add3A_21] : memref<4194304xf32, #tpu.memory_space<hbm>> -> memref<8192xf32, #tpu.memory_space<hbm>>
    %dma_wait3A_88 = tpu.memref_slice %arg3[%add3A_21] : memref<4194304xf32, #tpu.memory_space<hbm>> -> memref<8192xf32, #tpu.memory_space<hbm>>
    tpu.wait_dma2 semaphore(%arg21 : memref<!tpu.dma_semaphore, #tpu.memory_space<semaphore_mem>>) src(%dma_wait3A_88 : memref<8192xf32, #tpu.memory_space<hbm>>) dst(%arg14 : memref<8192xf32, #tpu.memory_space<vmem>>)
    %scan3A_89 = arith.constant 0 : i32
    %scan3A_90 = arith.constant 64 : i32
    %scan3A_91 = arith.addi %scan3A_89, %scan3A_90 : i32
    %scan3A_92 = arith.constant 1 : i32
    %scan3A_93 = scf.for %scan3A_263 = %scan3A_89 to %scan3A_91 step %scan3A_92 iter_args(%scan3A_264 = %scan3A_77) -> (vector<16xf32>)  : i32 {
      %mul3A_265 = arith.constant 128 : i32
      %mul3A_266 = arith.muli %scan3A_263, %mul3A_265 : i32
      %add3A_267 = arith.constant 0 : i32
      %add3A_268 = arith.addi %mul3A_266, %add3A_267 : i32
      %get3A = arith.index_cast %add3A_268 : i32 to index
      %get3A_269 = tpu.vector_load %arg8[%get3A] {strides = array<i32>} : memref<8192xf32, #tpu.memory_space<vmem>>, vector<16xf32>,
      %get3A_270 = vector.shape_cast %get3A_269 : vector<16xf32> to vector<16xf32>
      %add3A_271 = arith.constant 0 : i32
      %add3A_272 = arith.addi %mul3A_266, %add3A_271 : i32
      %get3A_273 = arith.index_cast %add3A_272 : i32 to index
      %get3A_274 = tpu.vector_load %arg14[%get3A_273] {strides = array<i32>} : memref<8192xf32, #tpu.memory_space<vmem>>, vector<16xf32>,
      %get3A_275 = vector.shape_cast %get3A_274 : vector<16xf32> to vector<16xf32>
      %sub3A = arith.subf %get3A_275, %get3A_270 : vector<16xf32>
      %mul3A_276 = arith.mulf %sub3A, %sub3A : vector<16xf32>
      %add3A_277 = arith.addf %scan3A_264, %mul3A_276 : vector<16xf32>
      %add3A_278 = arith.constant 16 : i32
      %add3A_279 = arith.addi %mul3A_266, %add3A_278 : i32
      %get3A_280 = arith.index_cast %add3A_279 : i32 to index
      %get3A_281 = tpu.vector_load %arg8[%get3A_280] {strides = array<i32>} : memref<8192xf32, #tpu.memory_space<vmem>>, vector<16xf32>,
      %get3A_282 = vector.shape_cast %get3A_281 : vector<16xf32> to vector<16xf32>
      %add3A_283 = arith.constant 16 : i32
      %add3A_284 = arith.addi %mul3A_266, %add3A_283 : i32
      %get3A_285 = arith.index_cast %add3A_284 : i32 to index
      %get3A_286 = tpu.vector_load %arg14[%get3A_285] {strides = array<i32>} : memref<8192xf32, #tpu.memory_space<vmem>>, vector<16xf32>,
      %get3A_287 = vector.shape_cast %get3A_286 : vector<16xf32> to vector<16xf32>
      %sub3A_288 = arith.subf %get3A_287, %get3A_282 : vector<16xf32>
      %mul3A_289 = arith.mulf %sub3A_288, %sub3A_288 : vector<16xf32>
      %add3A_290 = arith.addf %add3A_277, %mul3A_289 : vector<16xf32>
      %add3A_291 = arith.constant 32 : i32
      %add3A_292 = arith.addi %mul3A_266, %add3A_291 : i32
      %get3A_293 = arith.index_cast %add3A_292 : i32 to index
      %get3A_294 = tpu.vector_load %arg8[%get3A_293] {strides = array<i32>} : memref<8192xf32, #tpu.memory_space<vmem>>, vector<16xf32>,
      %get3A_295 = vector.shape_cast %get3A_294 : vector<16xf32> to vector<16xf32>
      %add3A_296 = arith.constant 32 : i32
      %add3A_297 = arith.addi %mul3A_266, %add3A_296 : i32
      %get3A_298 = arith.index_cast %add3A_297 : i32 to index
      %get3A_299 = tpu.vector_load %arg14[%get3A_298] {strides = array<i32>} : memref<8192xf32, #tpu.memory_space<vmem>>, vector<16xf32>,
      %get3A_300 = vector.shape_cast %get3A_299 : vector<16xf32> to vector<16xf32>
      %sub3A_301 = arith.subf %get3A_300, %get3A_295 : vector<16xf32>
      %mul3A_302 = arith.mulf %sub3A_301, %sub3A_301 : vector<16xf32>
      %add3A_303 = arith.addf %add3A_290, %mul3A_302 : vector<16xf32>
      %add3A_304 = arith.constant 48 : i32
      %add3A_305 = arith.addi %mul3A_266, %add3A_304 : i32
      %get3A_306 = arith.index_cast %add3A_305 : i32 to index
      %get3A_307 = tpu.vector_load %arg8[%get3A_306] {strides = array<i32>} : memref<8192xf32, #tpu.memory_space<vmem>>, vector<16xf32>,
      %get3A_308 = vector.shape_cast %get3A_307 : vector<16xf32> to vector<16xf32>
      %add3A_309 = arith.constant 48 : i32
      %add3A_310 = arith.addi %mul3A_266, %add3A_309 : i32
      %get3A_311 = arith.index_cast %add3A_310 : i32 to index
      %get3A_312 = tpu.vector_load %arg14[%get3A_311] {strides = array<i32>} : memref<8192xf32, #tpu.memory_space<vmem>>, vector<16xf32>,
      %get3A_313 = vector.shape_cast %get3A_312 : vector<16xf32> to vector<16xf32>
      %sub3A_314 = arith.subf %get3A_313, %get3A_308 : vector<16xf32>
      %mul3A_315 = arith.mulf %sub3A_314, %sub3A_314 : vector<16xf32>
      %add3A_316 = arith.addf %add3A_303, %mul3A_315 : vector<16xf32>
      %add3A_317 = arith.constant 64 : i32
      %add3A_318 = arith.addi %mul3A_266, %add3A_317 : i32
      %get3A_319 = arith.index_cast %add3A_318 : i32 to index
      %get3A_320 = tpu.vector_load %arg8[%get3A_319] {strides = array<i32>} : memref<8192xf32, #tpu.memory_space<vmem>>, vector<16xf32>,
      %get3A_321 = vector.shape_cast %get3A_320 : vector<16xf32> to vector<16xf32>
      %add3A_322 = arith.constant 64 : i32
      %add3A_323 = arith.addi %mul3A_266, %add3A_322 : i32
      %get3A_324 = arith.index_cast %add3A_323 : i32 to index
      %get3A_325 = tpu.vector_load %arg14[%get3A_324] {strides = array<i32>} : memref<8192xf32, #tpu.memory_space<vmem>>, vector<16xf32>,
      %get3A_326 = vector.shape_cast %get3A_325 : vector<16xf32> to vector<16xf32>
      %sub3A_327 = arith.subf %get3A_326, %get3A_321 : vector<16xf32>
      %mul3A_328 = arith.mulf %sub3A_327, %sub3A_327 : vector<16xf32>
      %add3A_329 = arith.addf %add3A_316, %mul3A_328 : vector<16xf32>
      %add3A_330 = arith.constant 80 : i32
      %add3A_331 = arith.addi %mul3A_266, %add3A_330 : i32
      %get3A_332 = arith.index_cast %add3A_331 : i32 to index
      %get3A_333 = tpu.vector_load %arg8[%get3A_332] {strides = array<i32>} : memref<8192xf32, #tpu.memory_space<vmem>>, vector<16xf32>,
      %get3A_334 = vector.shape_cast %get3A_333 : vector<16xf32> to vector<16xf32>
      %add3A_335 = arith.constant 80 : i32
      %add3A_336 = arith.addi %mul3A_266, %add3A_335 : i32
      %get3A_337 = arith.index_cast %add3A_336 : i32 to index
      %get3A_338 = tpu.vector_load %arg14[%get3A_337] {strides = array<i32>} : memref<8192xf32, #tpu.memory_space<vmem>>, vector<16xf32>,
      %get3A_339 = vector.shape_cast %get3A_338 : vector<16xf32> to vector<16xf32>
      %sub3A_340 = arith.subf %get3A_339, %get3A_334 : vector<16xf32>
      %mul3A_341 = arith.mulf %sub3A_340, %sub3A_340 : vector<16xf32>
      %add3A_342 = arith.addf %add3A_329, %mul3A_341 : vector<16xf32>
      %add3A_343 = arith.constant 96 : i32
      %add3A_344 = arith.addi %mul3A_266, %add3A_343 : i32
      %get3A_345 = arith.index_cast %add3A_344 : i32 to index
      %get3A_346 = tpu.vector_load %arg8[%get3A_345] {strides = array<i32>} : memref<8192xf32, #tpu.memory_space<vmem>>, vector<16xf32>,
      %get3A_347 = vector.shape_cast %get3A_346 : vector<16xf32> to vector<16xf32>
      %add3A_348 = arith.constant 96 : i32
      %add3A_349 = arith.addi %mul3A_266, %add3A_348 : i32
      %get3A_350 = arith.index_cast %add3A_349 : i32 to index
      %get3A_351 = tpu.vector_load %arg14[%get3A_350] {strides = array<i32>} : memref<8192xf32, #tpu.memory_space<vmem>>, vector<16xf32>,
      %get3A_352 = vector.shape_cast %get3A_351 : vector<16xf32> to vector<16xf32>
      %sub3A_353 = arith.subf %get3A_352, %get3A_347 : vector<16xf32>
      %mul3A_354 = arith.mulf %sub3A_353, %sub3A_353 : vector<16xf32>
      %add3A_355 = arith.addf %add3A_342, %mul3A_354 : vector<16xf32>
      %add3A_356 = arith.constant 112 : i32
      %add3A_357 = arith.addi %mul3A_266, %add3A_356 : i32
      %get3A_358 = arith.index_cast %add3A_357 : i32 to index
      %get3A_359 = tpu.vector_load %arg8[%get3A_358] {strides = array<i32>} : memref<8192xf32, #tpu.memory_space<vmem>>, vector<16xf32>,
      %get3A_360 = vector.shape_cast %get3A_359 : vector<16xf32> to vector<16xf32>
      %add3A_361 = arith.constant 112 : i32
      %add3A_362 = arith.addi %mul3A_266, %add3A_361 : i32
      %get3A_363 = arith.index_cast %add3A_362 : i32 to index
      %get3A_364 = tpu.vector_load %arg14[%get3A_363] {strides = array<i32>} : memref<8192xf32, #tpu.memory_space<vmem>>, vector<16xf32>,
      %get3A_365 = vector.shape_cast %get3A_364 : vector<16xf32> to vector<16xf32>
      %sub3A_366 = arith.subf %get3A_365, %get3A_360 : vector<16xf32>
      %mul3A_367 = arith.mulf %sub3A_366, %sub3A_366 : vector<16xf32>
      %add3A_368 = arith.addf %add3A_355, %mul3A_367 : vector<16xf32>
      scf.yield %add3A_368 : vector<16xf32>
    }
    %scan3A_94 = arith.constant 64 : i32
    %add3A_95 = arith.constant 73728 : i32
    %add3A_96 = arith.addi %multiple_of3A, %add3A_95 : i32
    %dma_start3A_97 = tpu.memref_slice %arg2[%add3A_96] : memref<4194304xf32, #tpu.memory_space<hbm>> -> memref<8192xf32, #tpu.memory_space<hbm>>
    %dma_start3A_98 = tpu.memref_slice %arg2[%add3A_96] : memref<4194304xf32, #tpu.memory_space<hbm>> -> memref<8192xf32, #tpu.memory_space<hbm>>
    tpu.enqueue_dma source(%dma_start3A_98 : memref<8192xf32, #tpu.memory_space<hbm>>) target(%arg8 : memref<8192xf32, #tpu.memory_space<vmem>>) target_semaphore(%arg21 : memref<!tpu.dma_semaphore, #tpu.memory_space<semaphore_mem>>)
    %dma_start3A_99 = tpu.memref_slice %arg3[%add3A_96] : memref<4194304xf32, #tpu.memory_space<hbm>> -> memref<8192xf32, #tpu.memory_space<hbm>>
    %dma_start3A_100 = tpu.memref_slice %arg3[%add3A_96] : memref<4194304xf32, #tpu.memory_space<hbm>> -> memref<8192xf32, #tpu.memory_space<hbm>>
    tpu.enqueue_dma source(%dma_start3A_100 : memref<8192xf32, #tpu.memory_space<hbm>>) target(%arg14 : memref<8192xf32, #tpu.memory_space<vmem>>) target_semaphore(%arg21 : memref<!tpu.dma_semaphore, #tpu.memory_space<semaphore_mem>>)
    %dma_wait3A_101 = tpu.memref_slice %arg2[%add3A_27] : memref<4194304xf32, #tpu.memory_space<hbm>> -> memref<8192xf32, #tpu.memory_space<hbm>>
    %dma_wait3A_102 = tpu.memref_slice %arg2[%add3A_27] : memref<4194304xf32, #tpu.memory_space<hbm>> -> memref<8192xf32, #tpu.memory_space<hbm>>
    tpu.wait_dma2 semaphore(%arg22 : memref<!tpu.dma_semaphore, #tpu.memory_space<semaphore_mem>>) src(%dma_wait3A_102 : memref<8192xf32, #tpu.memory_space<hbm>>) dst(%arg9 : memref<8192xf32, #tpu.memory_space<vmem>>)
    %dma_wait3A_103 = tpu.memref_slice %arg3[%add3A_27] : memref<4194304xf32, #tpu.memory_space<hbm>> -> memref<8192xf32, #tpu.memory_space<hbm>>
    %dma_wait3A_104 = tpu.memref_slice %arg3[%add3A_27] : memref<4194304xf32, #tpu.memory_space<hbm>> -> memref<8192xf32, #tpu.memory_space<hbm>>
    tpu.wait_dma2 semaphore(%arg22 : memref<!tpu.dma_semaphore, #tpu.memory_space<semaphore_mem>>) src(%dma_wait3A_104 : memref<8192xf32, #tpu.memory_space<hbm>>) dst(%arg15 : memref<8192xf32, #tpu.memory_space<vmem>>)
    %scan3A_105 = arith.constant 0 : i32
    %scan3A_106 = arith.constant 64 : i32
    %scan3A_107 = arith.addi %scan3A_105, %scan3A_106 : i32
    %scan3A_108 = arith.constant 1 : i32
    %scan3A_109 = scf.for %scan3A_263 = %scan3A_105 to %scan3A_107 step %scan3A_108 iter_args(%scan3A_264 = %scan3A_93) -> (vector<16xf32>)  : i32 {
      %mul3A_265 = arith.constant 128 : i32
      %mul3A_266 = arith.muli %scan3A_263, %mul3A_265 : i32
      %add3A_267 = arith.constant 0 : i32
      %add3A_268 = arith.addi %mul3A_266, %add3A_267 : i32
      %get3A = arith.index_cast %add3A_268 : i32 to index
      %get3A_269 = tpu.vector_load %arg9[%get3A] {strides = array<i32>} : memref<8192xf32, #tpu.memory_space<vmem>>, vector<16xf32>,
      %get3A_270 = vector.shape_cast %get3A_269 : vector<16xf32> to vector<16xf32>
      %add3A_271 = arith.constant 0 : i32
      %add3A_272 = arith.addi %mul3A_266, %add3A_271 : i32
      %get3A_273 = arith.index_cast %add3A_272 : i32 to index
      %get3A_274 = tpu.vector_load %arg15[%get3A_273] {strides = array<i32>} : memref<8192xf32, #tpu.memory_space<vmem>>, vector<16xf32>,
      %get3A_275 = vector.shape_cast %get3A_274 : vector<16xf32> to vector<16xf32>
      %sub3A = arith.subf %get3A_275, %get3A_270 : vector<16xf32>
      %mul3A_276 = arith.mulf %sub3A, %sub3A : vector<16xf32>
      %add3A_277 = arith.addf %scan3A_264, %mul3A_276 : vector<16xf32>
      %add3A_278 = arith.constant 16 : i32
      %add3A_279 = arith.addi %mul3A_266, %add3A_278 : i32
      %get3A_280 = arith.index_cast %add3A_279 : i32 to index
      %get3A_281 = tpu.vector_load %arg9[%get3A_280] {strides = array<i32>} : memref<8192xf32, #tpu.memory_space<vmem>>, vector<16xf32>,
      %get3A_282 = vector.shape_cast %get3A_281 : vector<16xf32> to vector<16xf32>
      %add3A_283 = arith.constant 16 : i32
      %add3A_284 = arith.addi %mul3A_266, %add3A_283 : i32
      %get3A_285 = arith.index_cast %add3A_284 : i32 to index
      %get3A_286 = tpu.vector_load %arg15[%get3A_285] {strides = array<i32>} : memref<8192xf32, #tpu.memory_space<vmem>>, vector<16xf32>,
      %get3A_287 = vector.shape_cast %get3A_286 : vector<16xf32> to vector<16xf32>
      %sub3A_288 = arith.subf %get3A_287, %get3A_282 : vector<16xf32>
      %mul3A_289 = arith.mulf %sub3A_288, %sub3A_288 : vector<16xf32>
      %add3A_290 = arith.addf %add3A_277, %mul3A_289 : vector<16xf32>
      %add3A_291 = arith.constant 32 : i32
      %add3A_292 = arith.addi %mul3A_266, %add3A_291 : i32
      %get3A_293 = arith.index_cast %add3A_292 : i32 to index
      %get3A_294 = tpu.vector_load %arg9[%get3A_293] {strides = array<i32>} : memref<8192xf32, #tpu.memory_space<vmem>>, vector<16xf32>,
      %get3A_295 = vector.shape_cast %get3A_294 : vector<16xf32> to vector<16xf32>
      %add3A_296 = arith.constant 32 : i32
      %add3A_297 = arith.addi %mul3A_266, %add3A_296 : i32
      %get3A_298 = arith.index_cast %add3A_297 : i32 to index
      %get3A_299 = tpu.vector_load %arg15[%get3A_298] {strides = array<i32>} : memref<8192xf32, #tpu.memory_space<vmem>>, vector<16xf32>,
      %get3A_300 = vector.shape_cast %get3A_299 : vector<16xf32> to vector<16xf32>
      %sub3A_301 = arith.subf %get3A_300, %get3A_295 : vector<16xf32>
      %mul3A_302 = arith.mulf %sub3A_301, %sub3A_301 : vector<16xf32>
      %add3A_303 = arith.addf %add3A_290, %mul3A_302 : vector<16xf32>
      %add3A_304 = arith.constant 48 : i32
      %add3A_305 = arith.addi %mul3A_266, %add3A_304 : i32
      %get3A_306 = arith.index_cast %add3A_305 : i32 to index
      %get3A_307 = tpu.vector_load %arg9[%get3A_306] {strides = array<i32>} : memref<8192xf32, #tpu.memory_space<vmem>>, vector<16xf32>,
      %get3A_308 = vector.shape_cast %get3A_307 : vector<16xf32> to vector<16xf32>
      %add3A_309 = arith.constant 48 : i32
      %add3A_310 = arith.addi %mul3A_266, %add3A_309 : i32
      %get3A_311 = arith.index_cast %add3A_310 : i32 to index
      %get3A_312 = tpu.vector_load %arg15[%get3A_311] {strides = array<i32>} : memref<8192xf32, #tpu.memory_space<vmem>>, vector<16xf32>,
      %get3A_313 = vector.shape_cast %get3A_312 : vector<16xf32> to vector<16xf32>
      %sub3A_314 = arith.subf %get3A_313, %get3A_308 : vector<16xf32>
      %mul3A_315 = arith.mulf %sub3A_314, %sub3A_314 : vector<16xf32>
      %add3A_316 = arith.addf %add3A_303, %mul3A_315 : vector<16xf32>
      %add3A_317 = arith.constant 64 : i32
      %add3A_318 = arith.addi %mul3A_266, %add3A_317 : i32
      %get3A_319 = arith.index_cast %add3A_318 : i32 to index
      %get3A_320 = tpu.vector_load %arg9[%get3A_319] {strides = array<i32>} : memref<8192xf32, #tpu.memory_space<vmem>>, vector<16xf32>,
      %get3A_321 = vector.shape_cast %get3A_320 : vector<16xf32> to vector<16xf32>
      %add3A_322 = arith.constant 64 : i32
      %add3A_323 = arith.addi %mul3A_266, %add3A_322 : i32
      %get3A_324 = arith.index_cast %add3A_323 : i32 to index
      %get3A_325 = tpu.vector_load %arg15[%get3A_324] {strides = array<i32>} : memref<8192xf32, #tpu.memory_space<vmem>>, vector<16xf32>,
      %get3A_326 = vector.shape_cast %get3A_325 : vector<16xf32> to vector<16xf32>
      %sub3A_327 = arith.subf %get3A_326, %get3A_321 : vector<16xf32>
      %mul3A_328 = arith.mulf %sub3A_327, %sub3A_327 : vector<16xf32>
      %add3A_329 = arith.addf %add3A_316, %mul3A_328 : vector<16xf32>
      %add3A_330 = arith.constant 80 : i32
      %add3A_331 = arith.addi %mul3A_266, %add3A_330 : i32
      %get3A_332 = arith.index_cast %add3A_331 : i32 to index
      %get3A_333 = tpu.vector_load %arg9[%get3A_332] {strides = array<i32>} : memref<8192xf32, #tpu.memory_space<vmem>>, vector<16xf32>,
      %get3A_334 = vector.shape_cast %get3A_333 : vector<16xf32> to vector<16xf32>
      %add3A_335 = arith.constant 80 : i32
      %add3A_336 = arith.addi %mul3A_266, %add3A_335 : i32
      %get3A_337 = arith.index_cast %add3A_336 : i32 to index
      %get3A_338 = tpu.vector_load %arg15[%get3A_337] {strides = array<i32>} : memref<8192xf32, #tpu.memory_space<vmem>>, vector<16xf32>,
      %get3A_339 = vector.shape_cast %get3A_338 : vector<16xf32> to vector<16xf32>
      %sub3A_340 = arith.subf %get3A_339, %get3A_334 : vector<16xf32>
      %mul3A_341 = arith.mulf %sub3A_340, %sub3A_340 : vector<16xf32>
      %add3A_342 = arith.addf %add3A_329, %mul3A_341 : vector<16xf32>
      %add3A_343 = arith.constant 96 : i32
      %add3A_344 = arith.addi %mul3A_266, %add3A_343 : i32
      %get3A_345 = arith.index_cast %add3A_344 : i32 to index
      %get3A_346 = tpu.vector_load %arg9[%get3A_345] {strides = array<i32>} : memref<8192xf32, #tpu.memory_space<vmem>>, vector<16xf32>,
      %get3A_347 = vector.shape_cast %get3A_346 : vector<16xf32> to vector<16xf32>
      %add3A_348 = arith.constant 96 : i32
      %add3A_349 = arith.addi %mul3A_266, %add3A_348 : i32
      %get3A_350 = arith.index_cast %add3A_349 : i32 to index
      %get3A_351 = tpu.vector_load %arg15[%get3A_350] {strides = array<i32>} : memref<8192xf32, #tpu.memory_space<vmem>>, vector<16xf32>,
      %get3A_352 = vector.shape_cast %get3A_351 : vector<16xf32> to vector<16xf32>
      %sub3A_353 = arith.subf %get3A_352, %get3A_347 : vector<16xf32>
      %mul3A_354 = arith.mulf %sub3A_353, %sub3A_353 : vector<16xf32>
      %add3A_355 = arith.addf %add3A_342, %mul3A_354 : vector<16xf32>
      %add3A_356 = arith.constant 112 : i32
      %add3A_357 = arith.addi %mul3A_266, %add3A_356 : i32
      %get3A_358 = arith.index_cast %add3A_357 : i32 to index
      %get3A_359 = tpu.vector_load %arg9[%get3A_358] {strides = array<i32>} : memref<8192xf32, #tpu.memory_space<vmem>>, vector<16xf32>,
      %get3A_360 = vector.shape_cast %get3A_359 : vector<16xf32> to vector<16xf32>
      %add3A_361 = arith.constant 112 : i32
      %add3A_362 = arith.addi %mul3A_266, %add3A_361 : i32
      %get3A_363 = arith.index_cast %add3A_362 : i32 to index
      %get3A_364 = tpu.vector_load %arg15[%get3A_363] {strides = array<i32>} : memref<8192xf32, #tpu.memory_space<vmem>>, vector<16xf32>,
      %get3A_365 = vector.shape_cast %get3A_364 : vector<16xf32> to vector<16xf32>
      %sub3A_366 = arith.subf %get3A_365, %get3A_360 : vector<16xf32>
      %mul3A_367 = arith.mulf %sub3A_366, %sub3A_366 : vector<16xf32>
      %add3A_368 = arith.addf %add3A_355, %mul3A_367 : vector<16xf32>
      scf.yield %add3A_368 : vector<16xf32>
    }
    %scan3A_110 = arith.constant 64 : i32
    %add3A_111 = arith.constant 81920 : i32
    %add3A_112 = arith.addi %multiple_of3A, %add3A_111 : i32
    %dma_start3A_113 = tpu.memref_slice %arg2[%add3A_112] : memref<4194304xf32, #tpu.memory_space<hbm>> -> memref<8192xf32, #tpu.memory_space<hbm>>
    %dma_start3A_114 = tpu.memref_slice %arg2[%add3A_112] : memref<4194304xf32, #tpu.memory_space<hbm>> -> memref<8192xf32, #tpu.memory_space<hbm>>
    tpu.enqueue_dma source(%dma_start3A_114 : memref<8192xf32, #tpu.memory_space<hbm>>) target(%arg9 : memref<8192xf32, #tpu.memory_space<vmem>>) target_semaphore(%arg22 : memref<!tpu.dma_semaphore, #tpu.memory_space<semaphore_mem>>)
    %dma_start3A_115 = tpu.memref_slice %arg3[%add3A_112] : memref<4194304xf32, #tpu.memory_space<hbm>> -> memref<8192xf32, #tpu.memory_space<hbm>>
    %dma_start3A_116 = tpu.memref_slice %arg3[%add3A_112] : memref<4194304xf32, #tpu.memory_space<hbm>> -> memref<8192xf32, #tpu.memory_space<hbm>>
    tpu.enqueue_dma source(%dma_start3A_116 : memref<8192xf32, #tpu.memory_space<hbm>>) target(%arg15 : memref<8192xf32, #tpu.memory_space<vmem>>) target_semaphore(%arg22 : memref<!tpu.dma_semaphore, #tpu.memory_space<semaphore_mem>>)
    %dma_wait3A_117 = tpu.memref_slice %arg2[%add3A_34] : memref<4194304xf32, #tpu.memory_space<hbm>> -> memref<8192xf32, #tpu.memory_space<hbm>>
    %dma_wait3A_118 = tpu.memref_slice %arg2[%add3A_34] : memref<4194304xf32, #tpu.memory_space<hbm>> -> memref<8192xf32, #tpu.memory_space<hbm>>
    tpu.wait_dma2 semaphore(%arg23 : memref<!tpu.dma_semaphore, #tpu.memory_space<semaphore_mem>>) src(%dma_wait3A_118 : memref<8192xf32, #tpu.memory_space<hbm>>) dst(%arg10 : memref<8192xf32, #tpu.memory_space<vmem>>)
    %dma_wait3A_119 = tpu.memref_slice %arg3[%add3A_34] : memref<4194304xf32, #tpu.memory_space<hbm>> -> memref<8192xf32, #tpu.memory_space<hbm>>
    %dma_wait3A_120 = tpu.memref_slice %arg3[%add3A_34] : memref<4194304xf32, #tpu.memory_space<hbm>> -> memref<8192xf32, #tpu.memory_space<hbm>>
    tpu.wait_dma2 semaphore(%arg23 : memref<!tpu.dma_semaphore, #tpu.memory_space<semaphore_mem>>) src(%dma_wait3A_120 : memref<8192xf32, #tpu.memory_space<hbm>>) dst(%arg16 : memref<8192xf32, #tpu.memory_space<vmem>>)
    %scan3A_121 = arith.constant 0 : i32
    %scan3A_122 = arith.constant 64 : i32
    %scan3A_123 = arith.addi %scan3A_121, %scan3A_122 : i32
    %scan3A_124 = arith.constant 1 : i32
    %scan3A_125 = scf.for %scan3A_263 = %scan3A_121 to %scan3A_123 step %scan3A_124 iter_args(%scan3A_264 = %scan3A_109) -> (vector<16xf32>)  : i32 {
      %mul3A_265 = arith.constant 128 : i32
      %mul3A_266 = arith.muli %scan3A_263, %mul3A_265 : i32
      %add3A_267 = arith.constant 0 : i32
      %add3A_268 = arith.addi %mul3A_266, %add3A_267 : i32
      %get3A = arith.index_cast %add3A_268 : i32 to index
      %get3A_269 = tpu.vector_load %arg10[%get3A] {strides = array<i32>} : memref<8192xf32, #tpu.memory_space<vmem>>, vector<16xf32>,
      %get3A_270 = vector.shape_cast %get3A_269 : vector<16xf32> to vector<16xf32>
      %add3A_271 = arith.constant 0 : i32
      %add3A_272 = arith.addi %mul3A_266, %add3A_271 : i32
      %get3A_273 = arith.index_cast %add3A_272 : i32 to index
      %get3A_274 = tpu.vector_load %arg16[%get3A_273] {strides = array<i32>} : memref<8192xf32, #tpu.memory_space<vmem>>, vector<16xf32>,
      %get3A_275 = vector.shape_cast %get3A_274 : vector<16xf32> to vector<16xf32>
      %sub3A = arith.subf %get3A_275, %get3A_270 : vector<16xf32>
      %mul3A_276 = arith.mulf %sub3A, %sub3A : vector<16xf32>
      %add3A_277 = arith.addf %scan3A_264, %mul3A_276 : vector<16xf32>
      %add3A_278 = arith.constant 16 : i32
      %add3A_279 = arith.addi %mul3A_266, %add3A_278 : i32
      %get3A_280 = arith.index_cast %add3A_279 : i32 to index
      %get3A_281 = tpu.vector_load %arg10[%get3A_280] {strides = array<i32>} : memref<8192xf32, #tpu.memory_space<vmem>>, vector<16xf32>,
      %get3A_282 = vector.shape_cast %get3A_281 : vector<16xf32> to vector<16xf32>
      %add3A_283 = arith.constant 16 : i32
      %add3A_284 = arith.addi %mul3A_266, %add3A_283 : i32
      %get3A_285 = arith.index_cast %add3A_284 : i32 to index
      %get3A_286 = tpu.vector_load %arg16[%get3A_285] {strides = array<i32>} : memref<8192xf32, #tpu.memory_space<vmem>>, vector<16xf32>,
      %get3A_287 = vector.shape_cast %get3A_286 : vector<16xf32> to vector<16xf32>
      %sub3A_288 = arith.subf %get3A_287, %get3A_282 : vector<16xf32>
      %mul3A_289 = arith.mulf %sub3A_288, %sub3A_288 : vector<16xf32>
      %add3A_290 = arith.addf %add3A_277, %mul3A_289 : vector<16xf32>
      %add3A_291 = arith.constant 32 : i32
      %add3A_292 = arith.addi %mul3A_266, %add3A_291 : i32
      %get3A_293 = arith.index_cast %add3A_292 : i32 to index
      %get3A_294 = tpu.vector_load %arg10[%get3A_293] {strides = array<i32>} : memref<8192xf32, #tpu.memory_space<vmem>>, vector<16xf32>,
      %get3A_295 = vector.shape_cast %get3A_294 : vector<16xf32> to vector<16xf32>
      %add3A_296 = arith.constant 32 : i32
      %add3A_297 = arith.addi %mul3A_266, %add3A_296 : i32
      %get3A_298 = arith.index_cast %add3A_297 : i32 to index
      %get3A_299 = tpu.vector_load %arg16[%get3A_298] {strides = array<i32>} : memref<8192xf32, #tpu.memory_space<vmem>>, vector<16xf32>,
      %get3A_300 = vector.shape_cast %get3A_299 : vector<16xf32> to vector<16xf32>
      %sub3A_301 = arith.subf %get3A_300, %get3A_295 : vector<16xf32>
      %mul3A_302 = arith.mulf %sub3A_301, %sub3A_301 : vector<16xf32>
      %add3A_303 = arith.addf %add3A_290, %mul3A_302 : vector<16xf32>
      %add3A_304 = arith.constant 48 : i32
      %add3A_305 = arith.addi %mul3A_266, %add3A_304 : i32
      %get3A_306 = arith.index_cast %add3A_305 : i32 to index
      %get3A_307 = tpu.vector_load %arg10[%get3A_306] {strides = array<i32>} : memref<8192xf32, #tpu.memory_space<vmem>>, vector<16xf32>,
      %get3A_308 = vector.shape_cast %get3A_307 : vector<16xf32> to vector<16xf32>
      %add3A_309 = arith.constant 48 : i32
      %add3A_310 = arith.addi %mul3A_266, %add3A_309 : i32
      %get3A_311 = arith.index_cast %add3A_310 : i32 to index
      %get3A_312 = tpu.vector_load %arg16[%get3A_311] {strides = array<i32>} : memref<8192xf32, #tpu.memory_space<vmem>>, vector<16xf32>,
      %get3A_313 = vector.shape_cast %get3A_312 : vector<16xf32> to vector<16xf32>
      %sub3A_314 = arith.subf %get3A_313, %get3A_308 : vector<16xf32>
      %mul3A_315 = arith.mulf %sub3A_314, %sub3A_314 : vector<16xf32>
      %add3A_316 = arith.addf %add3A_303, %mul3A_315 : vector<16xf32>
      %add3A_317 = arith.constant 64 : i32
      %add3A_318 = arith.addi %mul3A_266, %add3A_317 : i32
      %get3A_319 = arith.index_cast %add3A_318 : i32 to index
      %get3A_320 = tpu.vector_load %arg10[%get3A_319] {strides = array<i32>} : memref<8192xf32, #tpu.memory_space<vmem>>, vector<16xf32>,
      %get3A_321 = vector.shape_cast %get3A_320 : vector<16xf32> to vector<16xf32>
      %add3A_322 = arith.constant 64 : i32
      %add3A_323 = arith.addi %mul3A_266, %add3A_322 : i32
      %get3A_324 = arith.index_cast %add3A_323 : i32 to index
      %get3A_325 = tpu.vector_load %arg16[%get3A_324] {strides = array<i32>} : memref<8192xf32, #tpu.memory_space<vmem>>, vector<16xf32>,
      %get3A_326 = vector.shape_cast %get3A_325 : vector<16xf32> to vector<16xf32>
      %sub3A_327 = arith.subf %get3A_326, %get3A_321 : vector<16xf32>
      %mul3A_328 = arith.mulf %sub3A_327, %sub3A_327 : vector<16xf32>
      %add3A_329 = arith.addf %add3A_316, %mul3A_328 : vector<16xf32>
      %add3A_330 = arith.constant 80 : i32
      %add3A_331 = arith.addi %mul3A_266, %add3A_330 : i32
      %get3A_332 = arith.index_cast %add3A_331 : i32 to index
      %get3A_333 = tpu.vector_load %arg10[%get3A_332] {strides = array<i32>} : memref<8192xf32, #tpu.memory_space<vmem>>, vector<16xf32>,
      %get3A_334 = vector.shape_cast %get3A_333 : vector<16xf32> to vector<16xf32>
      %add3A_335 = arith.constant 80 : i32
      %add3A_336 = arith.addi %mul3A_266, %add3A_335 : i32
      %get3A_337 = arith.index_cast %add3A_336 : i32 to index
      %get3A_338 = tpu.vector_load %arg16[%get3A_337] {strides = array<i32>} : memref<8192xf32, #tpu.memory_space<vmem>>, vector<16xf32>,
      %get3A_339 = vector.shape_cast %get3A_338 : vector<16xf32> to vector<16xf32>
      %sub3A_340 = arith.subf %get3A_339, %get3A_334 : vector<16xf32>
      %mul3A_341 = arith.mulf %sub3A_340, %sub3A_340 : vector<16xf32>
      %add3A_342 = arith.addf %add3A_329, %mul3A_341 : vector<16xf32>
      %add3A_343 = arith.constant 96 : i32
      %add3A_344 = arith.addi %mul3A_266, %add3A_343 : i32
      %get3A_345 = arith.index_cast %add3A_344 : i32 to index
      %get3A_346 = tpu.vector_load %arg10[%get3A_345] {strides = array<i32>} : memref<8192xf32, #tpu.memory_space<vmem>>, vector<16xf32>,
      %get3A_347 = vector.shape_cast %get3A_346 : vector<16xf32> to vector<16xf32>
      %add3A_348 = arith.constant 96 : i32
      %add3A_349 = arith.addi %mul3A_266, %add3A_348 : i32
      %get3A_350 = arith.index_cast %add3A_349 : i32 to index
      %get3A_351 = tpu.vector_load %arg16[%get3A_350] {strides = array<i32>} : memref<8192xf32, #tpu.memory_space<vmem>>, vector<16xf32>,
      %get3A_352 = vector.shape_cast %get3A_351 : vector<16xf32> to vector<16xf32>
      %sub3A_353 = arith.subf %get3A_352, %get3A_347 : vector<16xf32>
      %mul3A_354 = arith.mulf %sub3A_353, %sub3A_353 : vector<16xf32>
      %add3A_355 = arith.addf %add3A_342, %mul3A_354 : vector<16xf32>
      %add3A_356 = arith.constant 112 : i32
      %add3A_357 = arith.addi %mul3A_266, %add3A_356 : i32
      %get3A_358 = arith.index_cast %add3A_357 : i32 to index
      %get3A_359 = tpu.vector_load %arg10[%get3A_358] {strides = array<i32>} : memref<8192xf32, #tpu.memory_space<vmem>>, vector<16xf32>,
      %get3A_360 = vector.shape_cast %get3A_359 : vector<16xf32> to vector<16xf32>
      %add3A_361 = arith.constant 112 : i32
      %add3A_362 = arith.addi %mul3A_266, %add3A_361 : i32
      %get3A_363 = arith.index_cast %add3A_362 : i32 to index
      %get3A_364 = tpu.vector_load %arg16[%get3A_363] {strides = array<i32>} : memref<8192xf32, #tpu.memory_space<vmem>>, vector<16xf32>,
      %get3A_365 = vector.shape_cast %get3A_364 : vector<16xf32> to vector<16xf32>
      %sub3A_366 = arith.subf %get3A_365, %get3A_360 : vector<16xf32>
      %mul3A_367 = arith.mulf %sub3A_366, %sub3A_366 : vector<16xf32>
      %add3A_368 = arith.addf %add3A_355, %mul3A_367 : vector<16xf32>
      scf.yield %add3A_368 : vector<16xf32>
    }
    %scan3A_126 = arith.constant 64 : i32
    %add3A_127 = arith.constant 90112 : i32
    %add3A_128 = arith.addi %multiple_of3A, %add3A_127 : i32
    %dma_start3A_129 = tpu.memref_slice %arg2[%add3A_128] : memref<4194304xf32, #tpu.memory_space<hbm>> -> memref<8192xf32, #tpu.memory_space<hbm>>
    %dma_start3A_130 = tpu.memref_slice %arg2[%add3A_128] : memref<4194304xf32, #tpu.memory_space<hbm>> -> memref<8192xf32, #tpu.memory_space<hbm>>
    tpu.enqueue_dma source(%dma_start3A_130 : memref<8192xf32, #tpu.memory_space<hbm>>) target(%arg10 : memref<8192xf32, #tpu.memory_space<vmem>>) target_semaphore(%arg23 : memref<!tpu.dma_semaphore, #tpu.memory_space<semaphore_mem>>)
    %dma_start3A_131 = tpu.memref_slice %arg3[%add3A_128] : memref<4194304xf32, #tpu.memory_space<hbm>> -> memref<8192xf32, #tpu.memory_space<hbm>>
    %dma_start3A_132 = tpu.memref_slice %arg3[%add3A_128] : memref<4194304xf32, #tpu.memory_space<hbm>> -> memref<8192xf32, #tpu.memory_space<hbm>>
    tpu.enqueue_dma source(%dma_start3A_132 : memref<8192xf32, #tpu.memory_space<hbm>>) target(%arg16 : memref<8192xf32, #tpu.memory_space<vmem>>) target_semaphore(%arg23 : memref<!tpu.dma_semaphore, #tpu.memory_space<semaphore_mem>>)
    %dma_wait3A_133 = tpu.memref_slice %arg2[%add3A_48] : memref<4194304xf32, #tpu.memory_space<hbm>> -> memref<8192xf32, #tpu.memory_space<hbm>>
    %dma_wait3A_134 = tpu.memref_slice %arg2[%add3A_48] : memref<4194304xf32, #tpu.memory_space<hbm>> -> memref<8192xf32, #tpu.memory_space<hbm>>
    tpu.wait_dma2 semaphore(%arg18 : memref<!tpu.dma_semaphore, #tpu.memory_space<semaphore_mem>>) src(%dma_wait3A_134 : memref<8192xf32, #tpu.memory_space<hbm>>) dst(%arg5 : memref<8192xf32, #tpu.memory_space<vmem>>)
    %dma_wait3A_135 = tpu.memref_slice %arg3[%add3A_48] : memref<4194304xf32, #tpu.memory_space<hbm>> -> memref<8192xf32, #tpu.memory_space<hbm>>
    %dma_wait3A_136 = tpu.memref_slice %arg3[%add3A_48] : memref<4194304xf32, #tpu.memory_space<hbm>> -> memref<8192xf32, #tpu.memory_space<hbm>>
    tpu.wait_dma2 semaphore(%arg18 : memref<!tpu.dma_semaphore, #tpu.memory_space<semaphore_mem>>) src(%dma_wait3A_136 : memref<8192xf32, #tpu.memory_space<hbm>>) dst(%arg11 : memref<8192xf32, #tpu.memory_space<vmem>>)
    %scan3A_137 = arith.constant 0 : i32
    %scan3A_138 = arith.constant 64 : i32
    %scan3A_139 = arith.addi %scan3A_137, %scan3A_138 : i32
    %scan3A_140 = arith.constant 1 : i32
    %scan3A_141 = scf.for %scan3A_263 = %scan3A_137 to %scan3A_139 step %scan3A_140 iter_args(%scan3A_264 = %scan3A_125) -> (vector<16xf32>)  : i32 {
      %mul3A_265 = arith.constant 128 : i32
      %mul3A_266 = arith.muli %scan3A_263, %mul3A_265 : i32
      %add3A_267 = arith.constant 0 : i32
      %add3A_268 = arith.addi %mul3A_266, %add3A_267 : i32
      %get3A = arith.index_cast %add3A_268 : i32 to index
      %get3A_269 = tpu.vector_load %arg5[%get3A] {strides = array<i32>} : memref<8192xf32, #tpu.memory_space<vmem>>, vector<16xf32>,
      %get3A_270 = vector.shape_cast %get3A_269 : vector<16xf32> to vector<16xf32>
      %add3A_271 = arith.constant 0 : i32
      %add3A_272 = arith.addi %mul3A_266, %add3A_271 : i32
      %get3A_273 = arith.index_cast %add3A_272 : i32 to index
      %get3A_274 = tpu.vector_load %arg11[%get3A_273] {strides = array<i32>} : memref<8192xf32, #tpu.memory_space<vmem>>, vector<16xf32>,
      %get3A_275 = vector.shape_cast %get3A_274 : vector<16xf32> to vector<16xf32>
      %sub3A = arith.subf %get3A_275, %get3A_270 : vector<16xf32>
      %mul3A_276 = arith.mulf %sub3A, %sub3A : vector<16xf32>
      %add3A_277 = arith.addf %scan3A_264, %mul3A_276 : vector<16xf32>
      %add3A_278 = arith.constant 16 : i32
      %add3A_279 = arith.addi %mul3A_266, %add3A_278 : i32
      %get3A_280 = arith.index_cast %add3A_279 : i32 to index
      %get3A_281 = tpu.vector_load %arg5[%get3A_280] {strides = array<i32>} : memref<8192xf32, #tpu.memory_space<vmem>>, vector<16xf32>,
      %get3A_282 = vector.shape_cast %get3A_281 : vector<16xf32> to vector<16xf32>
      %add3A_283 = arith.constant 16 : i32
      %add3A_284 = arith.addi %mul3A_266, %add3A_283 : i32
      %get3A_285 = arith.index_cast %add3A_284 : i32 to index
      %get3A_286 = tpu.vector_load %arg11[%get3A_285] {strides = array<i32>} : memref<8192xf32, #tpu.memory_space<vmem>>, vector<16xf32>,
      %get3A_287 = vector.shape_cast %get3A_286 : vector<16xf32> to vector<16xf32>
      %sub3A_288 = arith.subf %get3A_287, %get3A_282 : vector<16xf32>
      %mul3A_289 = arith.mulf %sub3A_288, %sub3A_288 : vector<16xf32>
      %add3A_290 = arith.addf %add3A_277, %mul3A_289 : vector<16xf32>
      %add3A_291 = arith.constant 32 : i32
      %add3A_292 = arith.addi %mul3A_266, %add3A_291 : i32
      %get3A_293 = arith.index_cast %add3A_292 : i32 to index
      %get3A_294 = tpu.vector_load %arg5[%get3A_293] {strides = array<i32>} : memref<8192xf32, #tpu.memory_space<vmem>>, vector<16xf32>,
      %get3A_295 = vector.shape_cast %get3A_294 : vector<16xf32> to vector<16xf32>
      %add3A_296 = arith.constant 32 : i32
      %add3A_297 = arith.addi %mul3A_266, %add3A_296 : i32
      %get3A_298 = arith.index_cast %add3A_297 : i32 to index
      %get3A_299 = tpu.vector_load %arg11[%get3A_298] {strides = array<i32>} : memref<8192xf32, #tpu.memory_space<vmem>>, vector<16xf32>,
      %get3A_300 = vector.shape_cast %get3A_299 : vector<16xf32> to vector<16xf32>
      %sub3A_301 = arith.subf %get3A_300, %get3A_295 : vector<16xf32>
      %mul3A_302 = arith.mulf %sub3A_301, %sub3A_301 : vector<16xf32>
      %add3A_303 = arith.addf %add3A_290, %mul3A_302 : vector<16xf32>
      %add3A_304 = arith.constant 48 : i32
      %add3A_305 = arith.addi %mul3A_266, %add3A_304 : i32
      %get3A_306 = arith.index_cast %add3A_305 : i32 to index
      %get3A_307 = tpu.vector_load %arg5[%get3A_306] {strides = array<i32>} : memref<8192xf32, #tpu.memory_space<vmem>>, vector<16xf32>,
      %get3A_308 = vector.shape_cast %get3A_307 : vector<16xf32> to vector<16xf32>
      %add3A_309 = arith.constant 48 : i32
      %add3A_310 = arith.addi %mul3A_266, %add3A_309 : i32
      %get3A_311 = arith.index_cast %add3A_310 : i32 to index
      %get3A_312 = tpu.vector_load %arg11[%get3A_311] {strides = array<i32>} : memref<8192xf32, #tpu.memory_space<vmem>>, vector<16xf32>,
      %get3A_313 = vector.shape_cast %get3A_312 : vector<16xf32> to vector<16xf32>
      %sub3A_314 = arith.subf %get3A_313, %get3A_308 : vector<16xf32>
      %mul3A_315 = arith.mulf %sub3A_314, %sub3A_314 : vector<16xf32>
      %add3A_316 = arith.addf %add3A_303, %mul3A_315 : vector<16xf32>
      %add3A_317 = arith.constant 64 : i32
      %add3A_318 = arith.addi %mul3A_266, %add3A_317 : i32
      %get3A_319 = arith.index_cast %add3A_318 : i32 to index
      %get3A_320 = tpu.vector_load %arg5[%get3A_319] {strides = array<i32>} : memref<8192xf32, #tpu.memory_space<vmem>>, vector<16xf32>,
      %get3A_321 = vector.shape_cast %get3A_320 : vector<16xf32> to vector<16xf32>
      %add3A_322 = arith.constant 64 : i32
      %add3A_323 = arith.addi %mul3A_266, %add3A_322 : i32
      %get3A_324 = arith.index_cast %add3A_323 : i32 to index
      %get3A_325 = tpu.vector_load %arg11[%get3A_324] {strides = array<i32>} : memref<8192xf32, #tpu.memory_space<vmem>>, vector<16xf32>,
      %get3A_326 = vector.shape_cast %get3A_325 : vector<16xf32> to vector<16xf32>
      %sub3A_327 = arith.subf %get3A_326, %get3A_321 : vector<16xf32>
      %mul3A_328 = arith.mulf %sub3A_327, %sub3A_327 : vector<16xf32>
      %add3A_329 = arith.addf %add3A_316, %mul3A_328 : vector<16xf32>
      %add3A_330 = arith.constant 80 : i32
      %add3A_331 = arith.addi %mul3A_266, %add3A_330 : i32
      %get3A_332 = arith.index_cast %add3A_331 : i32 to index
      %get3A_333 = tpu.vector_load %arg5[%get3A_332] {strides = array<i32>} : memref<8192xf32, #tpu.memory_space<vmem>>, vector<16xf32>,
      %get3A_334 = vector.shape_cast %get3A_333 : vector<16xf32> to vector<16xf32>
      %add3A_335 = arith.constant 80 : i32
      %add3A_336 = arith.addi %mul3A_266, %add3A_335 : i32
      %get3A_337 = arith.index_cast %add3A_336 : i32 to index
      %get3A_338 = tpu.vector_load %arg11[%get3A_337] {strides = array<i32>} : memref<8192xf32, #tpu.memory_space<vmem>>, vector<16xf32>,
      %get3A_339 = vector.shape_cast %get3A_338 : vector<16xf32> to vector<16xf32>
      %sub3A_340 = arith.subf %get3A_339, %get3A_334 : vector<16xf32>
      %mul3A_341 = arith.mulf %sub3A_340, %sub3A_340 : vector<16xf32>
      %add3A_342 = arith.addf %add3A_329, %mul3A_341 : vector<16xf32>
      %add3A_343 = arith.constant 96 : i32
      %add3A_344 = arith.addi %mul3A_266, %add3A_343 : i32
      %get3A_345 = arith.index_cast %add3A_344 : i32 to index
      %get3A_346 = tpu.vector_load %arg5[%get3A_345] {strides = array<i32>} : memref<8192xf32, #tpu.memory_space<vmem>>, vector<16xf32>,
      %get3A_347 = vector.shape_cast %get3A_346 : vector<16xf32> to vector<16xf32>
      %add3A_348 = arith.constant 96 : i32
      %add3A_349 = arith.addi %mul3A_266, %add3A_348 : i32
      %get3A_350 = arith.index_cast %add3A_349 : i32 to index
      %get3A_351 = tpu.vector_load %arg11[%get3A_350] {strides = array<i32>} : memref<8192xf32, #tpu.memory_space<vmem>>, vector<16xf32>,
      %get3A_352 = vector.shape_cast %get3A_351 : vector<16xf32> to vector<16xf32>
      %sub3A_353 = arith.subf %get3A_352, %get3A_347 : vector<16xf32>
      %mul3A_354 = arith.mulf %sub3A_353, %sub3A_353 : vector<16xf32>
      %add3A_355 = arith.addf %add3A_342, %mul3A_354 : vector<16xf32>
      %add3A_356 = arith.constant 112 : i32
      %add3A_357 = arith.addi %mul3A_266, %add3A_356 : i32
      %get3A_358 = arith.index_cast %add3A_357 : i32 to index
      %get3A_359 = tpu.vector_load %arg5[%get3A_358] {strides = array<i32>} : memref<8192xf32, #tpu.memory_space<vmem>>, vector<16xf32>,
      %get3A_360 = vector.shape_cast %get3A_359 : vector<16xf32> to vector<16xf32>
      %add3A_361 = arith.constant 112 : i32
      %add3A_362 = arith.addi %mul3A_266, %add3A_361 : i32
      %get3A_363 = arith.index_cast %add3A_362 : i32 to index
      %get3A_364 = tpu.vector_load %arg11[%get3A_363] {strides = array<i32>} : memref<8192xf32, #tpu.memory_space<vmem>>, vector<16xf32>,
      %get3A_365 = vector.shape_cast %get3A_364 : vector<16xf32> to vector<16xf32>
      %sub3A_366 = arith.subf %get3A_365, %get3A_360 : vector<16xf32>
      %mul3A_367 = arith.mulf %sub3A_366, %sub3A_366 : vector<16xf32>
      %add3A_368 = arith.addf %add3A_355, %mul3A_367 : vector<16xf32>
      scf.yield %add3A_368 : vector<16xf32>
    }
    %scan3A_142 = arith.constant 64 : i32
    %add3A_143 = arith.constant 98304 : i32
    %add3A_144 = arith.addi %multiple_of3A, %add3A_143 : i32
    %dma_start3A_145 = tpu.memref_slice %arg2[%add3A_144] : memref<4194304xf32, #tpu.memory_space<hbm>> -> memref<8192xf32, #tpu.memory_space<hbm>>
    %dma_start3A_146 = tpu.memref_slice %arg2[%add3A_144] : memref<4194304xf32, #tpu.memory_space<hbm>> -> memref<8192xf32, #tpu.memory_space<hbm>>
    tpu.enqueue_dma source(%dma_start3A_146 : memref<8192xf32, #tpu.memory_space<hbm>>) target(%arg5 : memref<8192xf32, #tpu.memory_space<vmem>>) target_semaphore(%arg18 : memref<!tpu.dma_semaphore, #tpu.memory_space<semaphore_mem>>)
    %dma_start3A_147 = tpu.memref_slice %arg3[%add3A_144] : memref<4194304xf32, #tpu.memory_space<hbm>> -> memref<8192xf32, #tpu.memory_space<hbm>>
    %dma_start3A_148 = tpu.memref_slice %arg3[%add3A_144] : memref<4194304xf32, #tpu.memory_space<hbm>> -> memref<8192xf32, #tpu.memory_space<hbm>>
    tpu.enqueue_dma source(%dma_start3A_148 : memref<8192xf32, #tpu.memory_space<hbm>>) target(%arg11 : memref<8192xf32, #tpu.memory_space<vmem>>) target_semaphore(%arg18 : memref<!tpu.dma_semaphore, #tpu.memory_space<semaphore_mem>>)
    %dma_wait3A_149 = tpu.memref_slice %arg2[%add3A_64] : memref<4194304xf32, #tpu.memory_space<hbm>> -> memref<8192xf32, #tpu.memory_space<hbm>>
    %dma_wait3A_150 = tpu.memref_slice %arg2[%add3A_64] : memref<4194304xf32, #tpu.memory_space<hbm>> -> memref<8192xf32, #tpu.memory_space<hbm>>
    tpu.wait_dma2 semaphore(%arg19 : memref<!tpu.dma_semaphore, #tpu.memory_space<semaphore_mem>>) src(%dma_wait3A_150 : memref<8192xf32, #tpu.memory_space<hbm>>) dst(%arg6 : memref<8192xf32, #tpu.memory_space<vmem>>)
    %dma_wait3A_151 = tpu.memref_slice %arg3[%add3A_64] : memref<4194304xf32, #tpu.memory_space<hbm>> -> memref<8192xf32, #tpu.memory_space<hbm>>
    %dma_wait3A_152 = tpu.memref_slice %arg3[%add3A_64] : memref<4194304xf32, #tpu.memory_space<hbm>> -> memref<8192xf32, #tpu.memory_space<hbm>>
    tpu.wait_dma2 semaphore(%arg19 : memref<!tpu.dma_semaphore, #tpu.memory_space<semaphore_mem>>) src(%dma_wait3A_152 : memref<8192xf32, #tpu.memory_space<hbm>>) dst(%arg12 : memref<8192xf32, #tpu.memory_space<vmem>>)
    %scan3A_153 = arith.constant 0 : i32
    %scan3A_154 = arith.constant 64 : i32
    %scan3A_155 = arith.addi %scan3A_153, %scan3A_154 : i32
    %scan3A_156 = arith.constant 1 : i32
    %scan3A_157 = scf.for %scan3A_263 = %scan3A_153 to %scan3A_155 step %scan3A_156 iter_args(%scan3A_264 = %scan3A_141) -> (vector<16xf32>)  : i32 {
      %mul3A_265 = arith.constant 128 : i32
      %mul3A_266 = arith.muli %scan3A_263, %mul3A_265 : i32
      %add3A_267 = arith.constant 0 : i32
      %add3A_268 = arith.addi %mul3A_266, %add3A_267 : i32
      %get3A = arith.index_cast %add3A_268 : i32 to index
      %get3A_269 = tpu.vector_load %arg6[%get3A] {strides = array<i32>} : memref<8192xf32, #tpu.memory_space<vmem>>, vector<16xf32>,
      %get3A_270 = vector.shape_cast %get3A_269 : vector<16xf32> to vector<16xf32>
      %add3A_271 = arith.constant 0 : i32
      %add3A_272 = arith.addi %mul3A_266, %add3A_271 : i32
      %get3A_273 = arith.index_cast %add3A_272 : i32 to index
      %get3A_274 = tpu.vector_load %arg12[%get3A_273] {strides = array<i32>} : memref<8192xf32, #tpu.memory_space<vmem>>, vector<16xf32>,
      %get3A_275 = vector.shape_cast %get3A_274 : vector<16xf32> to vector<16xf32>
      %sub3A = arith.subf %get3A_275, %get3A_270 : vector<16xf32>
      %mul3A_276 = arith.mulf %sub3A, %sub3A : vector<16xf32>
      %add3A_277 = arith.addf %scan3A_264, %mul3A_276 : vector<16xf32>
      %add3A_278 = arith.constant 16 : i32
      %add3A_279 = arith.addi %mul3A_266, %add3A_278 : i32
      %get3A_280 = arith.index_cast %add3A_279 : i32 to index
      %get3A_281 = tpu.vector_load %arg6[%get3A_280] {strides = array<i32>} : memref<8192xf32, #tpu.memory_space<vmem>>, vector<16xf32>,
      %get3A_282 = vector.shape_cast %get3A_281 : vector<16xf32> to vector<16xf32>
      %add3A_283 = arith.constant 16 : i32
      %add3A_284 = arith.addi %mul3A_266, %add3A_283 : i32
      %get3A_285 = arith.index_cast %add3A_284 : i32 to index
      %get3A_286 = tpu.vector_load %arg12[%get3A_285] {strides = array<i32>} : memref<8192xf32, #tpu.memory_space<vmem>>, vector<16xf32>,
      %get3A_287 = vector.shape_cast %get3A_286 : vector<16xf32> to vector<16xf32>
      %sub3A_288 = arith.subf %get3A_287, %get3A_282 : vector<16xf32>
      %mul3A_289 = arith.mulf %sub3A_288, %sub3A_288 : vector<16xf32>
      %add3A_290 = arith.addf %add3A_277, %mul3A_289 : vector<16xf32>
      %add3A_291 = arith.constant 32 : i32
      %add3A_292 = arith.addi %mul3A_266, %add3A_291 : i32
      %get3A_293 = arith.index_cast %add3A_292 : i32 to index
      %get3A_294 = tpu.vector_load %arg6[%get3A_293] {strides = array<i32>} : memref<8192xf32, #tpu.memory_space<vmem>>, vector<16xf32>,
      %get3A_295 = vector.shape_cast %get3A_294 : vector<16xf32> to vector<16xf32>
      %add3A_296 = arith.constant 32 : i32
      %add3A_297 = arith.addi %mul3A_266, %add3A_296 : i32
      %get3A_298 = arith.index_cast %add3A_297 : i32 to index
      %get3A_299 = tpu.vector_load %arg12[%get3A_298] {strides = array<i32>} : memref<8192xf32, #tpu.memory_space<vmem>>, vector<16xf32>,
      %get3A_300 = vector.shape_cast %get3A_299 : vector<16xf32> to vector<16xf32>
      %sub3A_301 = arith.subf %get3A_300, %get3A_295 : vector<16xf32>
      %mul3A_302 = arith.mulf %sub3A_301, %sub3A_301 : vector<16xf32>
      %add3A_303 = arith.addf %add3A_290, %mul3A_302 : vector<16xf32>
      %add3A_304 = arith.constant 48 : i32
      %add3A_305 = arith.addi %mul3A_266, %add3A_304 : i32
      %get3A_306 = arith.index_cast %add3A_305 : i32 to index
      %get3A_307 = tpu.vector_load %arg6[%get3A_306] {strides = array<i32>} : memref<8192xf32, #tpu.memory_space<vmem>>, vector<16xf32>,
      %get3A_308 = vector.shape_cast %get3A_307 : vector<16xf32> to vector<16xf32>
      %add3A_309 = arith.constant 48 : i32
      %add3A_310 = arith.addi %mul3A_266, %add3A_309 : i32
      %get3A_311 = arith.index_cast %add3A_310 : i32 to index
      %get3A_312 = tpu.vector_load %arg12[%get3A_311] {strides = array<i32>} : memref<8192xf32, #tpu.memory_space<vmem>>, vector<16xf32>,
      %get3A_313 = vector.shape_cast %get3A_312 : vector<16xf32> to vector<16xf32>
      %sub3A_314 = arith.subf %get3A_313, %get3A_308 : vector<16xf32>
      %mul3A_315 = arith.mulf %sub3A_314, %sub3A_314 : vector<16xf32>
      %add3A_316 = arith.addf %add3A_303, %mul3A_315 : vector<16xf32>
      %add3A_317 = arith.constant 64 : i32
      %add3A_318 = arith.addi %mul3A_266, %add3A_317 : i32
      %get3A_319 = arith.index_cast %add3A_318 : i32 to index
      %get3A_320 = tpu.vector_load %arg6[%get3A_319] {strides = array<i32>} : memref<8192xf32, #tpu.memory_space<vmem>>, vector<16xf32>,
      %get3A_321 = vector.shape_cast %get3A_320 : vector<16xf32> to vector<16xf32>
      %add3A_322 = arith.constant 64 : i32
      %add3A_323 = arith.addi %mul3A_266, %add3A_322 : i32
      %get3A_324 = arith.index_cast %add3A_323 : i32 to index
      %get3A_325 = tpu.vector_load %arg12[%get3A_324] {strides = array<i32>} : memref<8192xf32, #tpu.memory_space<vmem>>, vector<16xf32>,
      %get3A_326 = vector.shape_cast %get3A_325 : vector<16xf32> to vector<16xf32>
      %sub3A_327 = arith.subf %get3A_326, %get3A_321 : vector<16xf32>
      %mul3A_328 = arith.mulf %sub3A_327, %sub3A_327 : vector<16xf32>
      %add3A_329 = arith.addf %add3A_316, %mul3A_328 : vector<16xf32>
      %add3A_330 = arith.constant 80 : i32
      %add3A_331 = arith.addi %mul3A_266, %add3A_330 : i32
      %get3A_332 = arith.index_cast %add3A_331 : i32 to index
      %get3A_333 = tpu.vector_load %arg6[%get3A_332] {strides = array<i32>} : memref<8192xf32, #tpu.memory_space<vmem>>, vector<16xf32>,
      %get3A_334 = vector.shape_cast %get3A_333 : vector<16xf32> to vector<16xf32>
      %add3A_335 = arith.constant 80 : i32
      %add3A_336 = arith.addi %mul3A_266, %add3A_335 : i32
      %get3A_337 = arith.index_cast %add3A_336 : i32 to index
      %get3A_338 = tpu.vector_load %arg12[%get3A_337] {strides = array<i32>} : memref<8192xf32, #tpu.memory_space<vmem>>, vector<16xf32>,
      %get3A_339 = vector.shape_cast %get3A_338 : vector<16xf32> to vector<16xf32>
      %sub3A_340 = arith.subf %get3A_339, %get3A_334 : vector<16xf32>
      %mul3A_341 = arith.mulf %sub3A_340, %sub3A_340 : vector<16xf32>
      %add3A_342 = arith.addf %add3A_329, %mul3A_341 : vector<16xf32>
      %add3A_343 = arith.constant 96 : i32
      %add3A_344 = arith.addi %mul3A_266, %add3A_343 : i32
      %get3A_345 = arith.index_cast %add3A_344 : i32 to index
      %get3A_346 = tpu.vector_load %arg6[%get3A_345] {strides = array<i32>} : memref<8192xf32, #tpu.memory_space<vmem>>, vector<16xf32>,
      %get3A_347 = vector.shape_cast %get3A_346 : vector<16xf32> to vector<16xf32>
      %add3A_348 = arith.constant 96 : i32
      %add3A_349 = arith.addi %mul3A_266, %add3A_348 : i32
      %get3A_350 = arith.index_cast %add3A_349 : i32 to index
      %get3A_351 = tpu.vector_load %arg12[%get3A_350] {strides = array<i32>} : memref<8192xf32, #tpu.memory_space<vmem>>, vector<16xf32>,
      %get3A_352 = vector.shape_cast %get3A_351 : vector<16xf32> to vector<16xf32>
      %sub3A_353 = arith.subf %get3A_352, %get3A_347 : vector<16xf32>
      %mul3A_354 = arith.mulf %sub3A_353, %sub3A_353 : vector<16xf32>
      %add3A_355 = arith.addf %add3A_342, %mul3A_354 : vector<16xf32>
      %add3A_356 = arith.constant 112 : i32
      %add3A_357 = arith.addi %mul3A_266, %add3A_356 : i32
      %get3A_358 = arith.index_cast %add3A_357 : i32 to index
      %get3A_359 = tpu.vector_load %arg6[%get3A_358] {strides = array<i32>} : memref<8192xf32, #tpu.memory_space<vmem>>, vector<16xf32>,
      %get3A_360 = vector.shape_cast %get3A_359 : vector<16xf32> to vector<16xf32>
      %add3A_361 = arith.constant 112 : i32
      %add3A_362 = arith.addi %mul3A_266, %add3A_361 : i32
      %get3A_363 = arith.index_cast %add3A_362 : i32 to index
      %get3A_364 = tpu.vector_load %arg12[%get3A_363] {strides = array<i32>} : memref<8192xf32, #tpu.memory_space<vmem>>, vector<16xf32>,
      %get3A_365 = vector.shape_cast %get3A_364 : vector<16xf32> to vector<16xf32>
      %sub3A_366 = arith.subf %get3A_365, %get3A_360 : vector<16xf32>
      %mul3A_367 = arith.mulf %sub3A_366, %sub3A_366 : vector<16xf32>
      %add3A_368 = arith.addf %add3A_355, %mul3A_367 : vector<16xf32>
      scf.yield %add3A_368 : vector<16xf32>
    }
    %scan3A_158 = arith.constant 64 : i32
    %add3A_159 = arith.constant 106496 : i32
    %add3A_160 = arith.addi %multiple_of3A, %add3A_159 : i32
    %dma_start3A_161 = tpu.memref_slice %arg2[%add3A_160] : memref<4194304xf32, #tpu.memory_space<hbm>> -> memref<8192xf32, #tpu.memory_space<hbm>>
    %dma_start3A_162 = tpu.memref_slice %arg2[%add3A_160] : memref<4194304xf32, #tpu.memory_space<hbm>> -> memref<8192xf32, #tpu.memory_space<hbm>>
    tpu.enqueue_dma source(%dma_start3A_162 : memref<8192xf32, #tpu.memory_space<hbm>>) target(%arg6 : memref<8192xf32, #tpu.memory_space<vmem>>) target_semaphore(%arg19 : memref<!tpu.dma_semaphore, #tpu.memory_space<semaphore_mem>>)
    %dma_start3A_163 = tpu.memref_slice %arg3[%add3A_160] : memref<4194304xf32, #tpu.memory_space<hbm>> -> memref<8192xf32, #tpu.memory_space<hbm>>
    %dma_start3A_164 = tpu.memref_slice %arg3[%add3A_160] : memref<4194304xf32, #tpu.memory_space<hbm>> -> memref<8192xf32, #tpu.memory_space<hbm>>
    tpu.enqueue_dma source(%dma_start3A_164 : memref<8192xf32, #tpu.memory_space<hbm>>) target(%arg12 : memref<8192xf32, #tpu.memory_space<vmem>>) target_semaphore(%arg19 : memref<!tpu.dma_semaphore, #tpu.memory_space<semaphore_mem>>)
    %dma_wait3A_165 = tpu.memref_slice %arg2[%add3A_80] : memref<4194304xf32, #tpu.memory_space<hbm>> -> memref<8192xf32, #tpu.memory_space<hbm>>
    %dma_wait3A_166 = tpu.memref_slice %arg2[%add3A_80] : memref<4194304xf32, #tpu.memory_space<hbm>> -> memref<8192xf32, #tpu.memory_space<hbm>>
    tpu.wait_dma2 semaphore(%arg20 : memref<!tpu.dma_semaphore, #tpu.memory_space<semaphore_mem>>) src(%dma_wait3A_166 : memref<8192xf32, #tpu.memory_space<hbm>>) dst(%arg7 : memref<8192xf32, #tpu.memory_space<vmem>>)
    %dma_wait3A_167 = tpu.memref_slice %arg3[%add3A_80] : memref<4194304xf32, #tpu.memory_space<hbm>> -> memref<8192xf32, #tpu.memory_space<hbm>>
    %dma_wait3A_168 = tpu.memref_slice %arg3[%add3A_80] : memref<4194304xf32, #tpu.memory_space<hbm>> -> memref<8192xf32, #tpu.memory_space<hbm>>
    tpu.wait_dma2 semaphore(%arg20 : memref<!tpu.dma_semaphore, #tpu.memory_space<semaphore_mem>>) src(%dma_wait3A_168 : memref<8192xf32, #tpu.memory_space<hbm>>) dst(%arg13 : memref<8192xf32, #tpu.memory_space<vmem>>)
    %scan3A_169 = arith.constant 0 : i32
    %scan3A_170 = arith.constant 64 : i32
    %scan3A_171 = arith.addi %scan3A_169, %scan3A_170 : i32
    %scan3A_172 = arith.constant 1 : i32
    %scan3A_173 = scf.for %scan3A_263 = %scan3A_169 to %scan3A_171 step %scan3A_172 iter_args(%scan3A_264 = %scan3A_157) -> (vector<16xf32>)  : i32 {
      %mul3A_265 = arith.constant 128 : i32
      %mul3A_266 = arith.muli %scan3A_263, %mul3A_265 : i32
      %add3A_267 = arith.constant 0 : i32
      %add3A_268 = arith.addi %mul3A_266, %add3A_267 : i32
      %get3A = arith.index_cast %add3A_268 : i32 to index
      %get3A_269 = tpu.vector_load %arg7[%get3A] {strides = array<i32>} : memref<8192xf32, #tpu.memory_space<vmem>>, vector<16xf32>,
      %get3A_270 = vector.shape_cast %get3A_269 : vector<16xf32> to vector<16xf32>
      %add3A_271 = arith.constant 0 : i32
      %add3A_272 = arith.addi %mul3A_266, %add3A_271 : i32
      %get3A_273 = arith.index_cast %add3A_272 : i32 to index
      %get3A_274 = tpu.vector_load %arg13[%get3A_273] {strides = array<i32>} : memref<8192xf32, #tpu.memory_space<vmem>>, vector<16xf32>,
      %get3A_275 = vector.shape_cast %get3A_274 : vector<16xf32> to vector<16xf32>
      %sub3A = arith.subf %get3A_275, %get3A_270 : vector<16xf32>
      %mul3A_276 = arith.mulf %sub3A, %sub3A : vector<16xf32>
      %add3A_277 = arith.addf %scan3A_264, %mul3A_276 : vector<16xf32>
      %add3A_278 = arith.constant 16 : i32
      %add3A_279 = arith.addi %mul3A_266, %add3A_278 : i32
      %get3A_280 = arith.index_cast %add3A_279 : i32 to index
      %get3A_281 = tpu.vector_load %arg7[%get3A_280] {strides = array<i32>} : memref<8192xf32, #tpu.memory_space<vmem>>, vector<16xf32>,
      %get3A_282 = vector.shape_cast %get3A_281 : vector<16xf32> to vector<16xf32>
      %add3A_283 = arith.constant 16 : i32
      %add3A_284 = arith.addi %mul3A_266, %add3A_283 : i32
      %get3A_285 = arith.index_cast %add3A_284 : i32 to index
      %get3A_286 = tpu.vector_load %arg13[%get3A_285] {strides = array<i32>} : memref<8192xf32, #tpu.memory_space<vmem>>, vector<16xf32>,
      %get3A_287 = vector.shape_cast %get3A_286 : vector<16xf32> to vector<16xf32>
      %sub3A_288 = arith.subf %get3A_287, %get3A_282 : vector<16xf32>
      %mul3A_289 = arith.mulf %sub3A_288, %sub3A_288 : vector<16xf32>
      %add3A_290 = arith.addf %add3A_277, %mul3A_289 : vector<16xf32>
      %add3A_291 = arith.constant 32 : i32
      %add3A_292 = arith.addi %mul3A_266, %add3A_291 : i32
      %get3A_293 = arith.index_cast %add3A_292 : i32 to index
      %get3A_294 = tpu.vector_load %arg7[%get3A_293] {strides = array<i32>} : memref<8192xf32, #tpu.memory_space<vmem>>, vector<16xf32>,
      %get3A_295 = vector.shape_cast %get3A_294 : vector<16xf32> to vector<16xf32>
      %add3A_296 = arith.constant 32 : i32
      %add3A_297 = arith.addi %mul3A_266, %add3A_296 : i32
      %get3A_298 = arith.index_cast %add3A_297 : i32 to index
      %get3A_299 = tpu.vector_load %arg13[%get3A_298] {strides = array<i32>} : memref<8192xf32, #tpu.memory_space<vmem>>, vector<16xf32>,
      %get3A_300 = vector.shape_cast %get3A_299 : vector<16xf32> to vector<16xf32>
      %sub3A_301 = arith.subf %get3A_300, %get3A_295 : vector<16xf32>
      %mul3A_302 = arith.mulf %sub3A_301, %sub3A_301 : vector<16xf32>
      %add3A_303 = arith.addf %add3A_290, %mul3A_302 : vector<16xf32>
      %add3A_304 = arith.constant 48 : i32
      %add3A_305 = arith.addi %mul3A_266, %add3A_304 : i32
      %get3A_306 = arith.index_cast %add3A_305 : i32 to index
      %get3A_307 = tpu.vector_load %arg7[%get3A_306] {strides = array<i32>} : memref<8192xf32, #tpu.memory_space<vmem>>, vector<16xf32>,
      %get3A_308 = vector.shape_cast %get3A_307 : vector<16xf32> to vector<16xf32>
      %add3A_309 = arith.constant 48 : i32
      %add3A_310 = arith.addi %mul3A_266, %add3A_309 : i32
      %get3A_311 = arith.index_cast %add3A_310 : i32 to index
      %get3A_312 = tpu.vector_load %arg13[%get3A_311] {strides = array<i32>} : memref<8192xf32, #tpu.memory_space<vmem>>, vector<16xf32>,
      %get3A_313 = vector.shape_cast %get3A_312 : vector<16xf32> to vector<16xf32>
      %sub3A_314 = arith.subf %get3A_313, %get3A_308 : vector<16xf32>
      %mul3A_315 = arith.mulf %sub3A_314, %sub3A_314 : vector<16xf32>
      %add3A_316 = arith.addf %add3A_303, %mul3A_315 : vector<16xf32>
      %add3A_317 = arith.constant 64 : i32
      %add3A_318 = arith.addi %mul3A_266, %add3A_317 : i32
      %get3A_319 = arith.index_cast %add3A_318 : i32 to index
      %get3A_320 = tpu.vector_load %arg7[%get3A_319] {strides = array<i32>} : memref<8192xf32, #tpu.memory_space<vmem>>, vector<16xf32>,
      %get3A_321 = vector.shape_cast %get3A_320 : vector<16xf32> to vector<16xf32>
      %add3A_322 = arith.constant 64 : i32
      %add3A_323 = arith.addi %mul3A_266, %add3A_322 : i32
      %get3A_324 = arith.index_cast %add3A_323 : i32 to index
      %get3A_325 = tpu.vector_load %arg13[%get3A_324] {strides = array<i32>} : memref<8192xf32, #tpu.memory_space<vmem>>, vector<16xf32>,
      %get3A_326 = vector.shape_cast %get3A_325 : vector<16xf32> to vector<16xf32>
      %sub3A_327 = arith.subf %get3A_326, %get3A_321 : vector<16xf32>
      %mul3A_328 = arith.mulf %sub3A_327, %sub3A_327 : vector<16xf32>
      %add3A_329 = arith.addf %add3A_316, %mul3A_328 : vector<16xf32>
      %add3A_330 = arith.constant 80 : i32
      %add3A_331 = arith.addi %mul3A_266, %add3A_330 : i32
      %get3A_332 = arith.index_cast %add3A_331 : i32 to index
      %get3A_333 = tpu.vector_load %arg7[%get3A_332] {strides = array<i32>} : memref<8192xf32, #tpu.memory_space<vmem>>, vector<16xf32>,
      %get3A_334 = vector.shape_cast %get3A_333 : vector<16xf32> to vector<16xf32>
      %add3A_335 = arith.constant 80 : i32
      %add3A_336 = arith.addi %mul3A_266, %add3A_335 : i32
      %get3A_337 = arith.index_cast %add3A_336 : i32 to index
      %get3A_338 = tpu.vector_load %arg13[%get3A_337] {strides = array<i32>} : memref<8192xf32, #tpu.memory_space<vmem>>, vector<16xf32>,
      %get3A_339 = vector.shape_cast %get3A_338 : vector<16xf32> to vector<16xf32>
      %sub3A_340 = arith.subf %get3A_339, %get3A_334 : vector<16xf32>
      %mul3A_341 = arith.mulf %sub3A_340, %sub3A_340 : vector<16xf32>
      %add3A_342 = arith.addf %add3A_329, %mul3A_341 : vector<16xf32>
      %add3A_343 = arith.constant 96 : i32
      %add3A_344 = arith.addi %mul3A_266, %add3A_343 : i32
      %get3A_345 = arith.index_cast %add3A_344 : i32 to index
      %get3A_346 = tpu.vector_load %arg7[%get3A_345] {strides = array<i32>} : memref<8192xf32, #tpu.memory_space<vmem>>, vector<16xf32>,
      %get3A_347 = vector.shape_cast %get3A_346 : vector<16xf32> to vector<16xf32>
      %add3A_348 = arith.constant 96 : i32
      %add3A_349 = arith.addi %mul3A_266, %add3A_348 : i32
      %get3A_350 = arith.index_cast %add3A_349 : i32 to index
      %get3A_351 = tpu.vector_load %arg13[%get3A_350] {strides = array<i32>} : memref<8192xf32, #tpu.memory_space<vmem>>, vector<16xf32>,
      %get3A_352 = vector.shape_cast %get3A_351 : vector<16xf32> to vector<16xf32>
      %sub3A_353 = arith.subf %get3A_352, %get3A_347 : vector<16xf32>
      %mul3A_354 = arith.mulf %sub3A_353, %sub3A_353 : vector<16xf32>
      %add3A_355 = arith.addf %add3A_342, %mul3A_354 : vector<16xf32>
      %add3A_356 = arith.constant 112 : i32
      %add3A_357 = arith.addi %mul3A_266, %add3A_356 : i32
      %get3A_358 = arith.index_cast %add3A_357 : i32 to index
      %get3A_359 = tpu.vector_load %arg7[%get3A_358] {strides = array<i32>} : memref<8192xf32, #tpu.memory_space<vmem>>, vector<16xf32>,
      %get3A_360 = vector.shape_cast %get3A_359 : vector<16xf32> to vector<16xf32>
      %add3A_361 = arith.constant 112 : i32
      %add3A_362 = arith.addi %mul3A_266, %add3A_361 : i32
      %get3A_363 = arith.index_cast %add3A_362 : i32 to index
      %get3A_364 = tpu.vector_load %arg13[%get3A_363] {strides = array<i32>} : memref<8192xf32, #tpu.memory_space<vmem>>, vector<16xf32>,
      %get3A_365 = vector.shape_cast %get3A_364 : vector<16xf32> to vector<16xf32>
      %sub3A_366 = arith.subf %get3A_365, %get3A_360 : vector<16xf32>
      %mul3A_367 = arith.mulf %sub3A_366, %sub3A_366 : vector<16xf32>
      %add3A_368 = arith.addf %add3A_355, %mul3A_367 : vector<16xf32>
      scf.yield %add3A_368 : vector<16xf32>
    }
    %scan3A_174 = arith.constant 64 : i32
    %add3A_175 = arith.constant 114688 : i32
    %add3A_176 = arith.addi %multiple_of3A, %add3A_175 : i32
    %dma_start3A_177 = tpu.memref_slice %arg2[%add3A_176] : memref<4194304xf32, #tpu.memory_space<hbm>> -> memref<8192xf32, #tpu.memory_space<hbm>>
    %dma_start3A_178 = tpu.memref_slice %arg2[%add3A_176] : memref<4194304xf32, #tpu.memory_space<hbm>> -> memref<8192xf32, #tpu.memory_space<hbm>>
    tpu.enqueue_dma source(%dma_start3A_178 : memref<8192xf32, #tpu.memory_space<hbm>>) target(%arg7 : memref<8192xf32, #tpu.memory_space<vmem>>) target_semaphore(%arg20 : memref<!tpu.dma_semaphore, #tpu.memory_space<semaphore_mem>>)
    %dma_start3A_179 = tpu.memref_slice %arg3[%add3A_176] : memref<4194304xf32, #tpu.memory_space<hbm>> -> memref<8192xf32, #tpu.memory_space<hbm>>
    %dma_start3A_180 = tpu.memref_slice %arg3[%add3A_176] : memref<4194304xf32, #tpu.memory_space<hbm>> -> memref<8192xf32, #tpu.memory_space<hbm>>
    tpu.enqueue_dma source(%dma_start3A_180 : memref<8192xf32, #tpu.memory_space<hbm>>) target(%arg13 : memref<8192xf32, #tpu.memory_space<vmem>>) target_semaphore(%arg20 : memref<!tpu.dma_semaphore, #tpu.memory_space<semaphore_mem>>)
    %dma_wait3A_181 = tpu.memref_slice %arg2[%add3A_96] : memref<4194304xf32, #tpu.memory_space<hbm>> -> memref<8192xf32, #tpu.memory_space<hbm>>
    %dma_wait3A_182 = tpu.memref_slice %arg2[%add3A_96] : memref<4194304xf32, #tpu.memory_space<hbm>> -> memref<8192xf32, #tpu.memory_space<hbm>>
    tpu.wait_dma2 semaphore(%arg21 : memref<!tpu.dma_semaphore, #tpu.memory_space<semaphore_mem>>) src(%dma_wait3A_182 : memref<8192xf32, #tpu.memory_space<hbm>>) dst(%arg8 : memref<8192xf32, #tpu.memory_space<vmem>>)
    %dma_wait3A_183 = tpu.memref_slice %arg3[%add3A_96] : memref<4194304xf32, #tpu.memory_space<hbm>> -> memref<8192xf32, #tpu.memory_space<hbm>>
    %dma_wait3A_184 = tpu.memref_slice %arg3[%add3A_96] : memref<4194304xf32, #tpu.memory_space<hbm>> -> memref<8192xf32, #tpu.memory_space<hbm>>
    tpu.wait_dma2 semaphore(%arg21 : memref<!tpu.dma_semaphore, #tpu.memory_space<semaphore_mem>>) src(%dma_wait3A_184 : memref<8192xf32, #tpu.memory_space<hbm>>) dst(%arg14 : memref<8192xf32, #tpu.memory_space<vmem>>)
    %scan3A_185 = arith.constant 0 : i32
    %scan3A_186 = arith.constant 64 : i32
    %scan3A_187 = arith.addi %scan3A_185, %scan3A_186 : i32
    %scan3A_188 = arith.constant 1 : i32
    %scan3A_189 = scf.for %scan3A_263 = %scan3A_185 to %scan3A_187 step %scan3A_188 iter_args(%scan3A_264 = %scan3A_173) -> (vector<16xf32>)  : i32 {
      %mul3A_265 = arith.constant 128 : i32
      %mul3A_266 = arith.muli %scan3A_263, %mul3A_265 : i32
      %add3A_267 = arith.constant 0 : i32
      %add3A_268 = arith.addi %mul3A_266, %add3A_267 : i32
      %get3A = arith.index_cast %add3A_268 : i32 to index
      %get3A_269 = tpu.vector_load %arg8[%get3A] {strides = array<i32>} : memref<8192xf32, #tpu.memory_space<vmem>>, vector<16xf32>,
      %get3A_270 = vector.shape_cast %get3A_269 : vector<16xf32> to vector<16xf32>
      %add3A_271 = arith.constant 0 : i32
      %add3A_272 = arith.addi %mul3A_266, %add3A_271 : i32
      %get3A_273 = arith.index_cast %add3A_272 : i32 to index
      %get3A_274 = tpu.vector_load %arg14[%get3A_273] {strides = array<i32>} : memref<8192xf32, #tpu.memory_space<vmem>>, vector<16xf32>,
      %get3A_275 = vector.shape_cast %get3A_274 : vector<16xf32> to vector<16xf32>
      %sub3A = arith.subf %get3A_275, %get3A_270 : vector<16xf32>
      %mul3A_276 = arith.mulf %sub3A, %sub3A : vector<16xf32>
      %add3A_277 = arith.addf %scan3A_264, %mul3A_276 : vector<16xf32>
      %add3A_278 = arith.constant 16 : i32
      %add3A_279 = arith.addi %mul3A_266, %add3A_278 : i32
      %get3A_280 = arith.index_cast %add3A_279 : i32 to index
      %get3A_281 = tpu.vector_load %arg8[%get3A_280] {strides = array<i32>} : memref<8192xf32, #tpu.memory_space<vmem>>, vector<16xf32>,
      %get3A_282 = vector.shape_cast %get3A_281 : vector<16xf32> to vector<16xf32>
      %add3A_283 = arith.constant 16 : i32
      %add3A_284 = arith.addi %mul3A_266, %add3A_283 : i32
      %get3A_285 = arith.index_cast %add3A_284 : i32 to index
      %get3A_286 = tpu.vector_load %arg14[%get3A_285] {strides = array<i32>} : memref<8192xf32, #tpu.memory_space<vmem>>, vector<16xf32>,
      %get3A_287 = vector.shape_cast %get3A_286 : vector<16xf32> to vector<16xf32>
      %sub3A_288 = arith.subf %get3A_287, %get3A_282 : vector<16xf32>
      %mul3A_289 = arith.mulf %sub3A_288, %sub3A_288 : vector<16xf32>
      %add3A_290 = arith.addf %add3A_277, %mul3A_289 : vector<16xf32>
      %add3A_291 = arith.constant 32 : i32
      %add3A_292 = arith.addi %mul3A_266, %add3A_291 : i32
      %get3A_293 = arith.index_cast %add3A_292 : i32 to index
      %get3A_294 = tpu.vector_load %arg8[%get3A_293] {strides = array<i32>} : memref<8192xf32, #tpu.memory_space<vmem>>, vector<16xf32>,
      %get3A_295 = vector.shape_cast %get3A_294 : vector<16xf32> to vector<16xf32>
      %add3A_296 = arith.constant 32 : i32
      %add3A_297 = arith.addi %mul3A_266, %add3A_296 : i32
      %get3A_298 = arith.index_cast %add3A_297 : i32 to index
      %get3A_299 = tpu.vector_load %arg14[%get3A_298] {strides = array<i32>} : memref<8192xf32, #tpu.memory_space<vmem>>, vector<16xf32>,
      %get3A_300 = vector.shape_cast %get3A_299 : vector<16xf32> to vector<16xf32>
      %sub3A_301 = arith.subf %get3A_300, %get3A_295 : vector<16xf32>
      %mul3A_302 = arith.mulf %sub3A_301, %sub3A_301 : vector<16xf32>
      %add3A_303 = arith.addf %add3A_290, %mul3A_302 : vector<16xf32>
      %add3A_304 = arith.constant 48 : i32
      %add3A_305 = arith.addi %mul3A_266, %add3A_304 : i32
      %get3A_306 = arith.index_cast %add3A_305 : i32 to index
      %get3A_307 = tpu.vector_load %arg8[%get3A_306] {strides = array<i32>} : memref<8192xf32, #tpu.memory_space<vmem>>, vector<16xf32>,
      %get3A_308 = vector.shape_cast %get3A_307 : vector<16xf32> to vector<16xf32>
      %add3A_309 = arith.constant 48 : i32
      %add3A_310 = arith.addi %mul3A_266, %add3A_309 : i32
      %get3A_311 = arith.index_cast %add3A_310 : i32 to index
      %get3A_312 = tpu.vector_load %arg14[%get3A_311] {strides = array<i32>} : memref<8192xf32, #tpu.memory_space<vmem>>, vector<16xf32>,
      %get3A_313 = vector.shape_cast %get3A_312 : vector<16xf32> to vector<16xf32>
      %sub3A_314 = arith.subf %get3A_313, %get3A_308 : vector<16xf32>
      %mul3A_315 = arith.mulf %sub3A_314, %sub3A_314 : vector<16xf32>
      %add3A_316 = arith.addf %add3A_303, %mul3A_315 : vector<16xf32>
      %add3A_317 = arith.constant 64 : i32
      %add3A_318 = arith.addi %mul3A_266, %add3A_317 : i32
      %get3A_319 = arith.index_cast %add3A_318 : i32 to index
      %get3A_320 = tpu.vector_load %arg8[%get3A_319] {strides = array<i32>} : memref<8192xf32, #tpu.memory_space<vmem>>, vector<16xf32>,
      %get3A_321 = vector.shape_cast %get3A_320 : vector<16xf32> to vector<16xf32>
      %add3A_322 = arith.constant 64 : i32
      %add3A_323 = arith.addi %mul3A_266, %add3A_322 : i32
      %get3A_324 = arith.index_cast %add3A_323 : i32 to index
      %get3A_325 = tpu.vector_load %arg14[%get3A_324] {strides = array<i32>} : memref<8192xf32, #tpu.memory_space<vmem>>, vector<16xf32>,
      %get3A_326 = vector.shape_cast %get3A_325 : vector<16xf32> to vector<16xf32>
      %sub3A_327 = arith.subf %get3A_326, %get3A_321 : vector<16xf32>
      %mul3A_328 = arith.mulf %sub3A_327, %sub3A_327 : vector<16xf32>
      %add3A_329 = arith.addf %add3A_316, %mul3A_328 : vector<16xf32>
      %add3A_330 = arith.constant 80 : i32
      %add3A_331 = arith.addi %mul3A_266, %add3A_330 : i32
      %get3A_332 = arith.index_cast %add3A_331 : i32 to index
      %get3A_333 = tpu.vector_load %arg8[%get3A_332] {strides = array<i32>} : memref<8192xf32, #tpu.memory_space<vmem>>, vector<16xf32>,
      %get3A_334 = vector.shape_cast %get3A_333 : vector<16xf32> to vector<16xf32>
      %add3A_335 = arith.constant 80 : i32
      %add3A_336 = arith.addi %mul3A_266, %add3A_335 : i32
      %get3A_337 = arith.index_cast %add3A_336 : i32 to index
      %get3A_338 = tpu.vector_load %arg14[%get3A_337] {strides = array<i32>} : memref<8192xf32, #tpu.memory_space<vmem>>, vector<16xf32>,
      %get3A_339 = vector.shape_cast %get3A_338 : vector<16xf32> to vector<16xf32>
      %sub3A_340 = arith.subf %get3A_339, %get3A_334 : vector<16xf32>
      %mul3A_341 = arith.mulf %sub3A_340, %sub3A_340 : vector<16xf32>
      %add3A_342 = arith.addf %add3A_329, %mul3A_341 : vector<16xf32>
      %add3A_343 = arith.constant 96 : i32
      %add3A_344 = arith.addi %mul3A_266, %add3A_343 : i32
      %get3A_345 = arith.index_cast %add3A_344 : i32 to index
      %get3A_346 = tpu.vector_load %arg8[%get3A_345] {strides = array<i32>} : memref<8192xf32, #tpu.memory_space<vmem>>, vector<16xf32>,
      %get3A_347 = vector.shape_cast %get3A_346 : vector<16xf32> to vector<16xf32>
      %add3A_348 = arith.constant 96 : i32
      %add3A_349 = arith.addi %mul3A_266, %add3A_348 : i32
      %get3A_350 = arith.index_cast %add3A_349 : i32 to index
      %get3A_351 = tpu.vector_load %arg14[%get3A_350] {strides = array<i32>} : memref<8192xf32, #tpu.memory_space<vmem>>, vector<16xf32>,
      %get3A_352 = vector.shape_cast %get3A_351 : vector<16xf32> to vector<16xf32>
      %sub3A_353 = arith.subf %get3A_352, %get3A_347 : vector<16xf32>
      %mul3A_354 = arith.mulf %sub3A_353, %sub3A_353 : vector<16xf32>
      %add3A_355 = arith.addf %add3A_342, %mul3A_354 : vector<16xf32>
      %add3A_356 = arith.constant 112 : i32
      %add3A_357 = arith.addi %mul3A_266, %add3A_356 : i32
      %get3A_358 = arith.index_cast %add3A_357 : i32 to index
      %get3A_359 = tpu.vector_load %arg8[%get3A_358] {strides = array<i32>} : memref<8192xf32, #tpu.memory_space<vmem>>, vector<16xf32>,
      %get3A_360 = vector.shape_cast %get3A_359 : vector<16xf32> to vector<16xf32>
      %add3A_361 = arith.constant 112 : i32
      %add3A_362 = arith.addi %mul3A_266, %add3A_361 : i32
      %get3A_363 = arith.index_cast %add3A_362 : i32 to index
      %get3A_364 = tpu.vector_load %arg14[%get3A_363] {strides = array<i32>} : memref<8192xf32, #tpu.memory_space<vmem>>, vector<16xf32>,
      %get3A_365 = vector.shape_cast %get3A_364 : vector<16xf32> to vector<16xf32>
      %sub3A_366 = arith.subf %get3A_365, %get3A_360 : vector<16xf32>
      %mul3A_367 = arith.mulf %sub3A_366, %sub3A_366 : vector<16xf32>
      %add3A_368 = arith.addf %add3A_355, %mul3A_367 : vector<16xf32>
      scf.yield %add3A_368 : vector<16xf32>
    }
    %scan3A_190 = arith.constant 64 : i32
    %add3A_191 = arith.constant 122880 : i32
    %add3A_192 = arith.addi %multiple_of3A, %add3A_191 : i32
    %dma_start3A_193 = tpu.memref_slice %arg2[%add3A_192] : memref<4194304xf32, #tpu.memory_space<hbm>> -> memref<8192xf32, #tpu.memory_space<hbm>>
    %dma_start3A_194 = tpu.memref_slice %arg2[%add3A_192] : memref<4194304xf32, #tpu.memory_space<hbm>> -> memref<8192xf32, #tpu.memory_space<hbm>>
    tpu.enqueue_dma source(%dma_start3A_194 : memref<8192xf32, #tpu.memory_space<hbm>>) target(%arg8 : memref<8192xf32, #tpu.memory_space<vmem>>) target_semaphore(%arg21 : memref<!tpu.dma_semaphore, #tpu.memory_space<semaphore_mem>>)
    %dma_start3A_195 = tpu.memref_slice %arg3[%add3A_192] : memref<4194304xf32, #tpu.memory_space<hbm>> -> memref<8192xf32, #tpu.memory_space<hbm>>
    %dma_start3A_196 = tpu.memref_slice %arg3[%add3A_192] : memref<4194304xf32, #tpu.memory_space<hbm>> -> memref<8192xf32, #tpu.memory_space<hbm>>
    tpu.enqueue_dma source(%dma_start3A_196 : memref<8192xf32, #tpu.memory_space<hbm>>) target(%arg14 : memref<8192xf32, #tpu.memory_space<vmem>>) target_semaphore(%arg21 : memref<!tpu.dma_semaphore, #tpu.memory_space<semaphore_mem>>)
    %dma_wait3A_197 = tpu.memref_slice %arg2[%add3A_112] : memref<4194304xf32, #tpu.memory_space<hbm>> -> memref<8192xf32, #tpu.memory_space<hbm>>
    %dma_wait3A_198 = tpu.memref_slice %arg2[%add3A_112] : memref<4194304xf32, #tpu.memory_space<hbm>> -> memref<8192xf32, #tpu.memory_space<hbm>>
    tpu.wait_dma2 semaphore(%arg22 : memref<!tpu.dma_semaphore, #tpu.memory_space<semaphore_mem>>) src(%dma_wait3A_198 : memref<8192xf32, #tpu.memory_space<hbm>>) dst(%arg9 : memref<8192xf32, #tpu.memory_space<vmem>>)
    %dma_wait3A_199 = tpu.memref_slice %arg3[%add3A_112] : memref<4194304xf32, #tpu.memory_space<hbm>> -> memref<8192xf32, #tpu.memory_space<hbm>>
    %dma_wait3A_200 = tpu.memref_slice %arg3[%add3A_112] : memref<4194304xf32, #tpu.memory_space<hbm>> -> memref<8192xf32, #tpu.memory_space<hbm>>
    tpu.wait_dma2 semaphore(%arg22 : memref<!tpu.dma_semaphore, #tpu.memory_space<semaphore_mem>>) src(%dma_wait3A_200 : memref<8192xf32, #tpu.memory_space<hbm>>) dst(%arg15 : memref<8192xf32, #tpu.memory_space<vmem>>)
    %scan3A_201 = arith.constant 0 : i32
    %scan3A_202 = arith.constant 64 : i32
    %scan3A_203 = arith.addi %scan3A_201, %scan3A_202 : i32
    %scan3A_204 = arith.constant 1 : i32
    %scan3A_205 = scf.for %scan3A_263 = %scan3A_201 to %scan3A_203 step %scan3A_204 iter_args(%scan3A_264 = %scan3A_189) -> (vector<16xf32>)  : i32 {
      %mul3A_265 = arith.constant 128 : i32
      %mul3A_266 = arith.muli %scan3A_263, %mul3A_265 : i32
      %add3A_267 = arith.constant 0 : i32
      %add3A_268 = arith.addi %mul3A_266, %add3A_267 : i32
      %get3A = arith.index_cast %add3A_268 : i32 to index
      %get3A_269 = tpu.vector_load %arg9[%get3A] {strides = array<i32>} : memref<8192xf32, #tpu.memory_space<vmem>>, vector<16xf32>,
      %get3A_270 = vector.shape_cast %get3A_269 : vector<16xf32> to vector<16xf32>
      %add3A_271 = arith.constant 0 : i32
      %add3A_272 = arith.addi %mul3A_266, %add3A_271 : i32
      %get3A_273 = arith.index_cast %add3A_272 : i32 to index
      %get3A_274 = tpu.vector_load %arg15[%get3A_273] {strides = array<i32>} : memref<8192xf32, #tpu.memory_space<vmem>>, vector<16xf32>,
      %get3A_275 = vector.shape_cast %get3A_274 : vector<16xf32> to vector<16xf32>
      %sub3A = arith.subf %get3A_275, %get3A_270 : vector<16xf32>
      %mul3A_276 = arith.mulf %sub3A, %sub3A : vector<16xf32>
      %add3A_277 = arith.addf %scan3A_264, %mul3A_276 : vector<16xf32>
      %add3A_278 = arith.constant 16 : i32
      %add3A_279 = arith.addi %mul3A_266, %add3A_278 : i32
      %get3A_280 = arith.index_cast %add3A_279 : i32 to index
      %get3A_281 = tpu.vector_load %arg9[%get3A_280] {strides = array<i32>} : memref<8192xf32, #tpu.memory_space<vmem>>, vector<16xf32>,
      %get3A_282 = vector.shape_cast %get3A_281 : vector<16xf32> to vector<16xf32>
      %add3A_283 = arith.constant 16 : i32
      %add3A_284 = arith.addi %mul3A_266, %add3A_283 : i32
      %get3A_285 = arith.index_cast %add3A_284 : i32 to index
      %get3A_286 = tpu.vector_load %arg15[%get3A_285] {strides = array<i32>} : memref<8192xf32, #tpu.memory_space<vmem>>, vector<16xf32>,
      %get3A_287 = vector.shape_cast %get3A_286 : vector<16xf32> to vector<16xf32>
      %sub3A_288 = arith.subf %get3A_287, %get3A_282 : vector<16xf32>
      %mul3A_289 = arith.mulf %sub3A_288, %sub3A_288 : vector<16xf32>
      %add3A_290 = arith.addf %add3A_277, %mul3A_289 : vector<16xf32>
      %add3A_291 = arith.constant 32 : i32
      %add3A_292 = arith.addi %mul3A_266, %add3A_291 : i32
      %get3A_293 = arith.index_cast %add3A_292 : i32 to index
      %get3A_294 = tpu.vector_load %arg9[%get3A_293] {strides = array<i32>} : memref<8192xf32, #tpu.memory_space<vmem>>, vector<16xf32>,
      %get3A_295 = vector.shape_cast %get3A_294 : vector<16xf32> to vector<16xf32>
      %add3A_296 = arith.constant 32 : i32
      %add3A_297 = arith.addi %mul3A_266, %add3A_296 : i32
      %get3A_298 = arith.index_cast %add3A_297 : i32 to index
      %get3A_299 = tpu.vector_load %arg15[%get3A_298] {strides = array<i32>} : memref<8192xf32, #tpu.memory_space<vmem>>, vector<16xf32>,
      %get3A_300 = vector.shape_cast %get3A_299 : vector<16xf32> to vector<16xf32>
      %sub3A_301 = arith.subf %get3A_300, %get3A_295 : vector<16xf32>
      %mul3A_302 = arith.mulf %sub3A_301, %sub3A_301 : vector<16xf32>
      %add3A_303 = arith.addf %add3A_290, %mul3A_302 : vector<16xf32>
      %add3A_304 = arith.constant 48 : i32
      %add3A_305 = arith.addi %mul3A_266, %add3A_304 : i32
      %get3A_306 = arith.index_cast %add3A_305 : i32 to index
      %get3A_307 = tpu.vector_load %arg9[%get3A_306] {strides = array<i32>} : memref<8192xf32, #tpu.memory_space<vmem>>, vector<16xf32>,
      %get3A_308 = vector.shape_cast %get3A_307 : vector<16xf32> to vector<16xf32>
      %add3A_309 = arith.constant 48 : i32
      %add3A_310 = arith.addi %mul3A_266, %add3A_309 : i32
      %get3A_311 = arith.index_cast %add3A_310 : i32 to index
      %get3A_312 = tpu.vector_load %arg15[%get3A_311] {strides = array<i32>} : memref<8192xf32, #tpu.memory_space<vmem>>, vector<16xf32>,
      %get3A_313 = vector.shape_cast %get3A_312 : vector<16xf32> to vector<16xf32>
      %sub3A_314 = arith.subf %get3A_313, %get3A_308 : vector<16xf32>
      %mul3A_315 = arith.mulf %sub3A_314, %sub3A_314 : vector<16xf32>
      %add3A_316 = arith.addf %add3A_303, %mul3A_315 : vector<16xf32>
      %add3A_317 = arith.constant 64 : i32
      %add3A_318 = arith.addi %mul3A_266, %add3A_317 : i32
      %get3A_319 = arith.index_cast %add3A_318 : i32 to index
      %get3A_320 = tpu.vector_load %arg9[%get3A_319] {strides = array<i32>} : memref<8192xf32, #tpu.memory_space<vmem>>, vector<16xf32>,
      %get3A_321 = vector.shape_cast %get3A_320 : vector<16xf32> to vector<16xf32>
      %add3A_322 = arith.constant 64 : i32
      %add3A_323 = arith.addi %mul3A_266, %add3A_322 : i32
      %get3A_324 = arith.index_cast %add3A_323 : i32 to index
      %get3A_325 = tpu.vector_load %arg15[%get3A_324] {strides = array<i32>} : memref<8192xf32, #tpu.memory_space<vmem>>, vector<16xf32>,
      %get3A_326 = vector.shape_cast %get3A_325 : vector<16xf32> to vector<16xf32>
      %sub3A_327 = arith.subf %get3A_326, %get3A_321 : vector<16xf32>
      %mul3A_328 = arith.mulf %sub3A_327, %sub3A_327 : vector<16xf32>
      %add3A_329 = arith.addf %add3A_316, %mul3A_328 : vector<16xf32>
      %add3A_330 = arith.constant 80 : i32
      %add3A_331 = arith.addi %mul3A_266, %add3A_330 : i32
      %get3A_332 = arith.index_cast %add3A_331 : i32 to index
      %get3A_333 = tpu.vector_load %arg9[%get3A_332] {strides = array<i32>} : memref<8192xf32, #tpu.memory_space<vmem>>, vector<16xf32>,
      %get3A_334 = vector.shape_cast %get3A_333 : vector<16xf32> to vector<16xf32>
      %add3A_335 = arith.constant 80 : i32
      %add3A_336 = arith.addi %mul3A_266, %add3A_335 : i32
      %get3A_337 = arith.index_cast %add3A_336 : i32 to index
      %get3A_338 = tpu.vector_load %arg15[%get3A_337] {strides = array<i32>} : memref<8192xf32, #tpu.memory_space<vmem>>, vector<16xf32>,
      %get3A_339 = vector.shape_cast %get3A_338 : vector<16xf32> to vector<16xf32>
      %sub3A_340 = arith.subf %get3A_339, %get3A_334 : vector<16xf32>
      %mul3A_341 = arith.mulf %sub3A_340, %sub3A_340 : vector<16xf32>
      %add3A_342 = arith.addf %add3A_329, %mul3A_341 : vector<16xf32>
      %add3A_343 = arith.constant 96 : i32
      %add3A_344 = arith.addi %mul3A_266, %add3A_343 : i32
      %get3A_345 = arith.index_cast %add3A_344 : i32 to index
      %get3A_346 = tpu.vector_load %arg9[%get3A_345] {strides = array<i32>} : memref<8192xf32, #tpu.memory_space<vmem>>, vector<16xf32>,
      %get3A_347 = vector.shape_cast %get3A_346 : vector<16xf32> to vector<16xf32>
      %add3A_348 = arith.constant 96 : i32
      %add3A_349 = arith.addi %mul3A_266, %add3A_348 : i32
      %get3A_350 = arith.index_cast %add3A_349 : i32 to index
      %get3A_351 = tpu.vector_load %arg15[%get3A_350] {strides = array<i32>} : memref<8192xf32, #tpu.memory_space<vmem>>, vector<16xf32>,
      %get3A_352 = vector.shape_cast %get3A_351 : vector<16xf32> to vector<16xf32>
      %sub3A_353 = arith.subf %get3A_352, %get3A_347 : vector<16xf32>
      %mul3A_354 = arith.mulf %sub3A_353, %sub3A_353 : vector<16xf32>
      %add3A_355 = arith.addf %add3A_342, %mul3A_354 : vector<16xf32>
      %add3A_356 = arith.constant 112 : i32
      %add3A_357 = arith.addi %mul3A_266, %add3A_356 : i32
      %get3A_358 = arith.index_cast %add3A_357 : i32 to index
      %get3A_359 = tpu.vector_load %arg9[%get3A_358] {strides = array<i32>} : memref<8192xf32, #tpu.memory_space<vmem>>, vector<16xf32>,
      %get3A_360 = vector.shape_cast %get3A_359 : vector<16xf32> to vector<16xf32>
      %add3A_361 = arith.constant 112 : i32
      %add3A_362 = arith.addi %mul3A_266, %add3A_361 : i32
      %get3A_363 = arith.index_cast %add3A_362 : i32 to index
      %get3A_364 = tpu.vector_load %arg15[%get3A_363] {strides = array<i32>} : memref<8192xf32, #tpu.memory_space<vmem>>, vector<16xf32>,
      %get3A_365 = vector.shape_cast %get3A_364 : vector<16xf32> to vector<16xf32>
      %sub3A_366 = arith.subf %get3A_365, %get3A_360 : vector<16xf32>
      %mul3A_367 = arith.mulf %sub3A_366, %sub3A_366 : vector<16xf32>
      %add3A_368 = arith.addf %add3A_355, %mul3A_367 : vector<16xf32>
      scf.yield %add3A_368 : vector<16xf32>
    }
    %scan3A_206 = arith.constant 64 : i32
    %dma_wait3A_207 = tpu.memref_slice %arg2[%add3A_128] : memref<4194304xf32, #tpu.memory_space<hbm>> -> memref<8192xf32, #tpu.memory_space<hbm>>
    %dma_wait3A_208 = tpu.memref_slice %arg2[%add3A_128] : memref<4194304xf32, #tpu.memory_space<hbm>> -> memref<8192xf32, #tpu.memory_space<hbm>>
    tpu.wait_dma2 semaphore(%arg23 : memref<!tpu.dma_semaphore, #tpu.memory_space<semaphore_mem>>) src(%dma_wait3A_208 : memref<8192xf32, #tpu.memory_space<hbm>>) dst(%arg10 : memref<8192xf32, #tpu.memory_space<vmem>>)
    %dma_wait3A_209 = tpu.memref_slice %arg3[%add3A_128] : memref<4194304xf32, #tpu.memory_space<hbm>> -> memref<8192xf32, #tpu.memory_space<hbm>>
    %dma_wait3A_210 = tpu.memref_slice %arg3[%add3A_128] : memref<4194304xf32, #tpu.memory_space<hbm>> -> memref<8192xf32, #tpu.memory_space<hbm>>
    tpu.wait_dma2 semaphore(%arg23 : memref<!tpu.dma_semaphore, #tpu.memory_space<semaphore_mem>>) src(%dma_wait3A_210 : memref<8192xf32, #tpu.memory_space<hbm>>) dst(%arg16 : memref<8192xf32, #tpu.memory_space<vmem>>)
    %scan3A_211 = arith.constant 0 : i32
    %scan3A_212 = arith.constant 64 : i32
    %scan3A_213 = arith.addi %scan3A_211, %scan3A_212 : i32
    %scan3A_214 = arith.constant 1 : i32
    %scan3A_215 = scf.for %scan3A_263 = %scan3A_211 to %scan3A_213 step %scan3A_214 iter_args(%scan3A_264 = %scan3A_205) -> (vector<16xf32>)  : i32 {
      %mul3A_265 = arith.constant 128 : i32
      %mul3A_266 = arith.muli %scan3A_263, %mul3A_265 : i32
      %add3A_267 = arith.constant 0 : i32
      %add3A_268 = arith.addi %mul3A_266, %add3A_267 : i32
      %get3A = arith.index_cast %add3A_268 : i32 to index
      %get3A_269 = tpu.vector_load %arg10[%get3A] {strides = array<i32>} : memref<8192xf32, #tpu.memory_space<vmem>>, vector<16xf32>,
      %get3A_270 = vector.shape_cast %get3A_269 : vector<16xf32> to vector<16xf32>
      %add3A_271 = arith.constant 0 : i32
      %add3A_272 = arith.addi %mul3A_266, %add3A_271 : i32
      %get3A_273 = arith.index_cast %add3A_272 : i32 to index
      %get3A_274 = tpu.vector_load %arg16[%get3A_273] {strides = array<i32>} : memref<8192xf32, #tpu.memory_space<vmem>>, vector<16xf32>,
      %get3A_275 = vector.shape_cast %get3A_274 : vector<16xf32> to vector<16xf32>
      %sub3A = arith.subf %get3A_275, %get3A_270 : vector<16xf32>
      %mul3A_276 = arith.mulf %sub3A, %sub3A : vector<16xf32>
      %add3A_277 = arith.addf %scan3A_264, %mul3A_276 : vector<16xf32>
      %add3A_278 = arith.constant 16 : i32
      %add3A_279 = arith.addi %mul3A_266, %add3A_278 : i32
      %get3A_280 = arith.index_cast %add3A_279 : i32 to index
      %get3A_281 = tpu.vector_load %arg10[%get3A_280] {strides = array<i32>} : memref<8192xf32, #tpu.memory_space<vmem>>, vector<16xf32>,
      %get3A_282 = vector.shape_cast %get3A_281 : vector<16xf32> to vector<16xf32>
      %add3A_283 = arith.constant 16 : i32
      %add3A_284 = arith.addi %mul3A_266, %add3A_283 : i32
      %get3A_285 = arith.index_cast %add3A_284 : i32 to index
      %get3A_286 = tpu.vector_load %arg16[%get3A_285] {strides = array<i32>} : memref<8192xf32, #tpu.memory_space<vmem>>, vector<16xf32>,
      %get3A_287 = vector.shape_cast %get3A_286 : vector<16xf32> to vector<16xf32>
      %sub3A_288 = arith.subf %get3A_287, %get3A_282 : vector<16xf32>
      %mul3A_289 = arith.mulf %sub3A_288, %sub3A_288 : vector<16xf32>
      %add3A_290 = arith.addf %add3A_277, %mul3A_289 : vector<16xf32>
      %add3A_291 = arith.constant 32 : i32
      %add3A_292 = arith.addi %mul3A_266, %add3A_291 : i32
      %get3A_293 = arith.index_cast %add3A_292 : i32 to index
      %get3A_294 = tpu.vector_load %arg10[%get3A_293] {strides = array<i32>} : memref<8192xf32, #tpu.memory_space<vmem>>, vector<16xf32>,
      %get3A_295 = vector.shape_cast %get3A_294 : vector<16xf32> to vector<16xf32>
      %add3A_296 = arith.constant 32 : i32
      %add3A_297 = arith.addi %mul3A_266, %add3A_296 : i32
      %get3A_298 = arith.index_cast %add3A_297 : i32 to index
      %get3A_299 = tpu.vector_load %arg16[%get3A_298] {strides = array<i32>} : memref<8192xf32, #tpu.memory_space<vmem>>, vector<16xf32>,
      %get3A_300 = vector.shape_cast %get3A_299 : vector<16xf32> to vector<16xf32>
      %sub3A_301 = arith.subf %get3A_300, %get3A_295 : vector<16xf32>
      %mul3A_302 = arith.mulf %sub3A_301, %sub3A_301 : vector<16xf32>
      %add3A_303 = arith.addf %add3A_290, %mul3A_302 : vector<16xf32>
      %add3A_304 = arith.constant 48 : i32
      %add3A_305 = arith.addi %mul3A_266, %add3A_304 : i32
      %get3A_306 = arith.index_cast %add3A_305 : i32 to index
      %get3A_307 = tpu.vector_load %arg10[%get3A_306] {strides = array<i32>} : memref<8192xf32, #tpu.memory_space<vmem>>, vector<16xf32>,
      %get3A_308 = vector.shape_cast %get3A_307 : vector<16xf32> to vector<16xf32>
      %add3A_309 = arith.constant 48 : i32
      %add3A_310 = arith.addi %mul3A_266, %add3A_309 : i32
      %get3A_311 = arith.index_cast %add3A_310 : i32 to index
      %get3A_312 = tpu.vector_load %arg16[%get3A_311] {strides = array<i32>} : memref<8192xf32, #tpu.memory_space<vmem>>, vector<16xf32>,
      %get3A_313 = vector.shape_cast %get3A_312 : vector<16xf32> to vector<16xf32>
      %sub3A_314 = arith.subf %get3A_313, %get3A_308 : vector<16xf32>
      %mul3A_315 = arith.mulf %sub3A_314, %sub3A_314 : vector<16xf32>
      %add3A_316 = arith.addf %add3A_303, %mul3A_315 : vector<16xf32>
      %add3A_317 = arith.constant 64 : i32
      %add3A_318 = arith.addi %mul3A_266, %add3A_317 : i32
      %get3A_319 = arith.index_cast %add3A_318 : i32 to index
      %get3A_320 = tpu.vector_load %arg10[%get3A_319] {strides = array<i32>} : memref<8192xf32, #tpu.memory_space<vmem>>, vector<16xf32>,
      %get3A_321 = vector.shape_cast %get3A_320 : vector<16xf32> to vector<16xf32>
      %add3A_322 = arith.constant 64 : i32
      %add3A_323 = arith.addi %mul3A_266, %add3A_322 : i32
      %get3A_324 = arith.index_cast %add3A_323 : i32 to index
      %get3A_325 = tpu.vector_load %arg16[%get3A_324] {strides = array<i32>} : memref<8192xf32, #tpu.memory_space<vmem>>, vector<16xf32>,
      %get3A_326 = vector.shape_cast %get3A_325 : vector<16xf32> to vector<16xf32>
      %sub3A_327 = arith.subf %get3A_326, %get3A_321 : vector<16xf32>
      %mul3A_328 = arith.mulf %sub3A_327, %sub3A_327 : vector<16xf32>
      %add3A_329 = arith.addf %add3A_316, %mul3A_328 : vector<16xf32>
      %add3A_330 = arith.constant 80 : i32
      %add3A_331 = arith.addi %mul3A_266, %add3A_330 : i32
      %get3A_332 = arith.index_cast %add3A_331 : i32 to index
      %get3A_333 = tpu.vector_load %arg10[%get3A_332] {strides = array<i32>} : memref<8192xf32, #tpu.memory_space<vmem>>, vector<16xf32>,
      %get3A_334 = vector.shape_cast %get3A_333 : vector<16xf32> to vector<16xf32>
      %add3A_335 = arith.constant 80 : i32
      %add3A_336 = arith.addi %mul3A_266, %add3A_335 : i32
      %get3A_337 = arith.index_cast %add3A_336 : i32 to index
      %get3A_338 = tpu.vector_load %arg16[%get3A_337] {strides = array<i32>} : memref<8192xf32, #tpu.memory_space<vmem>>, vector<16xf32>,
      %get3A_339 = vector.shape_cast %get3A_338 : vector<16xf32> to vector<16xf32>
      %sub3A_340 = arith.subf %get3A_339, %get3A_334 : vector<16xf32>
      %mul3A_341 = arith.mulf %sub3A_340, %sub3A_340 : vector<16xf32>
      %add3A_342 = arith.addf %add3A_329, %mul3A_341 : vector<16xf32>
      %add3A_343 = arith.constant 96 : i32
      %add3A_344 = arith.addi %mul3A_266, %add3A_343 : i32
      %get3A_345 = arith.index_cast %add3A_344 : i32 to index
      %get3A_346 = tpu.vector_load %arg10[%get3A_345] {strides = array<i32>} : memref<8192xf32, #tpu.memory_space<vmem>>, vector<16xf32>,
      %get3A_347 = vector.shape_cast %get3A_346 : vector<16xf32> to vector<16xf32>
      %add3A_348 = arith.constant 96 : i32
      %add3A_349 = arith.addi %mul3A_266, %add3A_348 : i32
      %get3A_350 = arith.index_cast %add3A_349 : i32 to index
      %get3A_351 = tpu.vector_load %arg16[%get3A_350] {strides = array<i32>} : memref<8192xf32, #tpu.memory_space<vmem>>, vector<16xf32>,
      %get3A_352 = vector.shape_cast %get3A_351 : vector<16xf32> to vector<16xf32>
      %sub3A_353 = arith.subf %get3A_352, %get3A_347 : vector<16xf32>
      %mul3A_354 = arith.mulf %sub3A_353, %sub3A_353 : vector<16xf32>
      %add3A_355 = arith.addf %add3A_342, %mul3A_354 : vector<16xf32>
      %add3A_356 = arith.constant 112 : i32
      %add3A_357 = arith.addi %mul3A_266, %add3A_356 : i32
      %get3A_358 = arith.index_cast %add3A_357 : i32 to index
      %get3A_359 = tpu.vector_load %arg10[%get3A_358] {strides = array<i32>} : memref<8192xf32, #tpu.memory_space<vmem>>, vector<16xf32>,
      %get3A_360 = vector.shape_cast %get3A_359 : vector<16xf32> to vector<16xf32>
      %add3A_361 = arith.constant 112 : i32
      %add3A_362 = arith.addi %mul3A_266, %add3A_361 : i32
      %get3A_363 = arith.index_cast %add3A_362 : i32 to index
      %get3A_364 = tpu.vector_load %arg16[%get3A_363] {strides = array<i32>} : memref<8192xf32, #tpu.memory_space<vmem>>, vector<16xf32>,
      %get3A_365 = vector.shape_cast %get3A_364 : vector<16xf32> to vector<16xf32>
      %sub3A_366 = arith.subf %get3A_365, %get3A_360 : vector<16xf32>
      %mul3A_367 = arith.mulf %sub3A_366, %sub3A_366 : vector<16xf32>
      %add3A_368 = arith.addf %add3A_355, %mul3A_367 : vector<16xf32>
      scf.yield %add3A_368 : vector<16xf32>
    }
    %scan3A_216 = arith.constant 64 : i32
    %dma_wait3A_217 = tpu.memref_slice %arg2[%add3A_144] : memref<4194304xf32, #tpu.memory_space<hbm>> -> memref<8192xf32, #tpu.memory_space<hbm>>
    %dma_wait3A_218 = tpu.memref_slice %arg2[%add3A_144] : memref<4194304xf32, #tpu.memory_space<hbm>> -> memref<8192xf32, #tpu.memory_space<hbm>>
    tpu.wait_dma2 semaphore(%arg18 : memref<!tpu.dma_semaphore, #tpu.memory_space<semaphore_mem>>) src(%dma_wait3A_218 : memref<8192xf32, #tpu.memory_space<hbm>>) dst(%arg5 : memref<8192xf32, #tpu.memory_space<vmem>>)
    %dma_wait3A_219 = tpu.memref_slice %arg3[%add3A_144] : memref<4194304xf32, #tpu.memory_space<hbm>> -> memref<8192xf32, #tpu.memory_space<hbm>>
    %dma_wait3A_220 = tpu.memref_slice %arg3[%add3A_144] : memref<4194304xf32, #tpu.memory_space<hbm>> -> memref<8192xf32, #tpu.memory_space<hbm>>
    tpu.wait_dma2 semaphore(%arg18 : memref<!tpu.dma_semaphore, #tpu.memory_space<semaphore_mem>>) src(%dma_wait3A_220 : memref<8192xf32, #tpu.memory_space<hbm>>) dst(%arg11 : memref<8192xf32, #tpu.memory_space<vmem>>)
    %scan3A_221 = arith.constant 0 : i32
    %scan3A_222 = arith.constant 64 : i32
    %scan3A_223 = arith.addi %scan3A_221, %scan3A_222 : i32
    %scan3A_224 = arith.constant 1 : i32
    %scan3A_225 = scf.for %scan3A_263 = %scan3A_221 to %scan3A_223 step %scan3A_224 iter_args(%scan3A_264 = %scan3A_215) -> (vector<16xf32>)  : i32 {
      %mul3A_265 = arith.constant 128 : i32
      %mul3A_266 = arith.muli %scan3A_263, %mul3A_265 : i32
      %add3A_267 = arith.constant 0 : i32
      %add3A_268 = arith.addi %mul3A_266, %add3A_267 : i32
      %get3A = arith.index_cast %add3A_268 : i32 to index
      %get3A_269 = tpu.vector_load %arg5[%get3A] {strides = array<i32>} : memref<8192xf32, #tpu.memory_space<vmem>>, vector<16xf32>,
      %get3A_270 = vector.shape_cast %get3A_269 : vector<16xf32> to vector<16xf32>
      %add3A_271 = arith.constant 0 : i32
      %add3A_272 = arith.addi %mul3A_266, %add3A_271 : i32
      %get3A_273 = arith.index_cast %add3A_272 : i32 to index
      %get3A_274 = tpu.vector_load %arg11[%get3A_273] {strides = array<i32>} : memref<8192xf32, #tpu.memory_space<vmem>>, vector<16xf32>,
      %get3A_275 = vector.shape_cast %get3A_274 : vector<16xf32> to vector<16xf32>
      %sub3A = arith.subf %get3A_275, %get3A_270 : vector<16xf32>
      %mul3A_276 = arith.mulf %sub3A, %sub3A : vector<16xf32>
      %add3A_277 = arith.addf %scan3A_264, %mul3A_276 : vector<16xf32>
      %add3A_278 = arith.constant 16 : i32
      %add3A_279 = arith.addi %mul3A_266, %add3A_278 : i32
      %get3A_280 = arith.index_cast %add3A_279 : i32 to index
      %get3A_281 = tpu.vector_load %arg5[%get3A_280] {strides = array<i32>} : memref<8192xf32, #tpu.memory_space<vmem>>, vector<16xf32>,
      %get3A_282 = vector.shape_cast %get3A_281 : vector<16xf32> to vector<16xf32>
      %add3A_283 = arith.constant 16 : i32
      %add3A_284 = arith.addi %mul3A_266, %add3A_283 : i32
      %get3A_285 = arith.index_cast %add3A_284 : i32 to index
      %get3A_286 = tpu.vector_load %arg11[%get3A_285] {strides = array<i32>} : memref<8192xf32, #tpu.memory_space<vmem>>, vector<16xf32>,
      %get3A_287 = vector.shape_cast %get3A_286 : vector<16xf32> to vector<16xf32>
      %sub3A_288 = arith.subf %get3A_287, %get3A_282 : vector<16xf32>
      %mul3A_289 = arith.mulf %sub3A_288, %sub3A_288 : vector<16xf32>
      %add3A_290 = arith.addf %add3A_277, %mul3A_289 : vector<16xf32>
      %add3A_291 = arith.constant 32 : i32
      %add3A_292 = arith.addi %mul3A_266, %add3A_291 : i32
      %get3A_293 = arith.index_cast %add3A_292 : i32 to index
      %get3A_294 = tpu.vector_load %arg5[%get3A_293] {strides = array<i32>} : memref<8192xf32, #tpu.memory_space<vmem>>, vector<16xf32>,
      %get3A_295 = vector.shape_cast %get3A_294 : vector<16xf32> to vector<16xf32>
      %add3A_296 = arith.constant 32 : i32
      %add3A_297 = arith.addi %mul3A_266, %add3A_296 : i32
      %get3A_298 = arith.index_cast %add3A_297 : i32 to index
      %get3A_299 = tpu.vector_load %arg11[%get3A_298] {strides = array<i32>} : memref<8192xf32, #tpu.memory_space<vmem>>, vector<16xf32>,
      %get3A_300 = vector.shape_cast %get3A_299 : vector<16xf32> to vector<16xf32>
      %sub3A_301 = arith.subf %get3A_300, %get3A_295 : vector<16xf32>
      %mul3A_302 = arith.mulf %sub3A_301, %sub3A_301 : vector<16xf32>
      %add3A_303 = arith.addf %add3A_290, %mul3A_302 : vector<16xf32>
      %add3A_304 = arith.constant 48 : i32
      %add3A_305 = arith.addi %mul3A_266, %add3A_304 : i32
      %get3A_306 = arith.index_cast %add3A_305 : i32 to index
      %get3A_307 = tpu.vector_load %arg5[%get3A_306] {strides = array<i32>} : memref<8192xf32, #tpu.memory_space<vmem>>, vector<16xf32>,
      %get3A_308 = vector.shape_cast %get3A_307 : vector<16xf32> to vector<16xf32>
      %add3A_309 = arith.constant 48 : i32
      %add3A_310 = arith.addi %mul3A_266, %add3A_309 : i32
      %get3A_311 = arith.index_cast %add3A_310 : i32 to index
      %get3A_312 = tpu.vector_load %arg11[%get3A_311] {strides = array<i32>} : memref<8192xf32, #tpu.memory_space<vmem>>, vector<16xf32>,
      %get3A_313 = vector.shape_cast %get3A_312 : vector<16xf32> to vector<16xf32>
      %sub3A_314 = arith.subf %get3A_313, %get3A_308 : vector<16xf32>
      %mul3A_315 = arith.mulf %sub3A_314, %sub3A_314 : vector<16xf32>
      %add3A_316 = arith.addf %add3A_303, %mul3A_315 : vector<16xf32>
      %add3A_317 = arith.constant 64 : i32
      %add3A_318 = arith.addi %mul3A_266, %add3A_317 : i32
      %get3A_319 = arith.index_cast %add3A_318 : i32 to index
      %get3A_320 = tpu.vector_load %arg5[%get3A_319] {strides = array<i32>} : memref<8192xf32, #tpu.memory_space<vmem>>, vector<16xf32>,
      %get3A_321 = vector.shape_cast %get3A_320 : vector<16xf32> to vector<16xf32>
      %add3A_322 = arith.constant 64 : i32
      %add3A_323 = arith.addi %mul3A_266, %add3A_322 : i32
      %get3A_324 = arith.index_cast %add3A_323 : i32 to index
      %get3A_325 = tpu.vector_load %arg11[%get3A_324] {strides = array<i32>} : memref<8192xf32, #tpu.memory_space<vmem>>, vector<16xf32>,
      %get3A_326 = vector.shape_cast %get3A_325 : vector<16xf32> to vector<16xf32>
      %sub3A_327 = arith.subf %get3A_326, %get3A_321 : vector<16xf32>
      %mul3A_328 = arith.mulf %sub3A_327, %sub3A_327 : vector<16xf32>
      %add3A_329 = arith.addf %add3A_316, %mul3A_328 : vector<16xf32>
      %add3A_330 = arith.constant 80 : i32
      %add3A_331 = arith.addi %mul3A_266, %add3A_330 : i32
      %get3A_332 = arith.index_cast %add3A_331 : i32 to index
      %get3A_333 = tpu.vector_load %arg5[%get3A_332] {strides = array<i32>} : memref<8192xf32, #tpu.memory_space<vmem>>, vector<16xf32>,
      %get3A_334 = vector.shape_cast %get3A_333 : vector<16xf32> to vector<16xf32>
      %add3A_335 = arith.constant 80 : i32
      %add3A_336 = arith.addi %mul3A_266, %add3A_335 : i32
      %get3A_337 = arith.index_cast %add3A_336 : i32 to index
      %get3A_338 = tpu.vector_load %arg11[%get3A_337] {strides = array<i32>} : memref<8192xf32, #tpu.memory_space<vmem>>, vector<16xf32>,
      %get3A_339 = vector.shape_cast %get3A_338 : vector<16xf32> to vector<16xf32>
      %sub3A_340 = arith.subf %get3A_339, %get3A_334 : vector<16xf32>
      %mul3A_341 = arith.mulf %sub3A_340, %sub3A_340 : vector<16xf32>
      %add3A_342 = arith.addf %add3A_329, %mul3A_341 : vector<16xf32>
      %add3A_343 = arith.constant 96 : i32
      %add3A_344 = arith.addi %mul3A_266, %add3A_343 : i32
      %get3A_345 = arith.index_cast %add3A_344 : i32 to index
      %get3A_346 = tpu.vector_load %arg5[%get3A_345] {strides = array<i32>} : memref<8192xf32, #tpu.memory_space<vmem>>, vector<16xf32>,
      %get3A_347 = vector.shape_cast %get3A_346 : vector<16xf32> to vector<16xf32>
      %add3A_348 = arith.constant 96 : i32
      %add3A_349 = arith.addi %mul3A_266, %add3A_348 : i32
      %get3A_350 = arith.index_cast %add3A_349 : i32 to index
      %get3A_351 = tpu.vector_load %arg11[%get3A_350] {strides = array<i32>} : memref<8192xf32, #tpu.memory_space<vmem>>, vector<16xf32>,
      %get3A_352 = vector.shape_cast %get3A_351 : vector<16xf32> to vector<16xf32>
      %sub3A_353 = arith.subf %get3A_352, %get3A_347 : vector<16xf32>
      %mul3A_354 = arith.mulf %sub3A_353, %sub3A_353 : vector<16xf32>
      %add3A_355 = arith.addf %add3A_342, %mul3A_354 : vector<16xf32>
      %add3A_356 = arith.constant 112 : i32
      %add3A_357 = arith.addi %mul3A_266, %add3A_356 : i32
      %get3A_358 = arith.index_cast %add3A_357 : i32 to index
      %get3A_359 = tpu.vector_load %arg5[%get3A_358] {strides = array<i32>} : memref<8192xf32, #tpu.memory_space<vmem>>, vector<16xf32>,
      %get3A_360 = vector.shape_cast %get3A_359 : vector<16xf32> to vector<16xf32>
      %add3A_361 = arith.constant 112 : i32
      %add3A_362 = arith.addi %mul3A_266, %add3A_361 : i32
      %get3A_363 = arith.index_cast %add3A_362 : i32 to index
      %get3A_364 = tpu.vector_load %arg11[%get3A_363] {strides = array<i32>} : memref<8192xf32, #tpu.memory_space<vmem>>, vector<16xf32>,
      %get3A_365 = vector.shape_cast %get3A_364 : vector<16xf32> to vector<16xf32>
      %sub3A_366 = arith.subf %get3A_365, %get3A_360 : vector<16xf32>
      %mul3A_367 = arith.mulf %sub3A_366, %sub3A_366 : vector<16xf32>
      %add3A_368 = arith.addf %add3A_355, %mul3A_367 : vector<16xf32>
      scf.yield %add3A_368 : vector<16xf32>
    }
    %scan3A_226 = arith.constant 64 : i32
    %dma_wait3A_227 = tpu.memref_slice %arg2[%add3A_160] : memref<4194304xf32, #tpu.memory_space<hbm>> -> memref<8192xf32, #tpu.memory_space<hbm>>
    %dma_wait3A_228 = tpu.memref_slice %arg2[%add3A_160] : memref<4194304xf32, #tpu.memory_space<hbm>> -> memref<8192xf32, #tpu.memory_space<hbm>>
    tpu.wait_dma2 semaphore(%arg19 : memref<!tpu.dma_semaphore, #tpu.memory_space<semaphore_mem>>) src(%dma_wait3A_228 : memref<8192xf32, #tpu.memory_space<hbm>>) dst(%arg6 : memref<8192xf32, #tpu.memory_space<vmem>>)
    %dma_wait3A_229 = tpu.memref_slice %arg3[%add3A_160] : memref<4194304xf32, #tpu.memory_space<hbm>> -> memref<8192xf32, #tpu.memory_space<hbm>>
    %dma_wait3A_230 = tpu.memref_slice %arg3[%add3A_160] : memref<4194304xf32, #tpu.memory_space<hbm>> -> memref<8192xf32, #tpu.memory_space<hbm>>
    tpu.wait_dma2 semaphore(%arg19 : memref<!tpu.dma_semaphore, #tpu.memory_space<semaphore_mem>>) src(%dma_wait3A_230 : memref<8192xf32, #tpu.memory_space<hbm>>) dst(%arg12 : memref<8192xf32, #tpu.memory_space<vmem>>)
    %scan3A_231 = arith.constant 0 : i32
    %scan3A_232 = arith.constant 64 : i32
    %scan3A_233 = arith.addi %scan3A_231, %scan3A_232 : i32
    %scan3A_234 = arith.constant 1 : i32
    %scan3A_235 = scf.for %scan3A_263 = %scan3A_231 to %scan3A_233 step %scan3A_234 iter_args(%scan3A_264 = %scan3A_225) -> (vector<16xf32>)  : i32 {
      %mul3A_265 = arith.constant 128 : i32
      %mul3A_266 = arith.muli %scan3A_263, %mul3A_265 : i32
      %add3A_267 = arith.constant 0 : i32
      %add3A_268 = arith.addi %mul3A_266, %add3A_267 : i32
      %get3A = arith.index_cast %add3A_268 : i32 to index
      %get3A_269 = tpu.vector_load %arg6[%get3A] {strides = array<i32>} : memref<8192xf32, #tpu.memory_space<vmem>>, vector<16xf32>,
      %get3A_270 = vector.shape_cast %get3A_269 : vector<16xf32> to vector<16xf32>
      %add3A_271 = arith.constant 0 : i32
      %add3A_272 = arith.addi %mul3A_266, %add3A_271 : i32
      %get3A_273 = arith.index_cast %add3A_272 : i32 to index
      %get3A_274 = tpu.vector_load %arg12[%get3A_273] {strides = array<i32>} : memref<8192xf32, #tpu.memory_space<vmem>>, vector<16xf32>,
      %get3A_275 = vector.shape_cast %get3A_274 : vector<16xf32> to vector<16xf32>
      %sub3A = arith.subf %get3A_275, %get3A_270 : vector<16xf32>
      %mul3A_276 = arith.mulf %sub3A, %sub3A : vector<16xf32>
      %add3A_277 = arith.addf %scan3A_264, %mul3A_276 : vector<16xf32>
      %add3A_278 = arith.constant 16 : i32
      %add3A_279 = arith.addi %mul3A_266, %add3A_278 : i32
      %get3A_280 = arith.index_cast %add3A_279 : i32 to index
      %get3A_281 = tpu.vector_load %arg6[%get3A_280] {strides = array<i32>} : memref<8192xf32, #tpu.memory_space<vmem>>, vector<16xf32>,
      %get3A_282 = vector.shape_cast %get3A_281 : vector<16xf32> to vector<16xf32>
      %add3A_283 = arith.constant 16 : i32
      %add3A_284 = arith.addi %mul3A_266, %add3A_283 : i32
      %get3A_285 = arith.index_cast %add3A_284 : i32 to index
      %get3A_286 = tpu.vector_load %arg12[%get3A_285] {strides = array<i32>} : memref<8192xf32, #tpu.memory_space<vmem>>, vector<16xf32>,
      %get3A_287 = vector.shape_cast %get3A_286 : vector<16xf32> to vector<16xf32>
      %sub3A_288 = arith.subf %get3A_287, %get3A_282 : vector<16xf32>
      %mul3A_289 = arith.mulf %sub3A_288, %sub3A_288 : vector<16xf32>
      %add3A_290 = arith.addf %add3A_277, %mul3A_289 : vector<16xf32>
      %add3A_291 = arith.constant 32 : i32
      %add3A_292 = arith.addi %mul3A_266, %add3A_291 : i32
      %get3A_293 = arith.index_cast %add3A_292 : i32 to index
      %get3A_294 = tpu.vector_load %arg6[%get3A_293] {strides = array<i32>} : memref<8192xf32, #tpu.memory_space<vmem>>, vector<16xf32>,
      %get3A_295 = vector.shape_cast %get3A_294 : vector<16xf32> to vector<16xf32>
      %add3A_296 = arith.constant 32 : i32
      %add3A_297 = arith.addi %mul3A_266, %add3A_296 : i32
      %get3A_298 = arith.index_cast %add3A_297 : i32 to index
      %get3A_299 = tpu.vector_load %arg12[%get3A_298] {strides = array<i32>} : memref<8192xf32, #tpu.memory_space<vmem>>, vector<16xf32>,
      %get3A_300 = vector.shape_cast %get3A_299 : vector<16xf32> to vector<16xf32>
      %sub3A_301 = arith.subf %get3A_300, %get3A_295 : vector<16xf32>
      %mul3A_302 = arith.mulf %sub3A_301, %sub3A_301 : vector<16xf32>
      %add3A_303 = arith.addf %add3A_290, %mul3A_302 : vector<16xf32>
      %add3A_304 = arith.constant 48 : i32
      %add3A_305 = arith.addi %mul3A_266, %add3A_304 : i32
      %get3A_306 = arith.index_cast %add3A_305 : i32 to index
      %get3A_307 = tpu.vector_load %arg6[%get3A_306] {strides = array<i32>} : memref<8192xf32, #tpu.memory_space<vmem>>, vector<16xf32>,
      %get3A_308 = vector.shape_cast %get3A_307 : vector<16xf32> to vector<16xf32>
      %add3A_309 = arith.constant 48 : i32
      %add3A_310 = arith.addi %mul3A_266, %add3A_309 : i32
      %get3A_311 = arith.index_cast %add3A_310 : i32 to index
      %get3A_312 = tpu.vector_load %arg12[%get3A_311] {strides = array<i32>} : memref<8192xf32, #tpu.memory_space<vmem>>, vector<16xf32>,
      %get3A_313 = vector.shape_cast %get3A_312 : vector<16xf32> to vector<16xf32>
      %sub3A_314 = arith.subf %get3A_313, %get3A_308 : vector<16xf32>
      %mul3A_315 = arith.mulf %sub3A_314, %sub3A_314 : vector<16xf32>
      %add3A_316 = arith.addf %add3A_303, %mul3A_315 : vector<16xf32>
      %add3A_317 = arith.constant 64 : i32
      %add3A_318 = arith.addi %mul3A_266, %add3A_317 : i32
      %get3A_319 = arith.index_cast %add3A_318 : i32 to index
      %get3A_320 = tpu.vector_load %arg6[%get3A_319] {strides = array<i32>} : memref<8192xf32, #tpu.memory_space<vmem>>, vector<16xf32>,
      %get3A_321 = vector.shape_cast %get3A_320 : vector<16xf32> to vector<16xf32>
      %add3A_322 = arith.constant 64 : i32
      %add3A_323 = arith.addi %mul3A_266, %add3A_322 : i32
      %get3A_324 = arith.index_cast %add3A_323 : i32 to index
      %get3A_325 = tpu.vector_load %arg12[%get3A_324] {strides = array<i32>} : memref<8192xf32, #tpu.memory_space<vmem>>, vector<16xf32>,
      %get3A_326 = vector.shape_cast %get3A_325 : vector<16xf32> to vector<16xf32>
      %sub3A_327 = arith.subf %get3A_326, %get3A_321 : vector<16xf32>
      %mul3A_328 = arith.mulf %sub3A_327, %sub3A_327 : vector<16xf32>
      %add3A_329 = arith.addf %add3A_316, %mul3A_328 : vector<16xf32>
      %add3A_330 = arith.constant 80 : i32
      %add3A_331 = arith.addi %mul3A_266, %add3A_330 : i32
      %get3A_332 = arith.index_cast %add3A_331 : i32 to index
      %get3A_333 = tpu.vector_load %arg6[%get3A_332] {strides = array<i32>} : memref<8192xf32, #tpu.memory_space<vmem>>, vector<16xf32>,
      %get3A_334 = vector.shape_cast %get3A_333 : vector<16xf32> to vector<16xf32>
      %add3A_335 = arith.constant 80 : i32
      %add3A_336 = arith.addi %mul3A_266, %add3A_335 : i32
      %get3A_337 = arith.index_cast %add3A_336 : i32 to index
      %get3A_338 = tpu.vector_load %arg12[%get3A_337] {strides = array<i32>} : memref<8192xf32, #tpu.memory_space<vmem>>, vector<16xf32>,
      %get3A_339 = vector.shape_cast %get3A_338 : vector<16xf32> to vector<16xf32>
      %sub3A_340 = arith.subf %get3A_339, %get3A_334 : vector<16xf32>
      %mul3A_341 = arith.mulf %sub3A_340, %sub3A_340 : vector<16xf32>
      %add3A_342 = arith.addf %add3A_329, %mul3A_341 : vector<16xf32>
      %add3A_343 = arith.constant 96 : i32
      %add3A_344 = arith.addi %mul3A_266, %add3A_343 : i32
      %get3A_345 = arith.index_cast %add3A_344 : i32 to index
      %get3A_346 = tpu.vector_load %arg6[%get3A_345] {strides = array<i32>} : memref<8192xf32, #tpu.memory_space<vmem>>, vector<16xf32>,
      %get3A_347 = vector.shape_cast %get3A_346 : vector<16xf32> to vector<16xf32>
      %add3A_348 = arith.constant 96 : i32
      %add3A_349 = arith.addi %mul3A_266, %add3A_348 : i32
      %get3A_350 = arith.index_cast %add3A_349 : i32 to index
      %get3A_351 = tpu.vector_load %arg12[%get3A_350] {strides = array<i32>} : memref<8192xf32, #tpu.memory_space<vmem>>, vector<16xf32>,
      %get3A_352 = vector.shape_cast %get3A_351 : vector<16xf32> to vector<16xf32>
      %sub3A_353 = arith.subf %get3A_352, %get3A_347 : vector<16xf32>
      %mul3A_354 = arith.mulf %sub3A_353, %sub3A_353 : vector<16xf32>
      %add3A_355 = arith.addf %add3A_342, %mul3A_354 : vector<16xf32>
      %add3A_356 = arith.constant 112 : i32
      %add3A_357 = arith.addi %mul3A_266, %add3A_356 : i32
      %get3A_358 = arith.index_cast %add3A_357 : i32 to index
      %get3A_359 = tpu.vector_load %arg6[%get3A_358] {strides = array<i32>} : memref<8192xf32, #tpu.memory_space<vmem>>, vector<16xf32>,
      %get3A_360 = vector.shape_cast %get3A_359 : vector<16xf32> to vector<16xf32>
      %add3A_361 = arith.constant 112 : i32
      %add3A_362 = arith.addi %mul3A_266, %add3A_361 : i32
      %get3A_363 = arith.index_cast %add3A_362 : i32 to index
      %get3A_364 = tpu.vector_load %arg12[%get3A_363] {strides = array<i32>} : memref<8192xf32, #tpu.memory_space<vmem>>, vector<16xf32>,
      %get3A_365 = vector.shape_cast %get3A_364 : vector<16xf32> to vector<16xf32>
      %sub3A_366 = arith.subf %get3A_365, %get3A_360 : vector<16xf32>
      %mul3A_367 = arith.mulf %sub3A_366, %sub3A_366 : vector<16xf32>
      %add3A_368 = arith.addf %add3A_355, %mul3A_367 : vector<16xf32>
      scf.yield %add3A_368 : vector<16xf32>
    }
    %scan3A_236 = arith.constant 64 : i32
    %dma_wait3A_237 = tpu.memref_slice %arg2[%add3A_176] : memref<4194304xf32, #tpu.memory_space<hbm>> -> memref<8192xf32, #tpu.memory_space<hbm>>
    %dma_wait3A_238 = tpu.memref_slice %arg2[%add3A_176] : memref<4194304xf32, #tpu.memory_space<hbm>> -> memref<8192xf32, #tpu.memory_space<hbm>>
    tpu.wait_dma2 semaphore(%arg20 : memref<!tpu.dma_semaphore, #tpu.memory_space<semaphore_mem>>) src(%dma_wait3A_238 : memref<8192xf32, #tpu.memory_space<hbm>>) dst(%arg7 : memref<8192xf32, #tpu.memory_space<vmem>>)
    %dma_wait3A_239 = tpu.memref_slice %arg3[%add3A_176] : memref<4194304xf32, #tpu.memory_space<hbm>> -> memref<8192xf32, #tpu.memory_space<hbm>>
    %dma_wait3A_240 = tpu.memref_slice %arg3[%add3A_176] : memref<4194304xf32, #tpu.memory_space<hbm>> -> memref<8192xf32, #tpu.memory_space<hbm>>
    tpu.wait_dma2 semaphore(%arg20 : memref<!tpu.dma_semaphore, #tpu.memory_space<semaphore_mem>>) src(%dma_wait3A_240 : memref<8192xf32, #tpu.memory_space<hbm>>) dst(%arg13 : memref<8192xf32, #tpu.memory_space<vmem>>)
    %scan3A_241 = arith.constant 0 : i32
    %scan3A_242 = arith.constant 64 : i32
    %scan3A_243 = arith.addi %scan3A_241, %scan3A_242 : i32
    %scan3A_244 = arith.constant 1 : i32
    %scan3A_245 = scf.for %scan3A_263 = %scan3A_241 to %scan3A_243 step %scan3A_244 iter_args(%scan3A_264 = %scan3A_235) -> (vector<16xf32>)  : i32 {
      %mul3A_265 = arith.constant 128 : i32
      %mul3A_266 = arith.muli %scan3A_263, %mul3A_265 : i32
      %add3A_267 = arith.constant 0 : i32
      %add3A_268 = arith.addi %mul3A_266, %add3A_267 : i32
      %get3A = arith.index_cast %add3A_268 : i32 to index
      %get3A_269 = tpu.vector_load %arg7[%get3A] {strides = array<i32>} : memref<8192xf32, #tpu.memory_space<vmem>>, vector<16xf32>,
      %get3A_270 = vector.shape_cast %get3A_269 : vector<16xf32> to vector<16xf32>
      %add3A_271 = arith.constant 0 : i32
      %add3A_272 = arith.addi %mul3A_266, %add3A_271 : i32
      %get3A_273 = arith.index_cast %add3A_272 : i32 to index
      %get3A_274 = tpu.vector_load %arg13[%get3A_273] {strides = array<i32>} : memref<8192xf32, #tpu.memory_space<vmem>>, vector<16xf32>,
      %get3A_275 = vector.shape_cast %get3A_274 : vector<16xf32> to vector<16xf32>
      %sub3A = arith.subf %get3A_275, %get3A_270 : vector<16xf32>
      %mul3A_276 = arith.mulf %sub3A, %sub3A : vector<16xf32>
      %add3A_277 = arith.addf %scan3A_264, %mul3A_276 : vector<16xf32>
      %add3A_278 = arith.constant 16 : i32
      %add3A_279 = arith.addi %mul3A_266, %add3A_278 : i32
      %get3A_280 = arith.index_cast %add3A_279 : i32 to index
      %get3A_281 = tpu.vector_load %arg7[%get3A_280] {strides = array<i32>} : memref<8192xf32, #tpu.memory_space<vmem>>, vector<16xf32>,
      %get3A_282 = vector.shape_cast %get3A_281 : vector<16xf32> to vector<16xf32>
      %add3A_283 = arith.constant 16 : i32
      %add3A_284 = arith.addi %mul3A_266, %add3A_283 : i32
      %get3A_285 = arith.index_cast %add3A_284 : i32 to index
      %get3A_286 = tpu.vector_load %arg13[%get3A_285] {strides = array<i32>} : memref<8192xf32, #tpu.memory_space<vmem>>, vector<16xf32>,
      %get3A_287 = vector.shape_cast %get3A_286 : vector<16xf32> to vector<16xf32>
      %sub3A_288 = arith.subf %get3A_287, %get3A_282 : vector<16xf32>
      %mul3A_289 = arith.mulf %sub3A_288, %sub3A_288 : vector<16xf32>
      %add3A_290 = arith.addf %add3A_277, %mul3A_289 : vector<16xf32>
      %add3A_291 = arith.constant 32 : i32
      %add3A_292 = arith.addi %mul3A_266, %add3A_291 : i32
      %get3A_293 = arith.index_cast %add3A_292 : i32 to index
      %get3A_294 = tpu.vector_load %arg7[%get3A_293] {strides = array<i32>} : memref<8192xf32, #tpu.memory_space<vmem>>, vector<16xf32>,
      %get3A_295 = vector.shape_cast %get3A_294 : vector<16xf32> to vector<16xf32>
      %add3A_296 = arith.constant 32 : i32
      %add3A_297 = arith.addi %mul3A_266, %add3A_296 : i32
      %get3A_298 = arith.index_cast %add3A_297 : i32 to index
      %get3A_299 = tpu.vector_load %arg13[%get3A_298] {strides = array<i32>} : memref<8192xf32, #tpu.memory_space<vmem>>, vector<16xf32>,
      %get3A_300 = vector.shape_cast %get3A_299 : vector<16xf32> to vector<16xf32>
      %sub3A_301 = arith.subf %get3A_300, %get3A_295 : vector<16xf32>
      %mul3A_302 = arith.mulf %sub3A_301, %sub3A_301 : vector<16xf32>
      %add3A_303 = arith.addf %add3A_290, %mul3A_302 : vector<16xf32>
      %add3A_304 = arith.constant 48 : i32
      %add3A_305 = arith.addi %mul3A_266, %add3A_304 : i32
      %get3A_306 = arith.index_cast %add3A_305 : i32 to index
      %get3A_307 = tpu.vector_load %arg7[%get3A_306] {strides = array<i32>} : memref<8192xf32, #tpu.memory_space<vmem>>, vector<16xf32>,
      %get3A_308 = vector.shape_cast %get3A_307 : vector<16xf32> to vector<16xf32>
      %add3A_309 = arith.constant 48 : i32
      %add3A_310 = arith.addi %mul3A_266, %add3A_309 : i32
      %get3A_311 = arith.index_cast %add3A_310 : i32 to index
      %get3A_312 = tpu.vector_load %arg13[%get3A_311] {strides = array<i32>} : memref<8192xf32, #tpu.memory_space<vmem>>, vector<16xf32>,
      %get3A_313 = vector.shape_cast %get3A_312 : vector<16xf32> to vector<16xf32>
      %sub3A_314 = arith.subf %get3A_313, %get3A_308 : vector<16xf32>
      %mul3A_315 = arith.mulf %sub3A_314, %sub3A_314 : vector<16xf32>
      %add3A_316 = arith.addf %add3A_303, %mul3A_315 : vector<16xf32>
      %add3A_317 = arith.constant 64 : i32
      %add3A_318 = arith.addi %mul3A_266, %add3A_317 : i32
      %get3A_319 = arith.index_cast %add3A_318 : i32 to index
      %get3A_320 = tpu.vector_load %arg7[%get3A_319] {strides = array<i32>} : memref<8192xf32, #tpu.memory_space<vmem>>, vector<16xf32>,
      %get3A_321 = vector.shape_cast %get3A_320 : vector<16xf32> to vector<16xf32>
      %add3A_322 = arith.constant 64 : i32
      %add3A_323 = arith.addi %mul3A_266, %add3A_322 : i32
      %get3A_324 = arith.index_cast %add3A_323 : i32 to index
      %get3A_325 = tpu.vector_load %arg13[%get3A_324] {strides = array<i32>} : memref<8192xf32, #tpu.memory_space<vmem>>, vector<16xf32>,
      %get3A_326 = vector.shape_cast %get3A_325 : vector<16xf32> to vector<16xf32>
      %sub3A_327 = arith.subf %get3A_326, %get3A_321 : vector<16xf32>
      %mul3A_328 = arith.mulf %sub3A_327, %sub3A_327 : vector<16xf32>
      %add3A_329 = arith.addf %add3A_316, %mul3A_328 : vector<16xf32>
      %add3A_330 = arith.constant 80 : i32
      %add3A_331 = arith.addi %mul3A_266, %add3A_330 : i32
      %get3A_332 = arith.index_cast %add3A_331 : i32 to index
      %get3A_333 = tpu.vector_load %arg7[%get3A_332] {strides = array<i32>} : memref<8192xf32, #tpu.memory_space<vmem>>, vector<16xf32>,
      %get3A_334 = vector.shape_cast %get3A_333 : vector<16xf32> to vector<16xf32>
      %add3A_335 = arith.constant 80 : i32
      %add3A_336 = arith.addi %mul3A_266, %add3A_335 : i32
      %get3A_337 = arith.index_cast %add3A_336 : i32 to index
      %get3A_338 = tpu.vector_load %arg13[%get3A_337] {strides = array<i32>} : memref<8192xf32, #tpu.memory_space<vmem>>, vector<16xf32>,
      %get3A_339 = vector.shape_cast %get3A_338 : vector<16xf32> to vector<16xf32>
      %sub3A_340 = arith.subf %get3A_339, %get3A_334 : vector<16xf32>
      %mul3A_341 = arith.mulf %sub3A_340, %sub3A_340 : vector<16xf32>
      %add3A_342 = arith.addf %add3A_329, %mul3A_341 : vector<16xf32>
      %add3A_343 = arith.constant 96 : i32
      %add3A_344 = arith.addi %mul3A_266, %add3A_343 : i32
      %get3A_345 = arith.index_cast %add3A_344 : i32 to index
      %get3A_346 = tpu.vector_load %arg7[%get3A_345] {strides = array<i32>} : memref<8192xf32, #tpu.memory_space<vmem>>, vector<16xf32>,
      %get3A_347 = vector.shape_cast %get3A_346 : vector<16xf32> to vector<16xf32>
      %add3A_348 = arith.constant 96 : i32
      %add3A_349 = arith.addi %mul3A_266, %add3A_348 : i32
      %get3A_350 = arith.index_cast %add3A_349 : i32 to index
      %get3A_351 = tpu.vector_load %arg13[%get3A_350] {strides = array<i32>} : memref<8192xf32, #tpu.memory_space<vmem>>, vector<16xf32>,
      %get3A_352 = vector.shape_cast %get3A_351 : vector<16xf32> to vector<16xf32>
      %sub3A_353 = arith.subf %get3A_352, %get3A_347 : vector<16xf32>
      %mul3A_354 = arith.mulf %sub3A_353, %sub3A_353 : vector<16xf32>
      %add3A_355 = arith.addf %add3A_342, %mul3A_354 : vector<16xf32>
      %add3A_356 = arith.constant 112 : i32
      %add3A_357 = arith.addi %mul3A_266, %add3A_356 : i32
      %get3A_358 = arith.index_cast %add3A_357 : i32 to index
      %get3A_359 = tpu.vector_load %arg7[%get3A_358] {strides = array<i32>} : memref<8192xf32, #tpu.memory_space<vmem>>, vector<16xf32>,
      %get3A_360 = vector.shape_cast %get3A_359 : vector<16xf32> to vector<16xf32>
      %add3A_361 = arith.constant 112 : i32
      %add3A_362 = arith.addi %mul3A_266, %add3A_361 : i32
      %get3A_363 = arith.index_cast %add3A_362 : i32 to index
      %get3A_364 = tpu.vector_load %arg13[%get3A_363] {strides = array<i32>} : memref<8192xf32, #tpu.memory_space<vmem>>, vector<16xf32>,
      %get3A_365 = vector.shape_cast %get3A_364 : vector<16xf32> to vector<16xf32>
      %sub3A_366 = arith.subf %get3A_365, %get3A_360 : vector<16xf32>
      %mul3A_367 = arith.mulf %sub3A_366, %sub3A_366 : vector<16xf32>
      %add3A_368 = arith.addf %add3A_355, %mul3A_367 : vector<16xf32>
      scf.yield %add3A_368 : vector<16xf32>
    }
    %scan3A_246 = arith.constant 64 : i32
    %dma_wait3A_247 = tpu.memref_slice %arg2[%add3A_192] : memref<4194304xf32, #tpu.memory_space<hbm>> -> memref<8192xf32, #tpu.memory_space<hbm>>
    %dma_wait3A_248 = tpu.memref_slice %arg2[%add3A_192] : memref<4194304xf32, #tpu.memory_space<hbm>> -> memref<8192xf32, #tpu.memory_space<hbm>>
    tpu.wait_dma2 semaphore(%arg21 : memref<!tpu.dma_semaphore, #tpu.memory_space<semaphore_mem>>) src(%dma_wait3A_248 : memref<8192xf32, #tpu.memory_space<hbm>>) dst(%arg8 : memref<8192xf32, #tpu.memory_space<vmem>>)
    %dma_wait3A_249 = tpu.memref_slice %arg3[%add3A_192] : memref<4194304xf32, #tpu.memory_space<hbm>> -> memref<8192xf32, #tpu.memory_space<hbm>>
    %dma_wait3A_250 = tpu.memref_slice %arg3[%add3A_192] : memref<4194304xf32, #tpu.memory_space<hbm>> -> memref<8192xf32, #tpu.memory_space<hbm>>
    tpu.wait_dma2 semaphore(%arg21 : memref<!tpu.dma_semaphore, #tpu.memory_space<semaphore_mem>>) src(%dma_wait3A_250 : memref<8192xf32, #tpu.memory_space<hbm>>) dst(%arg14 : memref<8192xf32, #tpu.memory_space<vmem>>)
    %scan3A_251 = arith.constant 0 : i32
    %scan3A_252 = arith.constant 64 : i32
    %scan3A_253 = arith.addi %scan3A_251, %scan3A_252 : i32
    %scan3A_254 = arith.constant 1 : i32
    %scan3A_255 = scf.for %scan3A_263 = %scan3A_251 to %scan3A_253 step %scan3A_254 iter_args(%scan3A_264 = %scan3A_245) -> (vector<16xf32>)  : i32 {
      %mul3A_265 = arith.constant 128 : i32
      %mul3A_266 = arith.muli %scan3A_263, %mul3A_265 : i32
      %add3A_267 = arith.constant 0 : i32
      %add3A_268 = arith.addi %mul3A_266, %add3A_267 : i32
      %get3A = arith.index_cast %add3A_268 : i32 to index
      %get3A_269 = tpu.vector_load %arg8[%get3A] {strides = array<i32>} : memref<8192xf32, #tpu.memory_space<vmem>>, vector<16xf32>,
      %get3A_270 = vector.shape_cast %get3A_269 : vector<16xf32> to vector<16xf32>
      %add3A_271 = arith.constant 0 : i32
      %add3A_272 = arith.addi %mul3A_266, %add3A_271 : i32
      %get3A_273 = arith.index_cast %add3A_272 : i32 to index
      %get3A_274 = tpu.vector_load %arg14[%get3A_273] {strides = array<i32>} : memref<8192xf32, #tpu.memory_space<vmem>>, vector<16xf32>,
      %get3A_275 = vector.shape_cast %get3A_274 : vector<16xf32> to vector<16xf32>
      %sub3A = arith.subf %get3A_275, %get3A_270 : vector<16xf32>
      %mul3A_276 = arith.mulf %sub3A, %sub3A : vector<16xf32>
      %add3A_277 = arith.addf %scan3A_264, %mul3A_276 : vector<16xf32>
      %add3A_278 = arith.constant 16 : i32
      %add3A_279 = arith.addi %mul3A_266, %add3A_278 : i32
      %get3A_280 = arith.index_cast %add3A_279 : i32 to index
      %get3A_281 = tpu.vector_load %arg8[%get3A_280] {strides = array<i32>} : memref<8192xf32, #tpu.memory_space<vmem>>, vector<16xf32>,
      %get3A_282 = vector.shape_cast %get3A_281 : vector<16xf32> to vector<16xf32>
      %add3A_283 = arith.constant 16 : i32
      %add3A_284 = arith.addi %mul3A_266, %add3A_283 : i32
      %get3A_285 = arith.index_cast %add3A_284 : i32 to index
      %get3A_286 = tpu.vector_load %arg14[%get3A_285] {strides = array<i32>} : memref<8192xf32, #tpu.memory_space<vmem>>, vector<16xf32>,
      %get3A_287 = vector.shape_cast %get3A_286 : vector<16xf32> to vector<16xf32>
      %sub3A_288 = arith.subf %get3A_287, %get3A_282 : vector<16xf32>
      %mul3A_289 = arith.mulf %sub3A_288, %sub3A_288 : vector<16xf32>
      %add3A_290 = arith.addf %add3A_277, %mul3A_289 : vector<16xf32>
      %add3A_291 = arith.constant 32 : i32
      %add3A_292 = arith.addi %mul3A_266, %add3A_291 : i32
      %get3A_293 = arith.index_cast %add3A_292 : i32 to index
      %get3A_294 = tpu.vector_load %arg8[%get3A_293] {strides = array<i32>} : memref<8192xf32, #tpu.memory_space<vmem>>, vector<16xf32>,
      %get3A_295 = vector.shape_cast %get3A_294 : vector<16xf32> to vector<16xf32>
      %add3A_296 = arith.constant 32 : i32
      %add3A_297 = arith.addi %mul3A_266, %add3A_296 : i32
      %get3A_298 = arith.index_cast %add3A_297 : i32 to index
      %get3A_299 = tpu.vector_load %arg14[%get3A_298] {strides = array<i32>} : memref<8192xf32, #tpu.memory_space<vmem>>, vector<16xf32>,
      %get3A_300 = vector.shape_cast %get3A_299 : vector<16xf32> to vector<16xf32>
      %sub3A_301 = arith.subf %get3A_300, %get3A_295 : vector<16xf32>
      %mul3A_302 = arith.mulf %sub3A_301, %sub3A_301 : vector<16xf32>
      %add3A_303 = arith.addf %add3A_290, %mul3A_302 : vector<16xf32>
      %add3A_304 = arith.constant 48 : i32
      %add3A_305 = arith.addi %mul3A_266, %add3A_304 : i32
      %get3A_306 = arith.index_cast %add3A_305 : i32 to index
      %get3A_307 = tpu.vector_load %arg8[%get3A_306] {strides = array<i32>} : memref<8192xf32, #tpu.memory_space<vmem>>, vector<16xf32>,
      %get3A_308 = vector.shape_cast %get3A_307 : vector<16xf32> to vector<16xf32>
      %add3A_309 = arith.constant 48 : i32
      %add3A_310 = arith.addi %mul3A_266, %add3A_309 : i32
      %get3A_311 = arith.index_cast %add3A_310 : i32 to index
      %get3A_312 = tpu.vector_load %arg14[%get3A_311] {strides = array<i32>} : memref<8192xf32, #tpu.memory_space<vmem>>, vector<16xf32>,
      %get3A_313 = vector.shape_cast %get3A_312 : vector<16xf32> to vector<16xf32>
      %sub3A_314 = arith.subf %get3A_313, %get3A_308 : vector<16xf32>
      %mul3A_315 = arith.mulf %sub3A_314, %sub3A_314 : vector<16xf32>
      %add3A_316 = arith.addf %add3A_303, %mul3A_315 : vector<16xf32>
      %add3A_317 = arith.constant 64 : i32
      %add3A_318 = arith.addi %mul3A_266, %add3A_317 : i32
      %get3A_319 = arith.index_cast %add3A_318 : i32 to index
      %get3A_320 = tpu.vector_load %arg8[%get3A_319] {strides = array<i32>} : memref<8192xf32, #tpu.memory_space<vmem>>, vector<16xf32>,
      %get3A_321 = vector.shape_cast %get3A_320 : vector<16xf32> to vector<16xf32>
      %add3A_322 = arith.constant 64 : i32
      %add3A_323 = arith.addi %mul3A_266, %add3A_322 : i32
      %get3A_324 = arith.index_cast %add3A_323 : i32 to index
      %get3A_325 = tpu.vector_load %arg14[%get3A_324] {strides = array<i32>} : memref<8192xf32, #tpu.memory_space<vmem>>, vector<16xf32>,
      %get3A_326 = vector.shape_cast %get3A_325 : vector<16xf32> to vector<16xf32>
      %sub3A_327 = arith.subf %get3A_326, %get3A_321 : vector<16xf32>
      %mul3A_328 = arith.mulf %sub3A_327, %sub3A_327 : vector<16xf32>
      %add3A_329 = arith.addf %add3A_316, %mul3A_328 : vector<16xf32>
      %add3A_330 = arith.constant 80 : i32
      %add3A_331 = arith.addi %mul3A_266, %add3A_330 : i32
      %get3A_332 = arith.index_cast %add3A_331 : i32 to index
      %get3A_333 = tpu.vector_load %arg8[%get3A_332] {strides = array<i32>} : memref<8192xf32, #tpu.memory_space<vmem>>, vector<16xf32>,
      %get3A_334 = vector.shape_cast %get3A_333 : vector<16xf32> to vector<16xf32>
      %add3A_335 = arith.constant 80 : i32
      %add3A_336 = arith.addi %mul3A_266, %add3A_335 : i32
      %get3A_337 = arith.index_cast %add3A_336 : i32 to index
      %get3A_338 = tpu.vector_load %arg14[%get3A_337] {strides = array<i32>} : memref<8192xf32, #tpu.memory_space<vmem>>, vector<16xf32>,
      %get3A_339 = vector.shape_cast %get3A_338 : vector<16xf32> to vector<16xf32>
      %sub3A_340 = arith.subf %get3A_339, %get3A_334 : vector<16xf32>
      %mul3A_341 = arith.mulf %sub3A_340, %sub3A_340 : vector<16xf32>
      %add3A_342 = arith.addf %add3A_329, %mul3A_341 : vector<16xf32>
      %add3A_343 = arith.constant 96 : i32
      %add3A_344 = arith.addi %mul3A_266, %add3A_343 : i32
      %get3A_345 = arith.index_cast %add3A_344 : i32 to index
      %get3A_346 = tpu.vector_load %arg8[%get3A_345] {strides = array<i32>} : memref<8192xf32, #tpu.memory_space<vmem>>, vector<16xf32>,
      %get3A_347 = vector.shape_cast %get3A_346 : vector<16xf32> to vector<16xf32>
      %add3A_348 = arith.constant 96 : i32
      %add3A_349 = arith.addi %mul3A_266, %add3A_348 : i32
      %get3A_350 = arith.index_cast %add3A_349 : i32 to index
      %get3A_351 = tpu.vector_load %arg14[%get3A_350] {strides = array<i32>} : memref<8192xf32, #tpu.memory_space<vmem>>, vector<16xf32>,
      %get3A_352 = vector.shape_cast %get3A_351 : vector<16xf32> to vector<16xf32>
      %sub3A_353 = arith.subf %get3A_352, %get3A_347 : vector<16xf32>
      %mul3A_354 = arith.mulf %sub3A_353, %sub3A_353 : vector<16xf32>
      %add3A_355 = arith.addf %add3A_342, %mul3A_354 : vector<16xf32>
      %add3A_356 = arith.constant 112 : i32
      %add3A_357 = arith.addi %mul3A_266, %add3A_356 : i32
      %get3A_358 = arith.index_cast %add3A_357 : i32 to index
      %get3A_359 = tpu.vector_load %arg8[%get3A_358] {strides = array<i32>} : memref<8192xf32, #tpu.memory_space<vmem>>, vector<16xf32>,
      %get3A_360 = vector.shape_cast %get3A_359 : vector<16xf32> to vector<16xf32>
      %add3A_361 = arith.constant 112 : i32
      %add3A_362 = arith.addi %mul3A_266, %add3A_361 : i32
      %get3A_363 = arith.index_cast %add3A_362 : i32 to index
      %get3A_364 = tpu.vector_load %arg14[%get3A_363] {strides = array<i32>} : memref<8192xf32, #tpu.memory_space<vmem>>, vector<16xf32>,
      %get3A_365 = vector.shape_cast %get3A_364 : vector<16xf32> to vector<16xf32>
      %sub3A_366 = arith.subf %get3A_365, %get3A_360 : vector<16xf32>
      %mul3A_367 = arith.mulf %sub3A_366, %sub3A_366 : vector<16xf32>
      %add3A_368 = arith.addf %add3A_355, %mul3A_367 : vector<16xf32>
      scf.yield %add3A_368 : vector<16xf32>
    }
    %scan3A_256 = arith.constant 64 : i32
    %mul3A_257 = arith.constant 2.38418579E-7 : f32
    %mul3A_258 = vector.broadcast %mul3A_257 : f32 to vector<16xf32>
    %mul3A_259 = arith.mulf %scan3A_255, %mul3A_258 : vector<16xf32>
    %swap3A = arith.constant 0 : index
    %swap3A_260 = tpu.vector_load %arg17[%swap3A] {strides = array<i32>} : memref<16xf32, #tpu.memory_space<vmem>>, vector<16xf32>,
    %swap3A_261 = vector.shape_cast %swap3A_260 : vector<16xf32> to vector<16xf32>
    %swap3A_262 = vector.shape_cast %mul3A_259 : vector<16xf32> to vector<16xf32>
    tpu.vector_store %arg17[%swap3A], %swap3A_262 {strides = array<i32>} : memref<16xf32, #tpu.memory_space<vmem>>, vector<16xf32>,
    "tpu.region"() ({
      %run_scoped3A = tpu.sem_alloc : memref<!tpu.dma_semaphore, #tpu.memory_space<semaphore_mem>>
      %dma_start3A_263 = arith.constant 0 : i32
      %dma_start3A_264 = tpu.memref_slice %arg4[%add3A, %dma_start3A_263] : memref<32x16xf32, #tpu.memory_space<hbm>> -> memref<1x16xf32, #tpu.memory_space<hbm>>
      %dma_start3A_265 = tpu.memref_squeeze %dma_start3A_264 : memref<1x16xf32, #tpu.memory_space<hbm>> -> memref<16xf32, #tpu.memory_space<hbm>>
      %dma_start3A_266 = arith.constant 0 : i32
      %dma_start3A_267 = tpu.memref_slice %arg4[%add3A, %dma_start3A_266] : memref<32x16xf32, #tpu.memory_space<hbm>> -> memref<1x16xf32, #tpu.memory_space<hbm>>
      %dma_start3A_268 = tpu.memref_squeeze %dma_start3A_267 : memref<1x16xf32, #tpu.memory_space<hbm>> -> memref<16xf32, #tpu.memory_space<hbm>>
      tpu.enqueue_dma source(%arg17 : memref<16xf32, #tpu.memory_space<vmem>>) target(%dma_start3A_268 : memref<16xf32, #tpu.memory_space<hbm>>) target_semaphore(%run_scoped3A : memref<!tpu.dma_semaphore, #tpu.memory_space<semaphore_mem>>)
      %dma_wait3A_269 = arith.constant 0 : i32
      %dma_wait3A_270 = tpu.memref_slice %arg4[%add3A, %dma_wait3A_269] : memref<32x16xf32, #tpu.memory_space<hbm>> -> memref<1x16xf32, #tpu.memory_space<hbm>>
      %dma_wait3A_271 = tpu.memref_squeeze %dma_wait3A_270 : memref<1x16xf32, #tpu.memory_space<hbm>> -> memref<16xf32, #tpu.memory_space<hbm>>
      %dma_wait3A_272 = arith.constant 0 : i32
      %dma_wait3A_273 = tpu.memref_slice %arg4[%add3A, %dma_wait3A_272] : memref<32x16xf32, #tpu.memory_space<hbm>> -> memref<1x16xf32, #tpu.memory_space<hbm>>
      %dma_wait3A_274 = tpu.memref_squeeze %dma_wait3A_273 : memref<1x16xf32, #tpu.memory_space<hbm>> -> memref<16xf32, #tpu.memory_space<hbm>>
      tpu.wait_dma2 semaphore(%run_scoped3A : memref<!tpu.dma_semaphore, #tpu.memory_space<semaphore_mem>>) src(%arg17 : memref<16xf32, #tpu.memory_space<vmem>>) dst(%dma_wait3A_274 : memref<16xf32, #tpu.memory_space<hbm>>)
      tpu.yield
    }) : () -> ()
    return
  }
}

module attributes {stable_mosaic.version = 14 : i64} {
  func.func @_final_body(%arg0: memref<32x16xf32, #tpu.memory_space<vmem>>, %arg1: memref<1x1xf32, #tpu.memory_space<vmem>>) attributes {dimension_semantics = [], scalar_prefetch = 0 : i64, scratch_operands = 0 : i64, tpu.core_type = #tpu.core_type<tc>} {
    %get3A = arith.constant 0 : index
    %get3A_0 = arith.constant 0 : index
    %get3A_1 = vector.load %arg0[%get3A, %get3A_0] : memref<32x16xf32, #tpu.memory_space<vmem>>, vector<32x16xf32>
    %reduce_sum3A = vector.shape_cast %get3A_1 : vector<32x16xf32> to vector<1x32x16xf32>
    %reduce_sum3A_2 = arith.constant dense<0.000000e+00> : vector<1xf32>
    %reduce_sum3A_3 = vector.multi_reduction <add>, %reduce_sum3A, %reduce_sum3A_2 [1, 2] : vector<1x32x16xf32> to vector<1xf32>
    %reduce_sum3A_4 = vector.shape_cast %reduce_sum3A_3 : vector<1xf32> to vector<1x1x1xf32>
    %reduce_sum3A_5 = vector.extract %reduce_sum3A_4[0, 0, 0] : f32 from vector<1x1x1xf32>
    %reshape3A = vector.broadcast %reduce_sum3A_5 : f32 to vector<1x1xf32>
    %swap3A = arith.constant 0 : index
    %swap3A_6 = arith.constant 0 : index
    %swap3A_7 = vector.load %arg1[%swap3A, %swap3A_6] : memref<1x1xf32, #tpu.memory_space<vmem>>, vector<1x1xf32>
    tpu.vector_store %arg1[%swap3A, %swap3A_6], %reshape3A {strides = array<i32>} : memref<1x1xf32, #tpu.memory_space<vmem>>, vector<1x1xf32>,
    return
  }
}

</mosaic_0001>

<sc_bundles>
// kernel: kernel.4.cloned.1.call-start
scs
__scs_entry_jumppad:
0x0: {  	(pc) =	sbr.rel $0x88, $3  }
0x1: {  	(tag) =	ssettag $0x0;
	lr =	simm.s32 $0x1  }
0x2: {  	[smem:$0x3F9F] =	sst lr;
	_ =	strace $0xD0000000  }
0x3: {  	_ = 	snop  }
0x4: {  	_ = 	snop  }
0x5: {  	_ = 	snop  }
0x6: {  	_ = 	snop  }
0x7: {  	_ = 	snop  }
__scs_overlays_trampoline_lowered:
0x8: {  	[smem:$0x3FAE] =	sst s0  }
0x9: {  	[smem:$0x3FAF] =	sst s1  }
0xa: {  	[smem:$0x3FB0] =	sst s2  }
0xb: {  	[smem:$0x3FB1] =	sst s3  }
0xc: {  	[smem:$0x3FB2] =	sst s4  }
0xd: {  	[smem:$0x3FB3] =	sst s5  }
0xe: {  	[smem:$0x3FB4] =	sst s6  }
0xf: {  	[smem:$0x3FB5] =	sst s7  }
0x10: {  	[smem:$0x3FB6] =	sst s8  }
0x11: {  	[smem:$0x3FB7] =	sst s9;
	s0 =	simm.s32 @!p0 $0x0  }
0x12: {  	s1 =	sld [smem:$0x3F9D];
	s0 =	simm.s32 @p0 $0x1  }
0x13: {  	[smem:$0x3FB8] =	sst s0;
	s0 =	simm.s32 @!p1 $0x0  }
0x14: {  	s2 =	sld [smem:$0x3F9C];
	s0 =	simm.s32 @p1 $0x1  }
0x15: {  	[smem:$0x3FB9] =	sst s0;
	s0 =	simm.s32 @!p2 $0x0  }
0x16: {  	s3 =	sld [smem:$0x3FDB];
	s0 =	simm.s32 @p2 $0x1  }
0x17: {  	s4 =	simm.s32 $0x1BF5;
	[smem:$0x3FBB] =	sst s0  }
0x18: {  	s0 =	sld [smem:$0x3F9E];
	_ =	swait.ge [sflag:s4], $0x0  }
0x19: {  	s7 =	sld [smem:$0x3F9F]  }
0x1a: {  	s8 =	sadd.s32 $0xFFFFE003, lr  }
0x1b: {  	s9 =	sadd.s32 $0xFFFFFEF7, lr;
	s5 =	simm.s32 $0xFFFFFFFF;
	p2 =	slt.u32 s8, $0xFFFFF086  }
0x1c: {  	p1 =	slt.u32 s9, $0xF7A;
	s5 =	simm.s32 @!p2 $0x0  }
0x1d: {  	s5 =	simm.s32 @p1 $0x1;
	p0 =	seq.s32 s7, s2  }
0x1e: {  	s7 =	smul.u32 @!p0 $0xF7A, s2;
	p2 =	seq.s32 @!p0 s5, $0x0  }
0x1f: {  	s9 =	smul.u32 $0xF7A, s1;
	s8 =	simm.s32 @!p0 $0x1BF5;
	p2 =	por !p2, p0  }
0x20: {  	[sflag:s8] =	ssyncset.s32 @!p0 $0xFFFFF086;
	s6 =	sadd.s32 @!p0 s3, s7;
	s7 =	simm.s32 @!p0 $0x108  }
0x21: {  	s3 =	sadd.s32 s3, s9;
	s6 =	sadd.s32 @!p0 $0x88, s6;
	s7 =	simm.s32 @p2 $0x1082  }
0x22: {  	[simem:s7], [sflag:s8] =	dma.local @!p0 [hbm:s6], $0xF7A  }
0x23: {  	s9 =	sor.u32 $0xD0000000, s2;
	s6 =	simm.s32 $0x108;
	_ =	swait.ge @!p0 [sflag:s8], $0x0  }
0x24: {  	s3 =	sadd.s32 $0x88, s3;
	s6 =	simm.s32 @!p1 $0x1082;
	[sflag:s4] =	ssyncset.s32 $0xFFFFF086  }
0x25: {  	[simem:s6], [sflag:s4] =	dma.local [hbm:s3], $0xF7A  }
0x26: {  	[smem:$0x3F9F] =	sst s1;
	(tag) =	ssettag s2;
	_ =	strace s9  }
0x27: {  	s1 =	sld [smem:$0x3FAF]  }
0x28: {  	s2 =	sld [smem:$0x3FB0]  }
0x29: {  	s4 =	sld [smem:$0x3FB2]  }
0x2a: {  	p0 =	seq.s32 s5, $0x0;
	s5 =	sld [smem:$0x3FB3]  }
0x2b: {  	s6 =	sld [smem:$0x3FB4]  }
0x2c: {  	s7 =	sld [smem:$0x3FB5]  }
0x2d: {  	s3 =	simm.s32 $0x108;
	s8 =	sld [smem:$0x3FB6]  }
0x2e: {  	s3 =	simm.s32 @!p0 $0x1082;
	s9 =	sld [smem:$0x3FB7]  }
0x2f: {  	lr =	sadd.s32 s0, s3;
	s0 =	sld [smem:$0x3FAE]  }
0x30: {  	s3 =	sld [smem:$0x3FB1]  }
0x31: {  	[smem:$0x3FBA] =	sst s10  }
0x32: {  	s10 =	sld [smem:$0x3FB8];
	_ =	sdelay $0x3  }
0x33: {  	p0 =	seq.s32 s10, $0x1;
	s10 =	sld [smem:$0x3FBA];
	_ =	sdelay $0x3  }
0x34: {  	[smem:$0x3FBA] =	sst s10  }
0x35: {  	s10 =	sld [smem:$0x3FB9];
	_ =	sdelay $0x3  }
0x36: {  	p1 =	seq.s32 s10, $0x1;
	s10 =	sld [smem:$0x3FBA];
	_ =	sdelay $0x3  }
0x37: {  	[smem:$0x3FBA] =	sst s10  }
0x38: {  	s10 =	sld [smem:$0x3FBB]  }
0x39: {  	_ = 	snop;
	(pc) =	sbr.ind lr, $3  }
0x3a: {  	_ = 	snop  }
0x3b: {  	_ = 	snop  }
0x3c: {  	p2 =	seq.s32 s10, $0x1;
	s10 =	sld [smem:$0x3FBA]  }
0x3d: {  	_ =	shalt  }
0x3e: {  	_ =	shalt  }
0x3f: {  	_ =	shalt  }
0x40: {  	_ =	shalt  }
0x41: {  	_ =	shalt  }
0x42: {  	_ =	shalt  }
0x43: {  	_ =	shalt  }
0x44: {  	_ =	shalt  }
0x45: {  	_ =	shalt  }
0x46: {  	_ =	shalt  }
0x47: {  	_ =	shalt  }
0x48: {  	_ =	shalt  }
0x49: {  	_ =	shalt  }
0x4a: {  	_ =	shalt  }
0x4b: {  	_ =	shalt  }
0x4c: {  	_ =	shalt  }
0x4d: {  	_ =	shalt  }
0x4e: {  	_ =	shalt  }
0x4f: {  	_ =	shalt  }
0x50: {  	_ =	shalt  }
0x51: {  	_ =	shalt  }
0x52: {  	_ =	shalt  }
0x53: {  	_ =	shalt  }
0x54: {  	_ =	shalt  }
0x55: {  	_ =	shalt  }
0x56: {  	_ =	shalt  }
0x57: {  	_ =	shalt  }
0x58: {  	_ =	shalt  }
0x59: {  	_ =	shalt  }
0x5a: {  	_ =	shalt  }
0x5b: {  	_ =	shalt  }
0x5c: {  	_ =	shalt  }
0x5d: {  	_ =	shalt  }
0x5e: {  	_ =	shalt  }
0x5f: {  	_ =	shalt  }
0x60: {  	_ =	shalt  }
0x61: {  	_ =	shalt  }
0x62: {  	_ =	shalt  }
0x63: {  	_ =	shalt  }
0x64: {  	_ =	shalt  }
0x65: {  	_ =	shalt  }
0x66: {  	_ =	shalt  }
0x67: {  	_ =	shalt  }
0x68: {  	_ =	shalt  }
0x69: {  	_ =	shalt  }
0x6a: {  	_ =	shalt  }
0x6b: {  	_ =	shalt  }
0x6c: {  	_ =	shalt  }
0x6d: {  	_ =	shalt  }
0x6e: {  	_ =	shalt  }
0x6f: {  	_ =	shalt  }
0x70: {  	_ =	shalt  }
0x71: {  	_ =	shalt  }
0x72: {  	_ =	shalt  }
0x73: {  	_ =	shalt  }
0x74: {  	_ =	shalt  }
0x75: {  	_ =	shalt  }
0x76: {  	_ =	shalt  }
0x77: {  	_ =	shalt  }
0x78: {  	_ =	shalt  }
0x79: {  	_ =	shalt  }
0x7a: {  	_ =	shalt  }
0x7b: {  	_ =	shalt  }
0x7c: {  	_ =	shalt  }
0x7d: {  	_ =	shalt  }
0x7e: {  	_ =	shalt  }
0x7f: {  	_ =	shalt  }
0x80: {  	_ =	shalt  }
0x81: {  	_ =	shalt  }
0x82: {  	_ =	shalt  }
0x83: {  	_ =	shalt  }
0x84: {  	_ =	shalt  }
0x85: {  	_ =	shalt  }
0x86: {  	_ =	shalt  }
0x87: {  	_ =	shalt  }
.Lfunc_end0:
.L_simem_size_0:
called_computation_lowered:
.L_overlay_start_0:
0x88: {  	s2 =	sld [smem:$0x3FD9]  }
0x89: {  	s3 =	sld [smem:$0x3FFE];
	_ =	sdelay $0x1  }
0x8a: {  	s1 =	srdreg.scid  }
0x8b: {  	s0 =	sand.u32 $0x1, s1  }
0x8c: {  	s17 =	sshll.u32 s0, $0xA;
	s2 =	sadd.s32 s3, s2  }
0x8d: {  	s2 =	sadd.s32 s2, s17  }
0x8e: {  	[smem:$0x3FC6] =	sst s2  }
0x8f: {  	_ = 	snop  }
0x90: {  	s2 =	sld [smem:$0x3FC9]  }
0x91: {  	s18 =	sld [smem:$0x3FC8];
	(tm) =	ssettm $0x1  }
0x92: {  	s4 =	sld [smem:$0x3FFB];
	_ =	sdelay $0x3  }
0x93: {  	_ =	strace s4  }
0x94: {  	s4 =	sld [smem:$0x3FFC];
	_ =	sdelay $0x3  }
0x95: {  	_ =	strace s4  }
0x96: {  	s4 =	sld [smem:$0x3FFD];
	_ =	sdelay $0x3  }
0x97: {  	_ =	strace s4  }
0x98: {  	_ =	strace $0x8FFFFFFF  }
0x99: {  	s19 =	sld [smem:$0x3FDB];
	_ =	sdelay $0x1  }
0x9a: {  	s5 =	simm.s32 $_scs_section_size  }
0x9b: {  	s6 =	simm.s32 $_size__tile_overlayer_lowered;
	s7 =	simm.s32 $_tile_overlayer_lowered  }
0x9c: {  	s22 =	simm.s32 $0x1BFF;
	s21 =	sshll.u32 s7, $0x1;
	s4 =	sadd.s32 s5, s19  }
0x9d: {  	s8 =	simm.s32 $0x0;
	s20 =	sshll.u32 s6, $0x1;
	s6 =	sadd.s32 s21, s4  }
0x9e: {  	[timem:s8], [sflag:s22] =	dma.local [hbm:s6], s20  }
0x9f: {  	_ =	swait.ge [sflag:s22], s20  }
0xa0: {  	s5 =	ssub.s32 $0x0, s20;
	[sflag:s22] =	ssyncset.done $0x0  }
0xa1: {  	[sflag:s22] =	ssyncadd.s32 s5;
	_ =	sdelay $0x1  }
0xa2: {  	s23 =	simm.s32 $0x1B8B  }
0xa3: {  	_ =	swait.ge [sflag:s23], $0x1  }
0xa4: {  	[sflag:s23] =	ssyncset.done $0x0  }
0xa5: {  	s25 =	simm.s32 $0x1B8E;
	s24 =	sld [smem:$0x3FFE];
	[sflag:s23] =	ssyncadd.s32 $0xFFFFFFFF  }
0xa6: {  	s26 =	simm.s32 $execute0_lowered;
	[smem:$0x3FD2] =	sst s25  }
0xa7: {  	s6 =	sshll.u32 s26, $0x1;
	_ =	strace $0x80000046;
	[dreg:$0x1] =	wrdreg $0xFFFFFFFF  }
0xa8: {  	s28 =	simm.s32 $_size_execute0_lowered;
	s4 =	sadd.s32 s4, s6;
	[dreg:$0x0] =	wrdreg $0x0  }
0xa9: {  	s6 =	sshll.u32 s28, $0x1;
	[dreg:$0x2] =	wrdreg s4  }
0xaa: {  	[dreg:$0x3] =	wrdreg s6  }
0xab: {  	[dreg:$0x4] =	wrdreg $0xC0  }
0xac: {  	_ =	task [dreg:s8], $0x5FFFF  }
0xad: {  	[dreg:$0x1] =	wrdreg $0xFFFFFFFF  }
0xae: {  	[dreg:$0x0] =	wrdreg $0x60  }
0xaf: {  	[dreg:$0x2] =	wrdreg s2  }
0xb0: {  	[dreg:$0x3] =	wrdreg s18  }
0xb1: {  	[dreg:$0x4] =	wrdreg s24  }
0xb2: {  	[dreg:$0x5] =	wrdreg $0x9  }
0xb3: {  	_ =	task.clear_ibuf [dreg:s8], $0x6FFFF;
	_ =	strace $0x90000046  }
0xb4: {  	s29 =	simm.s32 $0x9;
	_ =	strace $0x80000048  }
0xb5: {  	_ =	swait.ge [sflag:s29], $0x1  }
0xb6: {  	[sflag:s29] =	ssyncadd.s32 $0xFFFFFFFF  }
0xb7: {  	_ =	strace $0x90000048  }
0xb8: {  	_ =	sfence  }
0xb9: {  	s30 =	sld [smem:$0x0];
	_ =	sdelay $0x2  }
0xba: {  	s31 =	sshll.u32 s1, $0xD;
	s1 =	sshrl.u32 s1, $0x2  }
0xbb: {  	s3 =	sand.u32 $0x4000, s31;
	s1 =	sadd.s32 s1, s30  }
0xbc: {  	s0 =	sor.u32 s3, s0;
	s1 =	sshll.u32 s1, $0x11  }
0xbd: {  	s0 =	sor.u32 s1, s0  }
0xbe: {  	s0 =	sadd.s32 $0x8F2B, s0  }
0xbf: {  	[sflag:s0] =	ssyncadd.remote.s32 $0x1  }
0xc0: {  	_ =	sfence.sel $0xFFFF  }
0xc1: {  	[dreg:$0x0] =	wrdreg $0xFFFFFFFF;
	(pc) =	sbr.abs _section_cstart, $3  }
0xc2: {  	[dreg:$0x1] =	wrdreg $0xFFFFFFFF  }
0xc3: {  	_ =	task.clear_ibuf [dreg:s8], $0x2FFFF;
	_ =	strace $0x9FFFFFFF  }
0xc4: {  	(tm) =	ssettm $0x7FFFFFFF  }
0xc5: {  	_ =	shalt  }
tec
execute0_lowered:
.L_overlay_start_1:
0x0: {  	(tag) =	ssettag $0x1  }
0x1: {  	s2 =	rddreg [dreg:$0x0]  }
0x2: {  	s0 =	srdreg.scid;
	s3 =	rddreg [dreg:$0x1]  }
0x3: {  	s1 =	stileid.u32;
	s5 =	rddreg [dreg:$0x2]  }
0x4: {  	s0 =	sand.u32 $0x1, s0;
	s4 =	sshll.u32 s1, $0x1;
	s1 =	simm.s32 $0x0  }
0x5: {  	s4 =	sor.u32 s0, s4;
	[smem:$0x7FF] =	sst s1  }
0x6: {  	s0 =	ssub.s32 $0x2, s0;
	s6 =	sshll.u32 s4, $0xE;
	s4 =	sshll.u32 s4, $0x4  }
0x7: {  	s7 =	sshrl.u32 s0, $0x1;
	s8 =	sor.u32 $0x400, s6;
	s4 =	sadd.s32 s4, s5  }
0x8: {  	s5 =	ssub.s32 s0, s7;
	s14 =	sor.u32 $0x800, s6;
	s12 =	sadd.s32 s2, s8  }
0x9: {  	s15 =	sor.u32 $0xC00, s6;
	s13 =	sadd.s32 s3, s8;
	[dreg:$0x4] =	wrdreg s12  }
0xa: {  	s19 =	sor.u32 $0x1000, s6;
	s16 =	sadd.s32 s2, s14;
	[dreg:$0x5] =	wrdreg s13  }
0xb: {  	s20 =	sor.u32 $0x1400, s6;
	s0 =	sadd.s32 s3, s14;
	[dreg:$0x6] =	wrdreg s16  }
0xc: {  	s24 =	sor.u32 $0x1800, s6;
	s17 =	sadd.s32 s2, s15;
	[dreg:$0x7] =	wrdreg s0  }
0xd: {  	s25 =	sor.u32 $0x1C00, s6;
	s18 =	sadd.s32 s3, s15;
	[dreg:$0x8] =	wrdreg s17  }
0xe: {  	s11 =	sor.u32 $0x2000, s6;
	s21 =	sadd.s32 s2, s19;
	[dreg:$0x9] =	wrdreg s18  }
0xf: {  	s29 =	sadd.s32 s2, s6;
	s22 =	sadd.s32 s2, s20;
	[dreg:$0xa] =	wrdreg s21  }
0x10: {  	s31 =	sadd.s32 s3, s6;
	s23 =	sadd.s32 s3, s20;
	[dreg:$0xc] =	wrdreg s22  }
0x11: {  	s7 =	simm.s32 $0x2000;
	s26 =	sadd.s32 s2, s24;
	[dreg:$0xd] =	wrdreg s23  }
0x12: {  	s9 =	sadd.s32 s2, s25;
	s10 =	sadd.s32 s3, s25;
	[dreg:$0xe] =	wrdreg s26  }
0x13: {  	s4 =	sadd.s32 $0x600, s4;
	s5 =	smax.u32 s5, $0x1;
	[dreg:$0x10] =	wrdreg s9  }
0x14: {  	s8 =	simm.s32 $0xE000;
	s0 =	sadd.s32 s3, s19;
	[dreg:$0x11] =	wrdreg s10  }
0x15: {  	s12 =	sor.u32 $0x2400, s6;
	s13 =	sadd.s32 s2, s11;
	s16 =	sor.u32 $0x2800, s6  }
0x16: {  	s17 =	sor.u32 $0x2C00, s6;
	s21 =	sor.u32 $0x3000, s6;
	s22 =	sor.u32 $0x3400, s6  }
0x17: {  	s9 =	simm.s32 $0x4000;
	s10 =	simm.s32 $0x10000;
	[dreg:$0xb] =	wrdreg s0  }
0x18: {  	s0 =	sadd.s32 s3, s24;
	[dreg:$0x12] =	wrdreg s13;
	s14 =	sadd.s32 s2, s12  }
0x19: {  	s15 =	sadd.s32 s3, s12;
	s18 =	sadd.s32 s2, s16;
	[dreg:$0xf] =	wrdreg s0  }
0x1a: {  	s19 =	sadd.s32 s2, s17;
	s20 =	sadd.s32 s3, s17;
	[dreg:$0x14] =	wrdreg s14  }
0x1b: {  	s23 =	sadd.s32 s2, s21;
	s25 =	sadd.s32 s3, s21;
	[dreg:$0x15] =	wrdreg s15  }
0x1c: {  	s26 =	sadd.s32 s2, s22;
	s28 =	sadd.s32 s3, s22;
	[dreg:$0x16] =	wrdreg s18  }
0x1d: {  	s24 =	sor.u32 $0x3800, s6;
	s6 =	sor.u32 $0x3C00, s6;
	[dreg:$0x18] =	wrdreg s19  }
0x1e: {  	s12 =	simm.s32 $0x12000;
	s13 =	simm.s32 $0x2;
	[dreg:$0x19] =	wrdreg s20  }
0x1f: {  	s17 =	simm.s32 $0x5;
	s0 =	sadd.s32 s3, s11;
	[dreg:$0x1a] =	wrdreg s23  }
0x20: {  	s30 =	sadd.s32 s2, s24;
	s2 =	sadd.s32 s2, s6;
	s11 =	simm.s32 $0x6000  }
0x21: {  	s23 =	simm.s32 $0x14000;
	s14 =	simm.s32 $0x1;
	s15 =	simm.s32 $0x3  }
0x22: {  	s18 =	simm.s32 $0x6;
	s19 =	simm.s32 $0x7;
	s20 =	simm.s32 $0x0  }
0x23: {  	[dreg:$0x13] =	wrdreg s0;
	s0 =	sadd.s32 s3, s16;
	s16 =	simm.s32 $0x4  }
0x24: {  	[dreg:$0x17] =	wrdreg s0;
	s0 =	sadd.s32 s3, s24;
	s3 =	sadd.s32 s3, s6  }
0x25: {  	s6 =	simm.s32 $0xC000;
	s24 =	simm.s32 $0x16000;
	_ =	strace $0x80000047  }
.LBB2_1:
0x26: {  	[tilespmem:s1], [sflag:$0x1] =	stream.linear.gather [hbm4b:s29+s1], $0x2000, $0x38;
	[tilespmem:$0x18080] =	vst v63  }
0x27: {  	_ = 	snop  }
0x28: {  	[tilespmem:s6], [sflag:$0x1] =	stream.linear.gather [hbm4b:s31+s1], $0x2000, $0x38;
	[tilespmem:$0x18080] =	vst v63  }
0x29: {  	s21 =	rddreg [dreg:$0x4]  }
0x2a: {  	[tilespmem:s7], [sflag:$0x2] =	stream.linear.gather [hbm4b:s21+s1], $0x2000, $0x38;
	[tilespmem:$0x18080] =	vst v63  }
0x2b: {  	s22 =	rddreg [dreg:$0x5]  }
0x2c: {  	[tilespmem:s8], [sflag:$0x2] =	stream.linear.gather [hbm4b:s22+s1], $0x2000, $0x38;
	[tilespmem:$0x18080] =	vst v63  }
0x2d: {  	s22 =	rddreg [dreg:$0x6]  }
0x2e: {  	[tilespmem:s9], [sflag:$0x3] =	stream.linear.gather [hbm4b:s22+s1], $0x2000, $0x38;
	[tilespmem:$0x18080] =	vst v63  }
0x2f: {  	s22 =	rddreg [dreg:$0x7]  }
0x30: {  	[tilespmem:s10], [sflag:$0x3] =	stream.linear.gather [hbm4b:s22+s1], $0x2000, $0x38;
	[tilespmem:$0x18080] =	vst v63  }
0x31: {  	s22 =	rddreg [dreg:$0x8]  }
0x32: {  	[tilespmem:s11], [sflag:$0x4] =	stream.linear.gather [hbm4b:s22+s1], $0x2000, $0x38;
	[tilespmem:$0x18080] =	vst v63  }
0x33: {  	s22 =	rddreg [dreg:$0x9]  }
0x34: {  	[tilespmem:s12], [sflag:$0x4] =	stream.linear.gather [hbm4b:s22+s1], $0x2000, $0x38;
	[tilespmem:$0x18080] =	vst v63  }
0x35: {  	s21 =	rddreg [dreg:$0xa];
	s22 =	simm.s32 $0x8000  }
0x36: {  	[tilespmem:s22], [sflag:$0x5] =	stream.linear.gather [hbm4b:s21+s1], $0x2000, $0x38;
	[tilespmem:$0x18080] =	vst v63  }
0x37: {  	s22 =	rddreg [dreg:$0xb]  }
0x38: {  	[tilespmem:s23], [sflag:$0x5] =	stream.linear.gather [hbm4b:s22+s1], $0x2000, $0x38;
	[tilespmem:$0x18080] =	vst v63  }
0x39: {  	s22 =	rddreg [dreg:$0xc];
	s23 =	simm.s32 $0xA000  }
0x3a: {  	[tilespmem:s23], [sflag:$0x6] =	stream.linear.gather [hbm4b:s22+s1], $0x2000, $0x38;
	[tilespmem:$0x18080] =	vst v63  }
0x3b: {  	s23 =	rddreg [dreg:$0xd]  }
0x3c: {  	[tilespmem:s24], [sflag:$0x6] =	stream.linear.gather [hbm4b:s23+s1], $0x2000, $0x38;
	[tilespmem:$0x18080] =	vst v63  }
0x3d: {  	_ =	swait.ge [sflag:s14], $0x2000  }
0x3e: {  	[sflag:s14] =	ssyncset.done $0x0  }
0x3f: {  	[sflag:s14] =	ssyncadd.s32 $0xFFFFE000  }
0x40: {  	_ =	swait.ge [sflag:s14], $0x2000  }
0x41: {  	[sflag:s14] =	ssyncset.done $0x0  }
0x42: {  	s24 =	simm.s32 $0x0;
	[sflag:s14] =	ssyncadd.s32 $0xFFFFE000  }
0x43: {  	v0 =	vld [tilespmem:s24+$0x0]  }
0x44: {  	v1 =	vld [tilespmem:s24+$0xC000]  }
0x45: {  	v2 =	vld [tilespmem:s24+$0x10]  }
0x46: {  	v3 =	vld [tilespmem:s24+$0xC010]  }
0x47: {  	v4 =	vld [tilespmem:s24+$0x20]  }
0x48: {  	v5 =	vld [tilespmem:s24+$0xC020]  }
0x49: {  	v6 =	vld [tilespmem:s24+$0xC030];
	v0 =	vsub.f32 v1, v0  }
0x4a: {  	v1 =	vld [tilespmem:s24+$0x30]  }
0x4b: {  	v7 =	vld [tilespmem:s24+$0x40];
	v2 =	vsub.f32 v3, v2;
	v0 =	vmul.f32 v0, v0  }
0x4c: {  	v8 =	vld [tilespmem:s24+$0xC040];
	v3 =	vimm.f32 $0.0e+00  }
0x4d: {  	v9 =	vld [tilespmem:s24+$0x50];
	v2 =	vmul.f32 v2, v2;
	v0 =	vadd.f32 v0, v3;
	v3 =	vsub.f32 v5, v4  }
0x4e: {  	v10 =	vld [tilespmem:s24+$0xC050]  }
0x4f: {  	v1 =	vsub.f32 v6, v1;
	v2 =	vadd.f32 v2, v0;
	v4 =	vmul.f32 v3, v3;
	v0 =	vld [tilespmem:s24+$0x60]  }
0x50: {  	v3 =	vld [tilespmem:s24+$0xC060]  }
0x51: {  	v7 =	vsub.f32 v8, v7;
	v6 =	vmul.f32 v1, v1;
	v1 =	vld [tilespmem:s24+$0x70];
	v5 =	vadd.f32 v4, v2  }
0x52: {  	s21 =	simm.s32 $0x80;
	v4 =	vld [tilespmem:s24+$0xC070]  }
0x53: {  	s22 =	simm.s32 $0x400;
	v2 =	vld [tilespmem:s21+$0x0];
	v5 =	vadd.f32 v6, v5;
	v6 =	vmul.f32 v7, v7;
	v7 =	vsub.f32 v10, v9  }
.LBB2_2:
0x54: {  	p0 =	sne.s32 s22, $0x7E00;
	v8 =	vld [tilespmem:s21+$0xC000]  }
0x55: {  	v9 =	vld [tilespmem:s21+$0x10];
	v5 =	vadd.f32 v6, v5;
	v6 =	vmul.f32 v7, v7;
	v0 =	vsub.f32 v3, v0  }
0x56: {  	v3 =	vld [tilespmem:s21+$0xC010]  }
0x57: {  	v7 =	vld [tilespmem:s21+$0x20];
	v5 =	vadd.f32 v6, v5;
	v0 =	vmul.f32 v0, v0;
	v1 =	vsub.f32 v4, v1  }
0x58: {  	v4 =	vld [tilespmem:s21+$0xC020]  }
0x59: {  	v2 =	vsub.f32 v8, v2;
	v6 =	vld [tilespmem:s21+$0x30];
	v0 =	vadd.f32 v0, v5;
	v1 =	vmul.f32 v1, v1  }
0x5a: {  	v5 =	vld [tilespmem:s21+$0xC030]  }
0x5b: {  	v2 =	vmul.f32 v2, v2;
	v3 =	vsub.f32 v3, v9;
	v8 =	vld [tilespmem:s21+$0x40];
	v0 =	vadd.f32 v1, v0  }
0x5c: {  	v1 =	vld [tilespmem:s21+$0xC040]  }
0x5d: {  	v0 =	vadd.f32 v2, v0;
	v2 =	vmul.f32 v3, v3;
	v3 =	vsub.f32 v4, v7;
	v7 =	vld [tilespmem:s21+$0x50]  }
0x5e: {  	v9 =	vld [tilespmem:s21+$0xC050]  }
.Ltmp0:
0x5f: {  	v2 =	vadd.f32 v2, v0;
	v4 =	vmul.f32 v3, v3;
	v5 =	vsub.f32 v5, v6;
	v0 =	vld [tilespmem:s21+$0x60];
	(pc) =	sbr.rel @p0 .LBB2_2-.Ltmp0, $4  }
0x60: {  	v3 =	vld [tilespmem:s21+$0xC060]  }
0x61: {  	v6 =	vadd.f32 v4, v2;
	v5 =	vmul.f32 v5, v5;
	v8 =	vsub.f32 v1, v8;
	v1 =	vld [tilespmem:s21+$0x70]  }
0x62: {  	v4 =	vld [tilespmem:s21+$0xC070];
	s21 =	sshra.s32 s22, $0x2  }
0x63: {  	s22 =	sadd.s32 $0x200, s22;
	v2 =	vld [tilespmem:s21+$0x0];
	v5 =	vadd.f32 v5, v6;
	v6 =	vmul.f32 v8, v8;
	v7 =	vsub.f32 v9, v7  }
0x64: {  	v8 =	vld [tilespmem:s21+$0xC000]  }
0x65: {  	v9 =	vld [tilespmem:s21+$0x10]  }
0x66: {  	v10 =	vld [tilespmem:s21+$0xC010]  }
0x67: {  	v11 =	vld [tilespmem:s21+$0x20]  }
0x68: {  	v12 =	vld [tilespmem:s21+$0xC020]  }
0x69: {  	v13 =	vld [tilespmem:s21+$0x30]  }
0x6a: {  	v14 =	vld [tilespmem:s21+$0xC030]  }
0x6b: {  	v15 =	vld [tilespmem:s21+$0x40]  }
0x6c: {  	v16 =	vld [tilespmem:s21+$0xC040]  }
0x6d: {  	v17 =	vld [tilespmem:s21+$0x50];
	v5 =	vadd.f32 v6, v5;
	v6 =	vmul.f32 v7, v7;
	v0 =	vsub.f32 v3, v0  }
0x6e: {  	v3 =	vld [tilespmem:s21+$0xC050]  }
0x6f: {  	v7 =	vld [tilespmem:s21+$0x60];
	v5 =	vadd.f32 v6, v5;
	v0 =	vmul.f32 v0, v0;
	v1 =	vsub.f32 v4, v1  }
0x70: {  	v4 =	vld [tilespmem:s21+$0xC060]  }
0x71: {  	s24 =	simm.s32 $0x0;
	s22 =	rddreg [dreg:$0xe];
	v6 =	vld [tilespmem:s21+$0x70];
	v2 =	vsub.f32 v8, v2;
	v0 =	vadd.f32 v0, v5;
	v1 =	vmul.f32 v1, v1  }
0x72: {  	v5 =	vld [tilespmem:s21+$0xC070];
	[tilespmem:s24], [sflag:$0x1] =	stream.linear.gather [hbm4b:s22+s24], $0x2000, $0x38  }
0x73: {  	s23 =	rddreg [dreg:$0xf];
	v8 =	vsub.f32 v10, v9;
	v0 =	vadd.f32 v1, v0;
	v1 =	vmul.f32 v2, v2  }
0x74: {  	[tilespmem:s6], [sflag:$0x1] =	stream.linear.gather [hbm4b:s23+s24], $0x2000, $0x38;
	[tilespmem:$0x18080] =	vst v63  }
0x75: {  	v2 =	vmul.f32 v8, v8;
	_ =	swait.ge [sflag:s13], $0x2000;
	v0 =	vadd.f32 v1, v0;
	v1 =	vsub.f32 v12, v11  }
0x76: {  	[sflag:s13] =	ssyncset.done $0x0  }
0x77: {  	[sflag:s13] =	ssyncadd.s32 $0xFFFFE000;
	v0 =	vadd.f32 v2, v0;
	v2 =	vsub.f32 v14, v13;
	v1 =	vmul.f32 v1, v1  }
0x78: {  	_ =	swait.ge [sflag:s13], $0x2000  }
0x79: {  	[sflag:s13] =	ssyncset.done $0x0;
	v0 =	vadd.f32 v1, v0;
	v1 =	vmul.f32 v2, v2;
	v2 =	vsub.f32 v16, v15  }
0x7a: {  	s24 =	simm.s32 $0x0;
	[sflag:s13] =	ssyncadd.s32 $0xFFFFE000  }
0x7b: {  	v8 =	vld [tilespmem:s24+$0xE000];
	v0 =	vadd.f32 v1, v0;
	v1 =	vmul.f32 v2, v2;
	v2 =	vsub.f32 v3, v17  }
0x7c: {  	v3 =	vld [tilespmem:s24+$0x2000]  }
0x7d: {  	v0 =	vadd.f32 v1, v0;
	v1 =	vmul.f32 v2, v2;
	v2 =	vsub.f32 v4, v7;
	v4 =	vld [tilespmem:s24+$0x2010]  }
0x7e: {  	v7 =	vld [tilespmem:s24+$0xE010]  }
0x7f: {  	v0 =	vadd.f32 v1, v0;
	v1 =	vmul.f32 v2, v2;
	v2 =	vsub.f32 v5, v6;
	v5 =	vld [tilespmem:s24+$0x2020]  }
0x80: {  	v6 =	vld [tilespmem:s24+$0xE020]  }
0x81: {  	v0 =	vadd.f32 v1, v0;
	v1 =	vmul.f32 v2, v2;
	v2 =	vsub.f32 v8, v3;
	v3 =	vld [tilespmem:s24+$0x2030]  }
0x82: {  	v8 =	vld [tilespmem:s24+$0xE030]  }
0x83: {  	v0 =	vadd.f32 v1, v0;
	v1 =	vmul.f32 v2, v2;
	v2 =	vsub.f32 v7, v4;
	v4 =	vld [tilespmem:s24+$0x2040]  }
0x84: {  	v7 =	vld [tilespmem:s24+$0xE040]  }
0x85: {  	v62 =	vld [tilespmem:s24+$0x2050];
	v0 =	vadd.f32 v1, v0;
	v1 =	vmul.f32 v2, v2;
	v2 =	vsub.f32 v6, v5  }
0x86: {  	v63 =	vld [tilespmem:s24+$0xE050]  }
0x87: {  	v5 =	vsub.f32 v8, v3;
	v3 =	vld [tilespmem:s24+$0xE060];
	v1 =	vadd.f32 v1, v0;
	v2 =	vmul.f32 v2, v2  }
0x88: {  	v0 =	vld [tilespmem:s24+$0x2060]  }
0x89: {  	v5 =	vmul.f32 v5, v5;
	v7 =	vsub.f32 v7, v4;
	v4 =	vld [tilespmem:s24+$0xE070];
	v6 =	vadd.f32 v2, v1  }
0x8a: {  	s21 =	simm.s32 $0x80;
	v1 =	vld [tilespmem:s24+$0x2070]  }
0x8b: {  	s22 =	simm.s32 $0x400;
	v2 =	vld [tilespmem:s21+$0x2000];
	v5 =	vadd.f32 v5, v6;
	v6 =	vmul.f32 v7, v7;
	v7 =	vsub.f32 v63, v62  }
.LBB2_4:
0x8c: {  	p0 =	sne.s32 s22, $0x7E00;
	v8 =	vld [tilespmem:s21+$0xE000]  }
0x8d: {  	v9 =	vld [tilespmem:s21+$0x2010];
	v5 =	vadd.f32 v6, v5;
	v6 =	vmul.f32 v7, v7;
	v0 =	vsub.f32 v3, v0  }
0x8e: {  	v3 =	vld [tilespmem:s21+$0xE010]  }
0x8f: {  	v7 =	vld [tilespmem:s21+$0x2020];
	v5 =	vadd.f32 v6, v5;
	v0 =	vmul.f32 v0, v0;
	v1 =	vsub.f32 v4, v1  }
0x90: {  	v4 =	vld [tilespmem:s21+$0xE020]  }
0x91: {  	v2 =	vsub.f32 v8, v2;
	v6 =	vld [tilespmem:s21+$0x2030];
	v0 =	vadd.f32 v0, v5;
	v1 =	vmul.f32 v1, v1  }
0x92: {  	v5 =	vld [tilespmem:s21+$0xE030]  }
0x93: {  	v2 =	vmul.f32 v2, v2;
	v3 =	vsub.f32 v3, v9;
	v8 =	vld [tilespmem:s21+$0x2040];
	v0 =	vadd.f32 v1, v0  }
0x94: {  	v1 =	vld [tilespmem:s21+$0xE040]  }
0x95: {  	v0 =	vadd.f32 v2, v0;
	v2 =	vmul.f32 v3, v3;
	v3 =	vsub.f32 v4, v7;
	v7 =	vld [tilespmem:s21+$0x2050]  }
0x96: {  	v9 =	vld [tilespmem:s21+$0xE050]  }
.Ltmp1:
0x97: {  	v2 =	vadd.f32 v2, v0;
	v4 =	vmul.f32 v3, v3;
	v5 =	vsub.f32 v5, v6;
	v0 =	vld [tilespmem:s21+$0x2060];
	(pc) =	sbr.rel @p0 .LBB2_4-.Ltmp1, $4  }
0x98: {  	v3 =	vld [tilespmem:s21+$0xE060]  }
0x99: {  	v6 =	vadd.f32 v4, v2;
	v5 =	vmul.f32 v5, v5;
	v8 =	vsub.f32 v1, v8;
	v1 =	vld [tilespmem:s21+$0x2070]  }
0x9a: {  	v4 =	vld [tilespmem:s21+$0xE070];
	s21 =	sshra.s32 s22, $0x2  }
0x9b: {  	s22 =	sadd.s32 $0x200, s22;
	v2 =	vld [tilespmem:s21+$0x2000];
	v5 =	vadd.f32 v5, v6;
	v6 =	vmul.f32 v8, v8;
	v7 =	vsub.f32 v9, v7  }
0x9c: {  	v8 =	vld [tilespmem:s21+$0xE000]  }
0x9d: {  	v9 =	vld [tilespmem:s21+$0x2010]  }
0x9e: {  	v10 =	vld [tilespmem:s21+$0xE010]  }
0x9f: {  	v11 =	vld [tilespmem:s21+$0x2020]  }
0xa0: {  	v12 =	vld [tilespmem:s21+$0xE020]  }
0xa1: {  	v13 =	vld [tilespmem:s21+$0x2030]  }
0xa2: {  	v14 =	vld [tilespmem:s21+$0xE030]  }
0xa3: {  	v15 =	vld [tilespmem:s21+$0x2040]  }
0xa4: {  	v16 =	vld [tilespmem:s21+$0xE040]  }
0xa5: {  	v17 =	vld [tilespmem:s21+$0x2050];
	v5 =	vadd.f32 v6, v5;
	v6 =	vmul.f32 v7, v7;
	v0 =	vsub.f32 v3, v0  }
0xa6: {  	v3 =	vld [tilespmem:s21+$0xE050]  }
0xa7: {  	v7 =	vld [tilespmem:s21+$0x2060];
	v5 =	vadd.f32 v6, v5;
	v0 =	vmul.f32 v0, v0;
	v1 =	vsub.f32 v4, v1  }
0xa8: {  	v4 =	vld [tilespmem:s21+$0xE060]  }
0xa9: {  	s24 =	simm.s32 $0x0;
	s22 =	rddreg [dreg:$0x10];
	v6 =	vld [tilespmem:s21+$0x2070];
	v2 =	vsub.f32 v8, v2;
	v0 =	vadd.f32 v0, v5;
	v1 =	vmul.f32 v1, v1  }
0xaa: {  	v5 =	vld [tilespmem:s21+$0xE070];
	[tilespmem:s7], [sflag:$0x2] =	stream.linear.gather [hbm4b:s22+s24], $0x2000, $0x38  }
0xab: {  	s23 =	rddreg [dreg:$0x11];
	v8 =	vsub.f32 v10, v9;
	v0 =	vadd.f32 v1, v0;
	v1 =	vmul.f32 v2, v2  }
0xac: {  	[tilespmem:s8], [sflag:$0x2] =	stream.linear.gather [hbm4b:s23+s24], $0x2000, $0x38;
	[tilespmem:$0x18080] =	vst v63  }
0xad: {  	v2 =	vmul.f32 v8, v8;
	_ =	swait.ge [sflag:s15], $0x2000;
	v0 =	vadd.f32 v1, v0;
	v1 =	vsub.f32 v12, v11  }
0xae: {  	[sflag:s15] =	ssyncset.done $0x0  }
0xaf: {  	[sflag:s15] =	ssyncadd.s32 $0xFFFFE000;
	v0 =	vadd.f32 v2, v0;
	v2 =	vsub.f32 v14, v13;
	v1 =	vmul.f32 v1, v1  }
0xb0: {  	_ =	swait.ge [sflag:s15], $0x2000  }
0xb1: {  	[sflag:s15] =	ssyncset.done $0x0;
	v0 =	vadd.f32 v1, v0;
	v1 =	vmul.f32 v2, v2;
	v2 =	vsub.f32 v16, v15  }
0xb2: {  	s24 =	simm.s32 $0x0;
	[sflag:s15] =	ssyncadd.s32 $0xFFFFE000  }
0xb3: {  	v8 =	vld [tilespmem:s24+$0x10000];
	v0 =	vadd.f32 v1, v0;
	v1 =	vmul.f32 v2, v2;
	v2 =	vsub.f32 v3, v17  }
0xb4: {  	v3 =	vld [tilespmem:s24+$0x4000]  }
0xb5: {  	v0 =	vadd.f32 v1, v0;
	v1 =	vmul.f32 v2, v2;
	v2 =	vsub.f32 v4, v7;
	v4 =	vld [tilespmem:s24+$0x4010]  }
0xb6: {  	v7 =	vld [tilespmem:s24+$0x10010]  }
0xb7: {  	v0 =	vadd.f32 v1, v0;
	v1 =	vmul.f32 v2, v2;
	v2 =	vsub.f32 v5, v6;
	v5 =	vld [tilespmem:s24+$0x4020]  }
0xb8: {  	v6 =	vld [tilespmem:s24+$0x10020]  }
0xb9: {  	v0 =	vadd.f32 v1, v0;
	v1 =	vmul.f32 v2, v2;
	v2 =	vsub.f32 v8, v3;
	v3 =	vld [tilespmem:s24+$0x4030]  }
0xba: {  	v8 =	vld [tilespmem:s24+$0x10030]  }
0xbb: {  	v0 =	vadd.f32 v1, v0;
	v1 =	vmul.f32 v2, v2;
	v2 =	vsub.f32 v7, v4;
	v4 =	vld [tilespmem:s24+$0x4040]  }
0xbc: {  	v7 =	vld [tilespmem:s24+$0x10040]  }
0xbd: {  	v62 =	vld [tilespmem:s24+$0x4050];
	v0 =	vadd.f32 v1, v0;
	v1 =	vmul.f32 v2, v2;
	v2 =	vsub.f32 v6, v5  }
0xbe: {  	v63 =	vld [tilespmem:s24+$0x10050]  }
0xbf: {  	v5 =	vsub.f32 v8, v3;
	v3 =	vld [tilespmem:s24+$0x10060];
	v1 =	vadd.f32 v1, v0;
	v2 =	vmul.f32 v2, v2  }
0xc0: {  	v0 =	vld [tilespmem:s24+$0x4060]  }
0xc1: {  	v5 =	vmul.f32 v5, v5;
	v7 =	vsub.f32 v7, v4;
	v4 =	vld [tilespmem:s24+$0x10070];
	v6 =	vadd.f32 v2, v1  }
0xc2: {  	s21 =	simm.s32 $0x80;
	v1 =	vld [tilespmem:s24+$0x4070]  }
0xc3: {  	s22 =	simm.s32 $0x400;
	v2 =	vld [tilespmem:s21+$0x4000];
	v5 =	vadd.f32 v5, v6;
	v6 =	vmul.f32 v7, v7;
	v7 =	vsub.f32 v63, v62  }
.LBB2_6:
0xc4: {  	p0 =	sne.s32 s22, $0x7E00;
	v8 =	vld [tilespmem:s21+$0x10000]  }
0xc5: {  	v9 =	vld [tilespmem:s21+$0x4010];
	v5 =	vadd.f32 v6, v5;
	v6 =	vmul.f32 v7, v7;
	v0 =	vsub.f32 v3, v0  }
0xc6: {  	v3 =	vld [tilespmem:s21+$0x10010]  }
0xc7: {  	v7 =	vld [tilespmem:s21+$0x4020];
	v5 =	vadd.f32 v6, v5;
	v0 =	vmul.f32 v0, v0;
	v1 =	vsub.f32 v4, v1  }
0xc8: {  	v4 =	vld [tilespmem:s21+$0x10020]  }
0xc9: {  	v2 =	vsub.f32 v8, v2;
	v6 =	vld [tilespmem:s21+$0x4030];
	v0 =	vadd.f32 v0, v5;
	v1 =	vmul.f32 v1, v1  }
0xca: {  	v5 =	vld [tilespmem:s21+$0x10030]  }
0xcb: {  	v2 =	vmul.f32 v2, v2;
	v3 =	vsub.f32 v3, v9;
	v8 =	vld [tilespmem:s21+$0x4040];
	v0 =	vadd.f32 v1, v0  }
0xcc: {  	v1 =	vld [tilespmem:s21+$0x10040]  }
0xcd: {  	v0 =	vadd.f32 v2, v0;
	v2 =	vmul.f32 v3, v3;
	v3 =	vsub.f32 v4, v7;
	v7 =	vld [tilespmem:s21+$0x4050]  }
0xce: {  	v9 =	vld [tilespmem:s21+$0x10050]  }
.Ltmp2:
0xcf: {  	v2 =	vadd.f32 v2, v0;
	v4 =	vmul.f32 v3, v3;
	v5 =	vsub.f32 v5, v6;
	v0 =	vld [tilespmem:s21+$0x4060];
	(pc) =	sbr.rel @p0 .LBB2_6-.Ltmp2, $4  }
0xd0: {  	v3 =	vld [tilespmem:s21+$0x10060]  }
0xd1: {  	v6 =	vadd.f32 v4, v2;
	v5 =	vmul.f32 v5, v5;
	v8 =	vsub.f32 v1, v8;
	v1 =	vld [tilespmem:s21+$0x4070]  }
0xd2: {  	v4 =	vld [tilespmem:s21+$0x10070];
	s21 =	sshra.s32 s22, $0x2  }
0xd3: {  	s22 =	sadd.s32 $0x200, s22;
	v2 =	vld [tilespmem:s21+$0x4000];
	v5 =	vadd.f32 v5, v6;
	v6 =	vmul.f32 v8, v8;
	v7 =	vsub.f32 v9, v7  }
0xd4: {  	v8 =	vld [tilespmem:s21+$0x10000]  }
0xd5: {  	v9 =	vld [tilespmem:s21+$0x4010]  }
0xd6: {  	v10 =	vld [tilespmem:s21+$0x10010]  }
0xd7: {  	v11 =	vld [tilespmem:s21+$0x4020]  }
0xd8: {  	v12 =	vld [tilespmem:s21+$0x10020]  }
0xd9: {  	v13 =	vld [tilespmem:s21+$0x4030]  }
0xda: {  	v14 =	vld [tilespmem:s21+$0x10030]  }
0xdb: {  	v15 =	vld [tilespmem:s21+$0x4040]  }
0xdc: {  	v16 =	vld [tilespmem:s21+$0x10040]  }
0xdd: {  	v17 =	vld [tilespmem:s21+$0x4050];
	v5 =	vadd.f32 v6, v5;
	v6 =	vmul.f32 v7, v7;
	v0 =	vsub.f32 v3, v0  }
0xde: {  	v3 =	vld [tilespmem:s21+$0x10050]  }
0xdf: {  	v7 =	vld [tilespmem:s21+$0x4060];
	v5 =	vadd.f32 v6, v5;
	v0 =	vmul.f32 v0, v0;
	v1 =	vsub.f32 v4, v1  }
0xe0: {  	v4 =	vld [tilespmem:s21+$0x10060]  }
0xe1: {  	s24 =	simm.s32 $0x0;
	s22 =	rddreg [dreg:$0x12];
	v6 =	vld [tilespmem:s21+$0x4070];
	v2 =	vsub.f32 v8, v2;
	v0 =	vadd.f32 v0, v5;
	v1 =	vmul.f32 v1, v1  }
0xe2: {  	v5 =	vld [tilespmem:s21+$0x10070];
	[tilespmem:s9], [sflag:$0x3] =	stream.linear.gather [hbm4b:s22+s24], $0x2000, $0x38  }
0xe3: {  	s23 =	rddreg [dreg:$0x13];
	v8 =	vsub.f32 v10, v9;
	v0 =	vadd.f32 v1, v0;
	v1 =	vmul.f32 v2, v2  }
0xe4: {  	[tilespmem:s10], [sflag:$0x3] =	stream.linear.gather [hbm4b:s23+s24], $0x2000, $0x38;
	[tilespmem:$0x18080] =	vst v63  }
0xe5: {  	v2 =	vmul.f32 v8, v8;
	_ =	swait.ge [sflag:s16], $0x2000;
	v0 =	vadd.f32 v1, v0;
	v1 =	vsub.f32 v12, v11  }
0xe6: {  	[sflag:s16] =	ssyncset.done $0x0  }
0xe7: {  	[sflag:s16] =	ssyncadd.s32 $0xFFFFE000;
	v0 =	vadd.f32 v2, v0;
	v2 =	vsub.f32 v14, v13;
	v1 =	vmul.f32 v1, v1  }
0xe8: {  	_ =	swait.ge [sflag:s16], $0x2000  }
0xe9: {  	[sflag:s16] =	ssyncset.done $0x0;
	v0 =	vadd.f32 v1, v0;
	v1 =	vmul.f32 v2, v2;
	v2 =	vsub.f32 v16, v15  }
0xea: {  	s24 =	simm.s32 $0x0;
	[sflag:s16] =	ssyncadd.s32 $0xFFFFE000  }
0xeb: {  	v8 =	vld [tilespmem:s24+$0x12000];
	v0 =	vadd.f32 v1, v0;
	v1 =	vmul.f32 v2, v2;
	v2 =	vsub.f32 v3, v17  }
0xec: {  	v3 =	vld [tilespmem:s24+$0x6000]  }
0xed: {  	v0 =	vadd.f32 v1, v0;
	v1 =	vmul.f32 v2, v2;
	v2 =	vsub.f32 v4, v7;
	v4 =	vld [tilespmem:s24+$0x6010]  }
0xee: {  	v7 =	vld [tilespmem:s24+$0x12010]  }
0xef: {  	v0 =	vadd.f32 v1, v0;
	v1 =	vmul.f32 v2, v2;
	v2 =	vsub.f32 v5, v6;
	v5 =	vld [tilespmem:s24+$0x6020]  }
0xf0: {  	v6 =	vld [tilespmem:s24+$0x12020]  }
0xf1: {  	v0 =	vadd.f32 v1, v0;
	v1 =	vmul.f32 v2, v2;
	v2 =	vsub.f32 v8, v3;
	v3 =	vld [tilespmem:s24+$0x6030]  }
0xf2: {  	v8 =	vld [tilespmem:s24+$0x12030]  }
0xf3: {  	v0 =	vadd.f32 v1, v0;
	v1 =	vmul.f32 v2, v2;
	v2 =	vsub.f32 v7, v4;
	v4 =	vld [tilespmem:s24+$0x6040]  }
0xf4: {  	v7 =	vld [tilespmem:s24+$0x12040]  }
0xf5: {  	v62 =	vld [tilespmem:s24+$0x6050];
	v0 =	vadd.f32 v1, v0;
	v1 =	vmul.f32 v2, v2;
	v2 =	vsub.f32 v6, v5  }
0xf6: {  	v63 =	vld [tilespmem:s24+$0x12050]  }
0xf7: {  	v5 =	vsub.f32 v8, v3;
	v3 =	vld [tilespmem:s24+$0x12060];
	v1 =	vadd.f32 v1, v0;
	v2 =	vmul.f32 v2, v2  }
0xf8: {  	v0 =	vld [tilespmem:s24+$0x6060]  }
0xf9: {  	v5 =	vmul.f32 v5, v5;
	v7 =	vsub.f32 v7, v4;
	v4 =	vld [tilespmem:s24+$0x12070];
	v6 =	vadd.f32 v2, v1  }
0xfa: {  	s21 =	simm.s32 $0x80;
	v1 =	vld [tilespmem:s24+$0x6070]  }
0xfb: {  	s22 =	simm.s32 $0x400;
	v2 =	vld [tilespmem:s21+$0x6000];
	v5 =	vadd.f32 v5, v6;
	v6 =	vmul.f32 v7, v7;
	v7 =	vsub.f32 v63, v62  }
.LBB2_8:
0xfc: {  	p0 =	sne.s32 s22, $0x7E00;
	v8 =	vld [tilespmem:s21+$0x12000]  }
0xfd: {  	v9 =	vld [tilespmem:s21+$0x6010];
	v5 =	vadd.f32 v6, v5;
	v6 =	vmul.f32 v7, v7;
	v0 =	vsub.f32 v3, v0  }
0xfe: {  	v3 =	vld [tilespmem:s21+$0x12010]  }
0xff: {  	v7 =	vld [tilespmem:s21+$0x6020];
	v5 =	vadd.f32 v6, v5;
	v0 =	vmul.f32 v0, v0;
	v1 =	vsub.f32 v4, v1  }
0x100: {  	v4 =	vld [tilespmem:s21+$0x12020]  }
0x101: {  	v2 =	vsub.f32 v8, v2;
	v6 =	vld [tilespmem:s21+$0x6030];
	v0 =	vadd.f32 v0, v5;
	v1 =	vmul.f32 v1, v1  }
0x102: {  	v5 =	vld [tilespmem:s21+$0x12030]  }
0x103: {  	v2 =	vmul.f32 v2, v2;
	v3 =	vsub.f32 v3, v9;
	v8 =	vld [tilespmem:s21+$0x6040];
	v0 =	vadd.f32 v1, v0  }
0x104: {  	v1 =	vld [tilespmem:s21+$0x12040]  }
0x105: {  	v0 =	vadd.f32 v2, v0;
	v2 =	vmul.f32 v3, v3;
	v3 =	vsub.f32 v4, v7;
	v7 =	vld [tilespmem:s21+$0x6050]  }
0x106: {  	v9 =	vld [tilespmem:s21+$0x12050]  }
.Ltmp3:
0x107: {  	v2 =	vadd.f32 v2, v0;
	v4 =	vmul.f32 v3, v3;
	v5 =	vsub.f32 v5, v6;
	v0 =	vld [tilespmem:s21+$0x6060];
	(pc) =	sbr.rel @p0 .LBB2_8-.Ltmp3, $4  }
0x108: {  	v3 =	vld [tilespmem:s21+$0x12060]  }
0x109: {  	v6 =	vadd.f32 v4, v2;
	v5 =	vmul.f32 v5, v5;
	v8 =	vsub.f32 v1, v8;
	v1 =	vld [tilespmem:s21+$0x6070]  }
0x10a: {  	v4 =	vld [tilespmem:s21+$0x12070];
	s21 =	sshra.s32 s22, $0x2  }
0x10b: {  	s22 =	sadd.s32 $0x200, s22;
	v2 =	vld [tilespmem:s21+$0x6000];
	v5 =	vadd.f32 v5, v6;
	v6 =	vmul.f32 v8, v8;
	v7 =	vsub.f32 v9, v7  }
0x10c: {  	v8 =	vld [tilespmem:s21+$0x12000]  }
0x10d: {  	v9 =	vld [tilespmem:s21+$0x6010]  }
0x10e: {  	v10 =	vld [tilespmem:s21+$0x12010]  }
0x10f: {  	v11 =	vld [tilespmem:s21+$0x6020]  }
0x110: {  	v12 =	vld [tilespmem:s21+$0x12020]  }
0x111: {  	v13 =	vld [tilespmem:s21+$0x6030]  }
0x112: {  	v14 =	vld [tilespmem:s21+$0x12030]  }
0x113: {  	v15 =	vld [tilespmem:s21+$0x6040]  }
0x114: {  	v16 =	vld [tilespmem:s21+$0x12040]  }
0x115: {  	v17 =	vld [tilespmem:s21+$0x6050];
	v5 =	vadd.f32 v6, v5;
	v6 =	vmul.f32 v7, v7;
	v0 =	vsub.f32 v3, v0  }
0x116: {  	v3 =	vld [tilespmem:s21+$0x12050]  }
0x117: {  	v7 =	vld [tilespmem:s21+$0x6060];
	v5 =	vadd.f32 v6, v5;
	v0 =	vmul.f32 v0, v0;
	v1 =	vsub.f32 v4, v1  }
0x118: {  	v4 =	vld [tilespmem:s21+$0x12060]  }
0x119: {  	s24 =	simm.s32 $0x0;
	s22 =	rddreg [dreg:$0x14];
	v6 =	vld [tilespmem:s21+$0x6070];
	v2 =	vsub.f32 v8, v2;
	v0 =	vadd.f32 v0, v5;
	v1 =	vmul.f32 v1, v1  }
0x11a: {  	v5 =	vld [tilespmem:s21+$0x12070];
	[tilespmem:s11], [sflag:$0x4] =	stream.linear.gather [hbm4b:s22+s24], $0x2000, $0x38  }
0x11b: {  	s23 =	rddreg [dreg:$0x15];
	v8 =	vsub.f32 v10, v9;
	v0 =	vadd.f32 v1, v0;
	v1 =	vmul.f32 v2, v2  }
0x11c: {  	[tilespmem:s12], [sflag:$0x4] =	stream.linear.gather [hbm4b:s23+s24], $0x2000, $0x38;
	[tilespmem:$0x18080] =	vst v63  }
0x11d: {  	v2 =	vmul.f32 v8, v8;
	_ =	swait.ge [sflag:s17], $0x2000;
	v0 =	vadd.f32 v1, v0;
	v1 =	vsub.f32 v12, v11  }
0x11e: {  	[sflag:s17] =	ssyncset.done $0x0  }
0x11f: {  	[sflag:s17] =	ssyncadd.s32 $0xFFFFE000;
	v0 =	vadd.f32 v2, v0;
	v2 =	vsub.f32 v14, v13;
	v1 =	vmul.f32 v1, v1  }
0x120: {  	_ =	swait.ge [sflag:s17], $0x2000  }
0x121: {  	[sflag:s17] =	ssyncset.done $0x0;
	v0 =	vadd.f32 v1, v0;
	v1 =	vmul.f32 v2, v2;
	v2 =	vsub.f32 v16, v15  }
0x122: {  	s24 =	simm.s32 $0x0;
	[sflag:s17] =	ssyncadd.s32 $0xFFFFE000  }
0x123: {  	v8 =	vld [tilespmem:s24+$0x14000];
	v0 =	vadd.f32 v1, v0;
	v1 =	vmul.f32 v2, v2;
	v2 =	vsub.f32 v3, v17  }
0x124: {  	v3 =	vld [tilespmem:s24+$0x8000]  }
0x125: {  	v0 =	vadd.f32 v1, v0;
	v1 =	vmul.f32 v2, v2;
	v2 =	vsub.f32 v4, v7;
	v4 =	vld [tilespmem:s24+$0x8010]  }
0x126: {  	v7 =	vld [tilespmem:s24+$0x14010]  }
0x127: {  	v0 =	vadd.f32 v1, v0;
	v1 =	vmul.f32 v2, v2;
	v2 =	vsub.f32 v5, v6;
	v5 =	vld [tilespmem:s24+$0x8020]  }
0x128: {  	v6 =	vld [tilespmem:s24+$0x14020]  }
0x129: {  	v0 =	vadd.f32 v1, v0;
	v1 =	vmul.f32 v2, v2;
	v2 =	vsub.f32 v8, v3;
	v3 =	vld [tilespmem:s24+$0x8030]  }
0x12a: {  	v8 =	vld [tilespmem:s24+$0x14030]  }
0x12b: {  	v0 =	vadd.f32 v1, v0;
	v1 =	vmul.f32 v2, v2;
	v2 =	vsub.f32 v7, v4;
	v4 =	vld [tilespmem:s24+$0x8040]  }
0x12c: {  	v7 =	vld [tilespmem:s24+$0x14040]  }
0x12d: {  	v62 =	vld [tilespmem:s24+$0x8050];
	v0 =	vadd.f32 v1, v0;
	v1 =	vmul.f32 v2, v2;
	v2 =	vsub.f32 v6, v5  }
0x12e: {  	v63 =	vld [tilespmem:s24+$0x14050]  }
0x12f: {  	v5 =	vsub.f32 v8, v3;
	v3 =	vld [tilespmem:s24+$0x14060];
	v1 =	vadd.f32 v1, v0;
	v2 =	vmul.f32 v2, v2  }
0x130: {  	v0 =	vld [tilespmem:s24+$0x8060]  }
0x131: {  	v5 =	vmul.f32 v5, v5;
	v7 =	vsub.f32 v7, v4;
	v4 =	vld [tilespmem:s24+$0x14070];
	v6 =	vadd.f32 v2, v1  }
0x132: {  	s21 =	simm.s32 $0x80;
	v1 =	vld [tilespmem:s24+$0x8070]  }
0x133: {  	s22 =	simm.s32 $0x400;
	v2 =	vld [tilespmem:s21+$0x8000];
	v5 =	vadd.f32 v5, v6;
	v6 =	vmul.f32 v7, v7;
	v7 =	vsub.f32 v63, v62  }
.LBB2_10:
0x134: {  	p0 =	sne.s32 s22, $0x7E00;
	v8 =	vld [tilespmem:s21+$0x14000]  }
0x135: {  	v9 =	vld [tilespmem:s21+$0x8010];
	v5 =	vadd.f32 v6, v5;
	v6 =	vmul.f32 v7, v7;
	v0 =	vsub.f32 v3, v0  }
0x136: {  	v3 =	vld [tilespmem:s21+$0x14010]  }
0x137: {  	v7 =	vld [tilespmem:s21+$0x8020];
	v5 =	vadd.f32 v6, v5;
	v0 =	vmul.f32 v0, v0;
	v1 =	vsub.f32 v4, v1  }
0x138: {  	v4 =	vld [tilespmem:s21+$0x14020]  }
0x139: {  	v2 =	vsub.f32 v8, v2;
	v6 =	vld [tilespmem:s21+$0x8030];
	v0 =	vadd.f32 v0, v5;
	v1 =	vmul.f32 v1, v1  }
0x13a: {  	v5 =	vld [tilespmem:s21+$0x14030]  }
0x13b: {  	v2 =	vmul.f32 v2, v2;
	v3 =	vsub.f32 v3, v9;
	v8 =	vld [tilespmem:s21+$0x8040];
	v0 =	vadd.f32 v1, v0  }
0x13c: {  	v1 =	vld [tilespmem:s21+$0x14040]  }
0x13d: {  	v0 =	vadd.f32 v2, v0;
	v2 =	vmul.f32 v3, v3;
	v3 =	vsub.f32 v4, v7;
	v7 =	vld [tilespmem:s21+$0x8050]  }
0x13e: {  	v9 =	vld [tilespmem:s21+$0x14050]  }
.Ltmp4:
0x13f: {  	v2 =	vadd.f32 v2, v0;
	v4 =	vmul.f32 v3, v3;
	v5 =	vsub.f32 v5, v6;
	v0 =	vld [tilespmem:s21+$0x8060];
	(pc) =	sbr.rel @p0 .LBB2_10-.Ltmp4, $4  }
0x140: {  	v3 =	vld [tilespmem:s21+$0x14060]  }
0x141: {  	v6 =	vadd.f32 v4, v2;
	v5 =	vmul.f32 v5, v5;
	v8 =	vsub.f32 v1, v8;
	v1 =	vld [tilespmem:s21+$0x8070]  }
0x142: {  	v4 =	vld [tilespmem:s21+$0x14070];
	s21 =	sshra.s32 s22, $0x2  }
0x143: {  	s22 =	sadd.s32 $0x200, s22;
	v2 =	vld [tilespmem:s21+$0x8000];
	v5 =	vadd.f32 v5, v6;
	v6 =	vmul.f32 v8, v8;
	v7 =	vsub.f32 v9, v7  }
0x144: {  	v8 =	vld [tilespmem:s21+$0x14000]  }
0x145: {  	v9 =	vld [tilespmem:s21+$0x8010]  }
0x146: {  	v10 =	vld [tilespmem:s21+$0x14010]  }
0x147: {  	v11 =	vld [tilespmem:s21+$0x8020]  }
0x148: {  	v12 =	vld [tilespmem:s21+$0x14020]  }
0x149: {  	v13 =	vld [tilespmem:s21+$0x8030]  }
0x14a: {  	v14 =	vld [tilespmem:s21+$0x14030]  }
0x14b: {  	v15 =	vld [tilespmem:s21+$0x8040]  }
0x14c: {  	v16 =	vld [tilespmem:s21+$0x14040]  }
0x14d: {  	v17 =	vld [tilespmem:s21+$0x8050]  }
0x14e: {  	v5 =	vadd.f32 v6, v5;
	v6 =	vmul.f32 v7, v7;
	v0 =	vsub.f32 v3, v0;
	v3 =	vld [tilespmem:s21+$0x14050]  }
0x14f: {  	v7 =	vld [tilespmem:s21+$0x8060]  }
0x150: {  	v5 =	vadd.f32 v6, v5;
	v0 =	vmul.f32 v0, v0;
	v1 =	vsub.f32 v4, v1;
	v4 =	vld [tilespmem:s21+$0x14060]  }
0x151: {  	v6 =	vld [tilespmem:s21+$0x8070]  }
0x152: {  	s22 =	rddreg [dreg:$0x16];
	s23 =	simm.s32 $0x8000;
	v2 =	vsub.f32 v8, v2;
	v0 =	vadd.f32 v0, v5;
	v1 =	vmul.f32 v1, v1;
	v5 =	vld [tilespmem:s21+$0x14070];
	s21 =	simm.s32 $0x0  }
0x153: {  	[tilespmem:s23], [sflag:$0x5] =	stream.linear.gather [hbm4b:s22+s21], $0x2000, $0x38;
	[tilespmem:$0x18080] =	vst v63  }
0x154: {  	s24 =	rddreg [dreg:$0x17];
	v8 =	vsub.f32 v10, v9;
	s23 =	simm.s32 $0x14000;
	v0 =	vadd.f32 v1, v0;
	v1 =	vmul.f32 v2, v2  }
0x155: {  	[tilespmem:s23], [sflag:$0x5] =	stream.linear.gather [hbm4b:s24+s21], $0x2000, $0x38;
	[tilespmem:$0x18080] =	vst v63  }
0x156: {  	v2 =	vmul.f32 v8, v8;
	v0 =	vadd.f32 v1, v0;
	v1 =	vsub.f32 v12, v11;
	_ =	swait.ge [sflag:s18], $0x2000  }
0x157: {  	[sflag:s18] =	ssyncset.done $0x0  }
0x158: {  	v0 =	vadd.f32 v2, v0;
	v2 =	vsub.f32 v14, v13;
	v1 =	vmul.f32 v1, v1;
	[sflag:s18] =	ssyncadd.s32 $0xFFFFE000  }
0x159: {  	_ =	swait.ge [sflag:s18], $0x2000  }
0x15a: {  	v0 =	vadd.f32 v1, v0;
	v1 =	vmul.f32 v2, v2;
	v2 =	vsub.f32 v16, v15;
	[sflag:s18] =	ssyncset.done $0x0  }
0x15b: {  	s24 =	simm.s32 $0x0;
	[sflag:s18] =	ssyncadd.s32 $0xFFFFE000  }
0x15c: {  	v0 =	vadd.f32 v1, v0;
	v1 =	vmul.f32 v2, v2;
	v2 =	vsub.f32 v3, v17;
	v3 =	vld [tilespmem:s24+$0xA000]  }
0x15d: {  	v8 =	vld [tilespmem:s24+$0x16000]  }
0x15e: {  	v0 =	vadd.f32 v1, v0;
	v1 =	vmul.f32 v2, v2;
	v2 =	vsub.f32 v4, v7;
	v4 =	vld [tilespmem:s24+$0xA010]  }
0x15f: {  	v7 =	vld [tilespmem:s24+$0x16010]  }
0x160: {  	v0 =	vadd.f32 v1, v0;
	v1 =	vmul.f32 v2, v2;
	v2 =	vsub.f32 v5, v6;
	v5 =	vld [tilespmem:s24+$0xA020]  }
0x161: {  	v6 =	vld [tilespmem:s24+$0x16020]  }
0x162: {  	v0 =	vadd.f32 v1, v0;
	v1 =	vmul.f32 v2, v2;
	v2 =	vsub.f32 v8, v3;
	v3 =	vld [tilespmem:s24+$0xA030]  }
0x163: {  	v8 =	vld [tilespmem:s24+$0x16030]  }
0x164: {  	v0 =	vadd.f32 v1, v0;
	v1 =	vmul.f32 v2, v2;
	v2 =	vsub.f32 v7, v4;
	v4 =	vld [tilespmem:s24+$0xA040]  }
0x165: {  	v7 =	vld [tilespmem:s24+$0x16040]  }
0x166: {  	v62 =	vld [tilespmem:s24+$0xA050];
	v0 =	vadd.f32 v1, v0;
	v1 =	vmul.f32 v2, v2;
	v2 =	vsub.f32 v6, v5  }
0x167: {  	v63 =	vld [tilespmem:s24+$0x16050]  }
0x168: {  	v5 =	vsub.f32 v8, v3;
	v3 =	vld [tilespmem:s24+$0x16060];
	v1 =	vadd.f32 v1, v0;
	v2 =	vmul.f32 v2, v2  }
0x169: {  	v0 =	vld [tilespmem:s24+$0xA060]  }
0x16a: {  	v5 =	vmul.f32 v5, v5;
	v7 =	vsub.f32 v7, v4;
	v4 =	vld [tilespmem:s24+$0x16070];
	v6 =	vadd.f32 v2, v1  }
0x16b: {  	s21 =	simm.s32 $0x80;
	v1 =	vld [tilespmem:s24+$0xA070]  }
0x16c: {  	s22 =	simm.s32 $0x400;
	v2 =	vld [tilespmem:s21+$0xA000];
	v5 =	vadd.f32 v5, v6;
	v6 =	vmul.f32 v7, v7;
	v7 =	vsub.f32 v63, v62  }
.LBB2_12:
0x16d: {  	p0 =	sne.s32 s22, $0x7E00;
	v8 =	vld [tilespmem:s21+$0x16000]  }
0x16e: {  	v9 =	vld [tilespmem:s21+$0xA010];
	v5 =	vadd.f32 v6, v5;
	v6 =	vmul.f32 v7, v7;
	v0 =	vsub.f32 v3, v0  }
0x16f: {  	v3 =	vld [tilespmem:s21+$0x16010]  }
0x170: {  	v7 =	vld [tilespmem:s21+$0xA020];
	v5 =	vadd.f32 v6, v5;
	v0 =	vmul.f32 v0, v0;
	v1 =	vsub.f32 v4, v1  }
0x171: {  	v4 =	vld [tilespmem:s21+$0x16020]  }
0x172: {  	v2 =	vsub.f32 v8, v2;
	v6 =	vld [tilespmem:s21+$0xA030];
	v0 =	vadd.f32 v0, v5;
	v1 =	vmul.f32 v1, v1  }
0x173: {  	v5 =	vld [tilespmem:s21+$0x16030]  }
0x174: {  	v2 =	vmul.f32 v2, v2;
	v3 =	vsub.f32 v3, v9;
	v8 =	vld [tilespmem:s21+$0xA040];
	v0 =	vadd.f32 v1, v0  }
0x175: {  	v1 =	vld [tilespmem:s21+$0x16040]  }
0x176: {  	v0 =	vadd.f32 v2, v0;
	v2 =	vmul.f32 v3, v3;
	v3 =	vsub.f32 v4, v7;
	v7 =	vld [tilespmem:s21+$0xA050]  }
0x177: {  	v9 =	vld [tilespmem:s21+$0x16050]  }
.Ltmp5:
0x178: {  	v2 =	vadd.f32 v2, v0;
	v4 =	vmul.f32 v3, v3;
	v5 =	vsub.f32 v5, v6;
	v0 =	vld [tilespmem:s21+$0xA060];
	(pc) =	sbr.rel @p0 .LBB2_12-.Ltmp5, $4  }
0x179: {  	v3 =	vld [tilespmem:s21+$0x16060]  }
0x17a: {  	v6 =	vadd.f32 v4, v2;
	v5 =	vmul.f32 v5, v5;
	v8 =	vsub.f32 v1, v8;
	v1 =	vld [tilespmem:s21+$0xA070]  }
0x17b: {  	v4 =	vld [tilespmem:s21+$0x16070];
	s21 =	sshra.s32 s22, $0x2  }
0x17c: {  	s22 =	sadd.s32 $0x200, s22;
	v2 =	vld [tilespmem:s21+$0xA000];
	v5 =	vadd.f32 v5, v6;
	v6 =	vmul.f32 v8, v8;
	v7 =	vsub.f32 v9, v7  }
0x17d: {  	v8 =	vld [tilespmem:s21+$0x16000]  }
0x17e: {  	v9 =	vld [tilespmem:s21+$0xA010]  }
0x17f: {  	v10 =	vld [tilespmem:s21+$0x16010]  }
0x180: {  	v11 =	vld [tilespmem:s21+$0xA020]  }
0x181: {  	v12 =	vld [tilespmem:s21+$0x16020]  }
0x182: {  	v13 =	vld [tilespmem:s21+$0xA030]  }
0x183: {  	v14 =	vld [tilespmem:s21+$0x16030]  }
0x184: {  	v15 =	vld [tilespmem:s21+$0xA040]  }
0x185: {  	v16 =	vld [tilespmem:s21+$0x16040]  }
0x186: {  	v17 =	vld [tilespmem:s21+$0xA050]  }
0x187: {  	v5 =	vadd.f32 v6, v5;
	v6 =	vmul.f32 v7, v7;
	v0 =	vsub.f32 v3, v0;
	v3 =	vld [tilespmem:s21+$0x16050]  }
0x188: {  	v7 =	vld [tilespmem:s21+$0xA060]  }
0x189: {  	v5 =	vadd.f32 v6, v5;
	v0 =	vmul.f32 v0, v0;
	v1 =	vsub.f32 v4, v1;
	v4 =	vld [tilespmem:s21+$0x16060]  }
0x18a: {  	v6 =	vld [tilespmem:s21+$0xA070]  }
0x18b: {  	s22 =	rddreg [dreg:$0x18];
	s24 =	simm.s32 $0xA000;
	v2 =	vsub.f32 v8, v2;
	v0 =	vadd.f32 v0, v5;
	v1 =	vmul.f32 v1, v1;
	v5 =	vld [tilespmem:s21+$0x16070];
	s21 =	simm.s32 $0x0  }
0x18c: {  	[tilespmem:s24], [sflag:$0x6] =	stream.linear.gather [hbm4b:s22+s21], $0x2000, $0x38;
	[tilespmem:$0x18080] =	vst v63  }
0x18d: {  	v8 =	vsub.f32 v10, v9;
	s22 =	rddreg [dreg:$0x19];
	s24 =	simm.s32 $0x16000;
	v0 =	vadd.f32 v1, v0;
	v1 =	vmul.f32 v2, v2  }
0x18e: {  	[tilespmem:s24], [sflag:$0x6] =	stream.linear.gather [hbm4b:s22+s21], $0x2000, $0x38;
	[tilespmem:$0x18080] =	vst v63  }
0x18f: {  	v2 =	vmul.f32 v8, v8;
	v0 =	vadd.f32 v1, v0;
	v1 =	vsub.f32 v12, v11;
	_ =	swait.ge [sflag:s14], $0x2000  }
0x190: {  	[sflag:s14] =	ssyncset.done $0x0  }
0x191: {  	v0 =	vadd.f32 v2, v0;
	v2 =	vsub.f32 v14, v13;
	v1 =	vmul.f32 v1, v1;
	[sflag:s14] =	ssyncadd.s32 $0xFFFFE000  }
0x192: {  	_ =	swait.ge [sflag:s14], $0x2000  }
0x193: {  	v0 =	vadd.f32 v1, v0;
	v1 =	vmul.f32 v2, v2;
	v2 =	vsub.f32 v16, v15;
	[sflag:s14] =	ssyncset.done $0x0  }
0x194: {  	s22 =	simm.s32 $0x0;
	[sflag:s14] =	ssyncadd.s32 $0xFFFFE000  }
0x195: {  	v0 =	vadd.f32 v1, v0;
	v1 =	vmul.f32 v2, v2;
	v2 =	vsub.f32 v3, v17;
	v3 =	vld [tilespmem:s22+$0x0]  }
0x196: {  	v8 =	vld [tilespmem:s22+$0xC000]  }
0x197: {  	v0 =	vadd.f32 v1, v0;
	v1 =	vmul.f32 v2, v2;
	v2 =	vsub.f32 v4, v7;
	v4 =	vld [tilespmem:s22+$0x10]  }
0x198: {  	v7 =	vld [tilespmem:s22+$0xC010]  }
0x199: {  	v0 =	vadd.f32 v1, v0;
	v1 =	vmul.f32 v2, v2;
	v2 =	vsub.f32 v5, v6;
	v5 =	vld [tilespmem:s22+$0x20]  }
0x19a: {  	v6 =	vld [tilespmem:s22+$0xC020]  }
0x19b: {  	v0 =	vadd.f32 v1, v0;
	v1 =	vmul.f32 v2, v2;
	v2 =	vsub.f32 v8, v3;
	v3 =	vld [tilespmem:s22+$0x30]  }
0x19c: {  	v8 =	vld [tilespmem:s22+$0xC030]  }
0x19d: {  	v0 =	vadd.f32 v1, v0;
	v1 =	vmul.f32 v2, v2;
	v2 =	vsub.f32 v7, v4;
	v4 =	vld [tilespmem:s22+$0x40]  }
0x19e: {  	v7 =	vld [tilespmem:s22+$0xC040]  }
0x19f: {  	v62 =	vld [tilespmem:s22+$0x50];
	v0 =	vadd.f32 v1, v0;
	v1 =	vmul.f32 v2, v2;
	v2 =	vsub.f32 v6, v5  }
0x1a0: {  	v63 =	vld [tilespmem:s22+$0xC050]  }
0x1a1: {  	v5 =	vsub.f32 v8, v3;
	v3 =	vld [tilespmem:s22+$0xC060];
	v1 =	vadd.f32 v1, v0;
	v2 =	vmul.f32 v2, v2  }
0x1a2: {  	v0 =	vld [tilespmem:s22+$0x60]  }
0x1a3: {  	v5 =	vmul.f32 v5, v5;
	v7 =	vsub.f32 v7, v4;
	v4 =	vld [tilespmem:s22+$0xC070];
	v6 =	vadd.f32 v2, v1  }
0x1a4: {  	s21 =	simm.s32 $0x80;
	v1 =	vld [tilespmem:s22+$0x70]  }
0x1a5: {  	v2 =	vld [tilespmem:s21+$0x0];
	s22 =	simm.s32 $0x400;
	v5 =	vadd.f32 v5, v6;
	v6 =	vmul.f32 v7, v7;
	v7 =	vsub.f32 v63, v62  }
.LBB2_14:
0x1a6: {  	p0 =	sne.s32 s22, $0x7E00;
	v8 =	vld [tilespmem:s21+$0xC000]  }
0x1a7: {  	v9 =	vld [tilespmem:s21+$0x10];
	v5 =	vadd.f32 v6, v5;
	v6 =	vmul.f32 v7, v7;
	v0 =	vsub.f32 v3, v0  }
0x1a8: {  	v3 =	vld [tilespmem:s21+$0xC010]  }
0x1a9: {  	v7 =	vld [tilespmem:s21+$0x20];
	v5 =	vadd.f32 v6, v5;
	v0 =	vmul.f32 v0, v0;
	v1 =	vsub.f32 v4, v1  }
0x1aa: {  	v4 =	vld [tilespmem:s21+$0xC020]  }
0x1ab: {  	v2 =	vsub.f32 v8, v2;
	v6 =	vld [tilespmem:s21+$0x30];
	v0 =	vadd.f32 v0, v5;
	v1 =	vmul.f32 v1, v1  }
0x1ac: {  	v5 =	vld [tilespmem:s21+$0xC030]  }
0x1ad: {  	v2 =	vmul.f32 v2, v2;
	v3 =	vsub.f32 v3, v9;
	v8 =	vld [tilespmem:s21+$0x40];
	v0 =	vadd.f32 v1, v0  }
0x1ae: {  	v1 =	vld [tilespmem:s21+$0xC040]  }
0x1af: {  	v0 =	vadd.f32 v2, v0;
	v2 =	vmul.f32 v3, v3;
	v3 =	vsub.f32 v4, v7;
	v7 =	vld [tilespmem:s21+$0x50]  }
0x1b0: {  	v9 =	vld [tilespmem:s21+$0xC050]  }
.Ltmp6:
0x1b1: {  	v2 =	vadd.f32 v2, v0;
	v4 =	vmul.f32 v3, v3;
	v5 =	vsub.f32 v5, v6;
	v0 =	vld [tilespmem:s21+$0x60];
	(pc) =	sbr.rel @p0 .LBB2_14-.Ltmp6, $4  }
0x1b2: {  	v3 =	vld [tilespmem:s21+$0xC060]  }
0x1b3: {  	v6 =	vadd.f32 v4, v2;
	v5 =	vmul.f32 v5, v5;
	v8 =	vsub.f32 v1, v8;
	v1 =	vld [tilespmem:s21+$0x70]  }
0x1b4: {  	v4 =	vld [tilespmem:s21+$0xC070];
	s21 =	sshra.s32 s22, $0x2  }
0x1b5: {  	s22 =	sadd.s32 $0x200, s22;
	v2 =	vld [tilespmem:s21+$0x0];
	v5 =	vadd.f32 v5, v6;
	v6 =	vmul.f32 v8, v8;
	v7 =	vsub.f32 v9, v7  }
0x1b6: {  	v8 =	vld [tilespmem:s21+$0xC000]  }
0x1b7: {  	v9 =	vld [tilespmem:s21+$0x10]  }
0x1b8: {  	v10 =	vld [tilespmem:s21+$0xC010]  }
0x1b9: {  	v11 =	vld [tilespmem:s21+$0x20]  }
0x1ba: {  	v12 =	vld [tilespmem:s21+$0xC020]  }
0x1bb: {  	v13 =	vld [tilespmem:s21+$0x30]  }
0x1bc: {  	v14 =	vld [tilespmem:s21+$0xC030]  }
0x1bd: {  	v15 =	vld [tilespmem:s21+$0x40]  }
0x1be: {  	v16 =	vld [tilespmem:s21+$0xC040]  }
0x1bf: {  	v17 =	vld [tilespmem:s21+$0x50]  }
0x1c0: {  	v5 =	vadd.f32 v6, v5;
	v6 =	vmul.f32 v7, v7;
	v0 =	vsub.f32 v3, v0;
	v3 =	vld [tilespmem:s21+$0xC050]  }
0x1c1: {  	v7 =	vld [tilespmem:s21+$0x60]  }
0x1c2: {  	v5 =	vadd.f32 v6, v5;
	v0 =	vmul.f32 v0, v0;
	v1 =	vsub.f32 v4, v1;
	v4 =	vld [tilespmem:s21+$0xC060]  }
0x1c3: {  	v6 =	vld [tilespmem:s21+$0x70]  }
0x1c4: {  	s22 =	rddreg [dreg:$0x1a];
	v2 =	vsub.f32 v8, v2;
	v0 =	vadd.f32 v0, v5;
	v1 =	vmul.f32 v1, v1;
	v5 =	vld [tilespmem:s21+$0xC070];
	s21 =	simm.s32 $0x0  }
0x1c5: {  	[tilespmem:s21], [sflag:$0x1] =	stream.linear.gather [hbm4b:s22+s21], $0x2000, $0x38;
	[tilespmem:$0x18080] =	vst v63  }
0x1c6: {  	v8 =	vsub.f32 v10, v9;
	v0 =	vadd.f32 v1, v0;
	v1 =	vmul.f32 v2, v2  }
0x1c7: {  	[tilespmem:s6], [sflag:$0x1] =	stream.linear.gather [hbm4b:s25+s21], $0x2000, $0x38;
	[tilespmem:$0x18080] =	vst v63  }
0x1c8: {  	v2 =	vmul.f32 v8, v8;
	v0 =	vadd.f32 v1, v0;
	v1 =	vsub.f32 v12, v11;
	_ =	swait.ge [sflag:s13], $0x2000  }
0x1c9: {  	[sflag:s13] =	ssyncset.done $0x0  }
0x1ca: {  	v0 =	vadd.f32 v2, v0;
	v2 =	vsub.f32 v14, v13;
	v1 =	vmul.f32 v1, v1;
	[sflag:s13] =	ssyncadd.s32 $0xFFFFE000  }
0x1cb: {  	_ =	swait.ge [sflag:s13], $0x2000  }
0x1cc: {  	v0 =	vadd.f32 v1, v0;
	v1 =	vmul.f32 v2, v2;
	v2 =	vsub.f32 v16, v15;
	[sflag:s13] =	ssyncset.done $0x0  }
0x1cd: {  	s22 =	simm.s32 $0x0;
	[sflag:s13] =	ssyncadd.s32 $0xFFFFE000  }
0x1ce: {  	v0 =	vadd.f32 v1, v0;
	v1 =	vmul.f32 v2, v2;
	v2 =	vsub.f32 v3, v17;
	v3 =	vld [tilespmem:s22+$0x2000]  }
0x1cf: {  	v8 =	vld [tilespmem:s22+$0xE000]  }
0x1d0: {  	v0 =	vadd.f32 v1, v0;
	v1 =	vmul.f32 v2, v2;
	v2 =	vsub.f32 v4, v7;
	v4 =	vld [tilespmem:s22+$0x2010]  }
0x1d1: {  	v7 =	vld [tilespmem:s22+$0xE010]  }
0x1d2: {  	v0 =	vadd.f32 v1, v0;
	v1 =	vmul.f32 v2, v2;
	v2 =	vsub.f32 v5, v6;
	v5 =	vld [tilespmem:s22+$0x2020]  }
0x1d3: {  	v6 =	vld [tilespmem:s22+$0xE020]  }
0x1d4: {  	v0 =	vadd.f32 v1, v0;
	v1 =	vmul.f32 v2, v2;
	v2 =	vsub.f32 v8, v3;
	v3 =	vld [tilespmem:s22+$0x2030]  }
0x1d5: {  	v8 =	vld [tilespmem:s22+$0xE030]  }
0x1d6: {  	v0 =	vadd.f32 v1, v0;
	v1 =	vmul.f32 v2, v2;
	v2 =	vsub.f32 v7, v4;
	v4 =	vld [tilespmem:s22+$0x2040]  }
0x1d7: {  	v7 =	vld [tilespmem:s22+$0xE040]  }
0x1d8: {  	v62 =	vld [tilespmem:s22+$0x2050];
	v0 =	vadd.f32 v1, v0;
	v1 =	vmul.f32 v2, v2;
	v2 =	vsub.f32 v6, v5  }
0x1d9: {  	v63 =	vld [tilespmem:s22+$0xE050]  }
0x1da: {  	v5 =	vsub.f32 v8, v3;
	v3 =	vld [tilespmem:s22+$0xE060];
	v1 =	vadd.f32 v1, v0;
	v2 =	vmul.f32 v2, v2  }
0x1db: {  	v0 =	vld [tilespmem:s22+$0x2060]  }
0x1dc: {  	v5 =	vmul.f32 v5, v5;
	v7 =	vsub.f32 v7, v4;
	v4 =	vld [tilespmem:s22+$0xE070];
	v6 =	vadd.f32 v2, v1  }
0x1dd: {  	s21 =	simm.s32 $0x80;
	v1 =	vld [tilespmem:s22+$0x2070]  }
0x1de: {  	v2 =	vld [tilespmem:s21+$0x2000];
	s22 =	simm.s32 $0x400;
	v5 =	vadd.f32 v5, v6;
	v6 =	vmul.f32 v7, v7;
	v7 =	vsub.f32 v63, v62  }
.LBB2_16:
0x1df: {  	p0 =	sne.s32 s22, $0x7E00;
	v8 =	vld [tilespmem:s21+$0xE000]  }
0x1e0: {  	v9 =	vld [tilespmem:s21+$0x2010];
	v5 =	vadd.f32 v6, v5;
	v6 =	vmul.f32 v7, v7;
	v0 =	vsub.f32 v3, v0  }
0x1e1: {  	v3 =	vld [tilespmem:s21+$0xE010]  }
0x1e2: {  	v7 =	vld [tilespmem:s21+$0x2020];
	v5 =	vadd.f32 v6, v5;
	v0 =	vmul.f32 v0, v0;
	v1 =	vsub.f32 v4, v1  }
0x1e3: {  	v4 =	vld [tilespmem:s21+$0xE020]  }
0x1e4: {  	v2 =	vsub.f32 v8, v2;
	v6 =	vld [tilespmem:s21+$0x2030];
	v0 =	vadd.f32 v0, v5;
	v1 =	vmul.f32 v1, v1  }
0x1e5: {  	v5 =	vld [tilespmem:s21+$0xE030]  }
0x1e6: {  	v2 =	vmul.f32 v2, v2;
	v3 =	vsub.f32 v3, v9;
	v8 =	vld [tilespmem:s21+$0x2040];
	v0 =	vadd.f32 v1, v0  }
0x1e7: {  	v1 =	vld [tilespmem:s21+$0xE040]  }
0x1e8: {  	v0 =	vadd.f32 v2, v0;
	v2 =	vmul.f32 v3, v3;
	v3 =	vsub.f32 v4, v7;
	v7 =	vld [tilespmem:s21+$0x2050]  }
0x1e9: {  	v9 =	vld [tilespmem:s21+$0xE050]  }
.Ltmp7:
0x1ea: {  	v2 =	vadd.f32 v2, v0;
	v4 =	vmul.f32 v3, v3;
	v5 =	vsub.f32 v5, v6;
	v0 =	vld [tilespmem:s21+$0x2060];
	(pc) =	sbr.rel @p0 .LBB2_16-.Ltmp7, $4  }
0x1eb: {  	v3 =	vld [tilespmem:s21+$0xE060]  }
0x1ec: {  	v6 =	vadd.f32 v4, v2;
	v5 =	vmul.f32 v5, v5;
	v8 =	vsub.f32 v1, v8;
	v1 =	vld [tilespmem:s21+$0x2070]  }
0x1ed: {  	v4 =	vld [tilespmem:s21+$0xE070];
	s21 =	sshra.s32 s22, $0x2  }
0x1ee: {  	s22 =	sadd.s32 $0x200, s22;
	v2 =	vld [tilespmem:s21+$0x2000];
	v5 =	vadd.f32 v5, v6;
	v6 =	vmul.f32 v8, v8;
	v7 =	vsub.f32 v9, v7  }
0x1ef: {  	v8 =	vld [tilespmem:s21+$0xE000]  }
0x1f0: {  	v9 =	vld [tilespmem:s21+$0x2010]  }
0x1f1: {  	v10 =	vld [tilespmem:s21+$0xE010]  }
0x1f2: {  	v11 =	vld [tilespmem:s21+$0x2020]  }
0x1f3: {  	v12 =	vld [tilespmem:s21+$0xE020]  }
0x1f4: {  	v13 =	vld [tilespmem:s21+$0x2030]  }
0x1f5: {  	v14 =	vld [tilespmem:s21+$0xE030]  }
0x1f6: {  	v15 =	vld [tilespmem:s21+$0x2040]  }
0x1f7: {  	v16 =	vld [tilespmem:s21+$0xE040]  }
0x1f8: {  	v17 =	vld [tilespmem:s21+$0x2050];
	v5 =	vadd.f32 v6, v5;
	v6 =	vmul.f32 v7, v7;
	v0 =	vsub.f32 v3, v0  }
0x1f9: {  	v3 =	vld [tilespmem:s21+$0xE050]  }
0x1fa: {  	v7 =	vld [tilespmem:s21+$0x2060];
	v5 =	vadd.f32 v6, v5;
	v0 =	vmul.f32 v0, v0;
	v1 =	vsub.f32 v4, v1  }
0x1fb: {  	v4 =	vld [tilespmem:s21+$0xE060]  }
0x1fc: {  	s22 =	simm.s32 $0x0;
	v6 =	vld [tilespmem:s21+$0x2070];
	v2 =	vsub.f32 v8, v2;
	v0 =	vadd.f32 v0, v5;
	v1 =	vmul.f32 v1, v1  }
0x1fd: {  	v5 =	vld [tilespmem:s21+$0xE070];
	[tilespmem:s7], [sflag:$0x2] =	stream.linear.gather [hbm4b:s26+s22], $0x2000, $0x38  }
0x1fe: {  	v8 =	vsub.f32 v10, v9;
	v0 =	vadd.f32 v1, v0;
	v1 =	vmul.f32 v2, v2  }
0x1ff: {  	[tilespmem:s8], [sflag:$0x2] =	stream.linear.gather [hbm4b:s28+s22], $0x2000, $0x38;
	[tilespmem:$0x18080] =	vst v63  }
0x200: {  	v2 =	vmul.f32 v8, v8;
	_ =	swait.ge [sflag:s15], $0x2000;
	v0 =	vadd.f32 v1, v0;
	v1 =	vsub.f32 v12, v11  }
0x201: {  	[sflag:s15] =	ssyncset.done $0x0  }
0x202: {  	[sflag:s15] =	ssyncadd.s32 $0xFFFFE000;
	v0 =	vadd.f32 v2, v0;
	v2 =	vsub.f32 v14, v13;
	v1 =	vmul.f32 v1, v1  }
0x203: {  	_ =	swait.ge [sflag:s15], $0x2000  }
0x204: {  	[sflag:s15] =	ssyncset.done $0x0;
	v0 =	vadd.f32 v1, v0;
	v1 =	vmul.f32 v2, v2;
	v2 =	vsub.f32 v16, v15  }
0x205: {  	s22 =	simm.s32 $0x0;
	[sflag:s15] =	ssyncadd.s32 $0xFFFFE000  }
0x206: {  	v8 =	vld [tilespmem:s22+$0x10000];
	v0 =	vadd.f32 v1, v0;
	v1 =	vmul.f32 v2, v2;
	v2 =	vsub.f32 v3, v17  }
0x207: {  	v3 =	vld [tilespmem:s22+$0x4000]  }
0x208: {  	v0 =	vadd.f32 v1, v0;
	v1 =	vmul.f32 v2, v2;
	v2 =	vsub.f32 v4, v7;
	v4 =	vld [tilespmem:s22+$0x4010]  }
0x209: {  	v7 =	vld [tilespmem:s22+$0x10010]  }
0x20a: {  	v0 =	vadd.f32 v1, v0;
	v1 =	vmul.f32 v2, v2;
	v2 =	vsub.f32 v5, v6;
	v5 =	vld [tilespmem:s22+$0x4020]  }
0x20b: {  	v6 =	vld [tilespmem:s22+$0x10020]  }
0x20c: {  	v0 =	vadd.f32 v1, v0;
	v1 =	vmul.f32 v2, v2;
	v2 =	vsub.f32 v8, v3;
	v3 =	vld [tilespmem:s22+$0x4030]  }
0x20d: {  	v8 =	vld [tilespmem:s22+$0x10030]  }
0x20e: {  	v0 =	vadd.f32 v1, v0;
	v1 =	vmul.f32 v2, v2;
	v2 =	vsub.f32 v7, v4;
	v4 =	vld [tilespmem:s22+$0x4040]  }
0x20f: {  	v7 =	vld [tilespmem:s22+$0x10040]  }
0x210: {  	v62 =	vld [tilespmem:s22+$0x4050];
	v0 =	vadd.f32 v1, v0;
	v1 =	vmul.f32 v2, v2;
	v2 =	vsub.f32 v6, v5  }
0x211: {  	v63 =	vld [tilespmem:s22+$0x10050]  }
0x212: {  	v5 =	vsub.f32 v8, v3;
	v3 =	vld [tilespmem:s22+$0x10060];
	v1 =	vadd.f32 v1, v0;
	v2 =	vmul.f32 v2, v2  }
0x213: {  	v0 =	vld [tilespmem:s22+$0x4060]  }
0x214: {  	v5 =	vmul.f32 v5, v5;
	v7 =	vsub.f32 v7, v4;
	v4 =	vld [tilespmem:s22+$0x10070];
	v6 =	vadd.f32 v2, v1  }
0x215: {  	s21 =	simm.s32 $0x80;
	v1 =	vld [tilespmem:s22+$0x4070]  }
0x216: {  	v2 =	vld [tilespmem:s21+$0x4000];
	s22 =	simm.s32 $0x400;
	v5 =	vadd.f32 v5, v6;
	v6 =	vmul.f32 v7, v7;
	v7 =	vsub.f32 v63, v62  }
.LBB2_18:
0x217: {  	p0 =	sne.s32 s22, $0x7E00;
	v8 =	vld [tilespmem:s21+$0x10000]  }
0x218: {  	v9 =	vld [tilespmem:s21+$0x4010];
	v5 =	vadd.f32 v6, v5;
	v6 =	vmul.f32 v7, v7;
	v0 =	vsub.f32 v3, v0  }
0x219: {  	v3 =	vld [tilespmem:s21+$0x10010]  }
0x21a: {  	v7 =	vld [tilespmem:s21+$0x4020];
	v5 =	vadd.f32 v6, v5;
	v0 =	vmul.f32 v0, v0;
	v1 =	vsub.f32 v4, v1  }
0x21b: {  	v4 =	vld [tilespmem:s21+$0x10020]  }
0x21c: {  	v2 =	vsub.f32 v8, v2;
	v6 =	vld [tilespmem:s21+$0x4030];
	v0 =	vadd.f32 v0, v5;
	v1 =	vmul.f32 v1, v1  }
0x21d: {  	v5 =	vld [tilespmem:s21+$0x10030]  }
0x21e: {  	v2 =	vmul.f32 v2, v2;
	v3 =	vsub.f32 v3, v9;
	v8 =	vld [tilespmem:s21+$0x4040];
	v0 =	vadd.f32 v1, v0  }
0x21f: {  	v1 =	vld [tilespmem:s21+$0x10040]  }
0x220: {  	v0 =	vadd.f32 v2, v0;
	v2 =	vmul.f32 v3, v3;
	v3 =	vsub.f32 v4, v7;
	v7 =	vld [tilespmem:s21+$0x4050]  }
0x221: {  	v9 =	vld [tilespmem:s21+$0x10050]  }
.Ltmp8:
0x222: {  	v2 =	vadd.f32 v2, v0;
	v4 =	vmul.f32 v3, v3;
	v5 =	vsub.f32 v5, v6;
	v0 =	vld [tilespmem:s21+$0x4060];
	(pc) =	sbr.rel @p0 .LBB2_18-.Ltmp8, $4  }
0x223: {  	v3 =	vld [tilespmem:s21+$0x10060]  }
0x224: {  	v6 =	vadd.f32 v4, v2;
	v5 =	vmul.f32 v5, v5;
	v8 =	vsub.f32 v1, v8;
	v1 =	vld [tilespmem:s21+$0x4070]  }
0x225: {  	v4 =	vld [tilespmem:s21+$0x10070];
	s21 =	sshra.s32 s22, $0x2  }
0x226: {  	s22 =	sadd.s32 $0x200, s22;
	v2 =	vld [tilespmem:s21+$0x4000];
	v5 =	vadd.f32 v5, v6;
	v6 =	vmul.f32 v8, v8;
	v7 =	vsub.f32 v9, v7  }
0x227: {  	v8 =	vld [tilespmem:s21+$0x10000]  }
0x228: {  	v9 =	vld [tilespmem:s21+$0x4010]  }
0x229: {  	v10 =	vld [tilespmem:s21+$0x10010]  }
0x22a: {  	v11 =	vld [tilespmem:s21+$0x4020]  }
0x22b: {  	v12 =	vld [tilespmem:s21+$0x10020]  }
0x22c: {  	v13 =	vld [tilespmem:s21+$0x4030]  }
0x22d: {  	v14 =	vld [tilespmem:s21+$0x10030]  }
0x22e: {  	v15 =	vld [tilespmem:s21+$0x4040]  }
0x22f: {  	v16 =	vld [tilespmem:s21+$0x10040]  }
0x230: {  	v17 =	vld [tilespmem:s21+$0x4050];
	v5 =	vadd.f32 v6, v5;
	v6 =	vmul.f32 v7, v7;
	v0 =	vsub.f32 v3, v0  }
0x231: {  	v3 =	vld [tilespmem:s21+$0x10050]  }
0x232: {  	v7 =	vld [tilespmem:s21+$0x4060];
	v5 =	vadd.f32 v6, v5;
	v0 =	vmul.f32 v0, v0;
	v1 =	vsub.f32 v4, v1  }
0x233: {  	v4 =	vld [tilespmem:s21+$0x10060]  }
0x234: {  	s22 =	simm.s32 $0x0;
	v6 =	vld [tilespmem:s21+$0x4070];
	v2 =	vsub.f32 v8, v2;
	v0 =	vadd.f32 v0, v5;
	v1 =	vmul.f32 v1, v1  }
0x235: {  	v5 =	vld [tilespmem:s21+$0x10070];
	[tilespmem:s9], [sflag:$0x3] =	stream.linear.gather [hbm4b:s30+s22], $0x2000, $0x38  }
0x236: {  	v8 =	vsub.f32 v10, v9;
	v0 =	vadd.f32 v1, v0;
	v1 =	vmul.f32 v2, v2  }
0x237: {  	[tilespmem:s10], [sflag:$0x3] =	stream.linear.gather [hbm4b:s0+s22], $0x2000, $0x38;
	[tilespmem:$0x18080] =	vst v63  }
0x238: {  	v2 =	vmul.f32 v8, v8;
	_ =	swait.ge [sflag:s16], $0x2000;
	v0 =	vadd.f32 v1, v0;
	v1 =	vsub.f32 v12, v11  }
0x239: {  	[sflag:s16] =	ssyncset.done $0x0  }
0x23a: {  	[sflag:s16] =	ssyncadd.s32 $0xFFFFE000;
	v0 =	vadd.f32 v2, v0;
	v2 =	vsub.f32 v14, v13;
	v1 =	vmul.f32 v1, v1  }
0x23b: {  	_ =	swait.ge [sflag:s16], $0x2000  }
0x23c: {  	[sflag:s16] =	ssyncset.done $0x0;
	v0 =	vadd.f32 v1, v0;
	v1 =	vmul.f32 v2, v2;
	v2 =	vsub.f32 v16, v15  }
0x23d: {  	s22 =	simm.s32 $0x0;
	[sflag:s16] =	ssyncadd.s32 $0xFFFFE000  }
0x23e: {  	v8 =	vld [tilespmem:s22+$0x12000];
	v0 =	vadd.f32 v1, v0;
	v1 =	vmul.f32 v2, v2;
	v2 =	vsub.f32 v3, v17  }
0x23f: {  	v3 =	vld [tilespmem:s22+$0x6000]  }
0x240: {  	v0 =	vadd.f32 v1, v0;
	v1 =	vmul.f32 v2, v2;
	v2 =	vsub.f32 v4, v7;
	v4 =	vld [tilespmem:s22+$0x6010]  }
0x241: {  	v7 =	vld [tilespmem:s22+$0x12010]  }
0x242: {  	v0 =	vadd.f32 v1, v0;
	v1 =	vmul.f32 v2, v2;
	v2 =	vsub.f32 v5, v6;
	v5 =	vld [tilespmem:s22+$0x6020]  }
0x243: {  	v6 =	vld [tilespmem:s22+$0x12020]  }
0x244: {  	v0 =	vadd.f32 v1, v0;
	v1 =	vmul.f32 v2, v2;
	v2 =	vsub.f32 v8, v3;
	v3 =	vld [tilespmem:s22+$0x6030]  }
0x245: {  	v8 =	vld [tilespmem:s22+$0x12030]  }
0x246: {  	v0 =	vadd.f32 v1, v0;
	v1 =	vmul.f32 v2, v2;
	v2 =	vsub.f32 v7, v4;
	v4 =	vld [tilespmem:s22+$0x6040]  }
0x247: {  	v7 =	vld [tilespmem:s22+$0x12040]  }
0x248: {  	v62 =	vld [tilespmem:s22+$0x6050];
	v0 =	vadd.f32 v1, v0;
	v1 =	vmul.f32 v2, v2;
	v2 =	vsub.f32 v6, v5  }
0x249: {  	v63 =	vld [tilespmem:s22+$0x12050]  }
0x24a: {  	v5 =	vsub.f32 v8, v3;
	v3 =	vld [tilespmem:s22+$0x12060];
	v1 =	vadd.f32 v1, v0;
	v2 =	vmul.f32 v2, v2  }
0x24b: {  	v0 =	vld [tilespmem:s22+$0x6060]  }
0x24c: {  	v5 =	vmul.f32 v5, v5;
	v7 =	vsub.f32 v7, v4;
	v4 =	vld [tilespmem:s22+$0x12070];
	v6 =	vadd.f32 v2, v1  }
0x24d: {  	s21 =	simm.s32 $0x80;
	v1 =	vld [tilespmem:s22+$0x6070]  }
0x24e: {  	v2 =	vld [tilespmem:s21+$0x6000];
	s22 =	simm.s32 $0x400;
	v5 =	vadd.f32 v5, v6;
	v6 =	vmul.f32 v7, v7;
	v7 =	vsub.f32 v63, v62  }
.LBB2_20:
0x24f: {  	p0 =	sne.s32 s22, $0x7E00;
	v8 =	vld [tilespmem:s21+$0x12000]  }
0x250: {  	v9 =	vld [tilespmem:s21+$0x6010];
	v5 =	vadd.f32 v6, v5;
	v6 =	vmul.f32 v7, v7;
	v0 =	vsub.f32 v3, v0  }
0x251: {  	v3 =	vld [tilespmem:s21+$0x12010]  }
0x252: {  	v7 =	vld [tilespmem:s21+$0x6020];
	v5 =	vadd.f32 v6, v5;
	v0 =	vmul.f32 v0, v0;
	v1 =	vsub.f32 v4, v1  }
0x253: {  	v4 =	vld [tilespmem:s21+$0x12020]  }
0x254: {  	v2 =	vsub.f32 v8, v2;
	v6 =	vld [tilespmem:s21+$0x6030];
	v0 =	vadd.f32 v0, v5;
	v1 =	vmul.f32 v1, v1  }
0x255: {  	v5 =	vld [tilespmem:s21+$0x12030]  }
0x256: {  	v2 =	vmul.f32 v2, v2;
	v3 =	vsub.f32 v3, v9;
	v8 =	vld [tilespmem:s21+$0x6040];
	v0 =	vadd.f32 v1, v0  }
0x257: {  	v1 =	vld [tilespmem:s21+$0x12040]  }
0x258: {  	v0 =	vadd.f32 v2, v0;
	v2 =	vmul.f32 v3, v3;
	v3 =	vsub.f32 v4, v7;
	v7 =	vld [tilespmem:s21+$0x6050]  }
0x259: {  	v9 =	vld [tilespmem:s21+$0x12050]  }
.Ltmp9:
0x25a: {  	v2 =	vadd.f32 v2, v0;
	v4 =	vmul.f32 v3, v3;
	v5 =	vsub.f32 v5, v6;
	v0 =	vld [tilespmem:s21+$0x6060];
	(pc) =	sbr.rel @p0 .LBB2_20-.Ltmp9, $4  }
0x25b: {  	v3 =	vld [tilespmem:s21+$0x12060]  }
0x25c: {  	v6 =	vadd.f32 v4, v2;
	v5 =	vmul.f32 v5, v5;
	v8 =	vsub.f32 v1, v8;
	v1 =	vld [tilespmem:s21+$0x6070]  }
0x25d: {  	v4 =	vld [tilespmem:s21+$0x12070];
	s21 =	sshra.s32 s22, $0x2  }
0x25e: {  	s22 =	sadd.s32 $0x200, s22;
	v2 =	vld [tilespmem:s21+$0x6000];
	v5 =	vadd.f32 v5, v6;
	v6 =	vmul.f32 v8, v8;
	v7 =	vsub.f32 v9, v7  }
0x25f: {  	v8 =	vld [tilespmem:s21+$0x12000]  }
0x260: {  	v9 =	vld [tilespmem:s21+$0x6010]  }
0x261: {  	v10 =	vld [tilespmem:s21+$0x12010]  }
0x262: {  	v11 =	vld [tilespmem:s21+$0x6020]  }
0x263: {  	v12 =	vld [tilespmem:s21+$0x12020]  }
0x264: {  	v13 =	vld [tilespmem:s21+$0x6030]  }
0x265: {  	v14 =	vld [tilespmem:s21+$0x12030]  }
0x266: {  	v15 =	vld [tilespmem:s21+$0x6040]  }
0x267: {  	v16 =	vld [tilespmem:s21+$0x12040]  }
0x268: {  	v17 =	vld [tilespmem:s21+$0x6050];
	v5 =	vadd.f32 v6, v5;
	v6 =	vmul.f32 v7, v7;
	v0 =	vsub.f32 v3, v0  }
0x269: {  	v3 =	vld [tilespmem:s21+$0x12050]  }
0x26a: {  	v7 =	vld [tilespmem:s21+$0x6060];
	v5 =	vadd.f32 v6, v5;
	v0 =	vmul.f32 v0, v0;
	v1 =	vsub.f32 v4, v1  }
0x26b: {  	v4 =	vld [tilespmem:s21+$0x12060]  }
0x26c: {  	s22 =	simm.s32 $0x0;
	v6 =	vld [tilespmem:s21+$0x6070];
	v2 =	vsub.f32 v8, v2;
	v0 =	vadd.f32 v0, v5;
	v1 =	vmul.f32 v1, v1  }
0x26d: {  	v5 =	vld [tilespmem:s21+$0x12070];
	[tilespmem:s11], [sflag:$0x4] =	stream.linear.gather [hbm4b:s2+s22], $0x2000, $0x38  }
0x26e: {  	v8 =	vsub.f32 v10, v9;
	v0 =	vadd.f32 v1, v0;
	v1 =	vmul.f32 v2, v2  }
0x26f: {  	[tilespmem:s12], [sflag:$0x4] =	stream.linear.gather [hbm4b:s3+s22], $0x2000, $0x38;
	[tilespmem:$0x18080] =	vst v63  }
0x270: {  	v2 =	vmul.f32 v8, v8;
	_ =	swait.ge [sflag:s17], $0x2000;
	v0 =	vadd.f32 v1, v0;
	v1 =	vsub.f32 v12, v11  }
0x271: {  	[sflag:s17] =	ssyncset.done $0x0  }
0x272: {  	[sflag:s17] =	ssyncadd.s32 $0xFFFFE000;
	v0 =	vadd.f32 v2, v0;
	v2 =	vsub.f32 v14, v13;
	v1 =	vmul.f32 v1, v1  }
0x273: {  	_ =	swait.ge [sflag:s17], $0x2000  }
0x274: {  	[sflag:s17] =	ssyncset.done $0x0;
	v0 =	vadd.f32 v1, v0;
	v1 =	vmul.f32 v2, v2;
	v2 =	vsub.f32 v16, v15  }
0x275: {  	s22 =	simm.s32 $0x0;
	[sflag:s17] =	ssyncadd.s32 $0xFFFFE000  }
0x276: {  	v8 =	vld [tilespmem:s22+$0x14000];
	v0 =	vadd.f32 v1, v0;
	v1 =	vmul.f32 v2, v2;
	v2 =	vsub.f32 v3, v17  }
0x277: {  	v3 =	vld [tilespmem:s22+$0x8000]  }
0x278: {  	v0 =	vadd.f32 v1, v0;
	v1 =	vmul.f32 v2, v2;
	v2 =	vsub.f32 v4, v7;
	v4 =	vld [tilespmem:s22+$0x8010]  }
0x279: {  	v7 =	vld [tilespmem:s22+$0x14010]  }
0x27a: {  	v0 =	vadd.f32 v1, v0;
	v1 =	vmul.f32 v2, v2;
	v2 =	vsub.f32 v5, v6;
	v5 =	vld [tilespmem:s22+$0x8020]  }
0x27b: {  	v6 =	vld [tilespmem:s22+$0x14020]  }
0x27c: {  	v0 =	vadd.f32 v1, v0;
	v1 =	vmul.f32 v2, v2;
	v2 =	vsub.f32 v8, v3;
	v3 =	vld [tilespmem:s22+$0x8030]  }
0x27d: {  	v8 =	vld [tilespmem:s22+$0x14030]  }
0x27e: {  	v0 =	vadd.f32 v1, v0;
	v1 =	vmul.f32 v2, v2;
	v2 =	vsub.f32 v7, v4;
	v4 =	vld [tilespmem:s22+$0x8040]  }
0x27f: {  	v7 =	vld [tilespmem:s22+$0x14040]  }
0x280: {  	v62 =	vld [tilespmem:s22+$0x8050];
	v0 =	vadd.f32 v1, v0;
	v1 =	vmul.f32 v2, v2;
	v2 =	vsub.f32 v6, v5  }
0x281: {  	v63 =	vld [tilespmem:s22+$0x14050]  }
0x282: {  	v5 =	vsub.f32 v8, v3;
	v3 =	vld [tilespmem:s22+$0x14060];
	v1 =	vadd.f32 v1, v0;
	v2 =	vmul.f32 v2, v2  }
0x283: {  	v0 =	vld [tilespmem:s22+$0x8060]  }
0x284: {  	v5 =	vmul.f32 v5, v5;
	v7 =	vsub.f32 v7, v4;
	v4 =	vld [tilespmem:s22+$0x14070];
	v6 =	vadd.f32 v2, v1  }
0x285: {  	s21 =	simm.s32 $0x80;
	v1 =	vld [tilespmem:s22+$0x8070]  }
0x286: {  	v2 =	vld [tilespmem:s21+$0x8000];
	s22 =	simm.s32 $0x400;
	v5 =	vadd.f32 v5, v6;
	v6 =	vmul.f32 v7, v7;
	v7 =	vsub.f32 v63, v62  }
.LBB2_22:
0x287: {  	p0 =	sne.s32 s22, $0x7E00;
	v8 =	vld [tilespmem:s21+$0x14000]  }
0x288: {  	v9 =	vld [tilespmem:s21+$0x8010];
	v5 =	vadd.f32 v6, v5;
	v6 =	vmul.f32 v7, v7;
	v0 =	vsub.f32 v3, v0  }
0x289: {  	v3 =	vld [tilespmem:s21+$0x14010]  }
0x28a: {  	v7 =	vld [tilespmem:s21+$0x8020];
	v5 =	vadd.f32 v6, v5;
	v0 =	vmul.f32 v0, v0;
	v1 =	vsub.f32 v4, v1  }
0x28b: {  	v4 =	vld [tilespmem:s21+$0x14020]  }
0x28c: {  	v2 =	vsub.f32 v8, v2;
	v6 =	vld [tilespmem:s21+$0x8030];
	v0 =	vadd.f32 v0, v5;
	v1 =	vmul.f32 v1, v1  }
0x28d: {  	v5 =	vld [tilespmem:s21+$0x14030]  }
0x28e: {  	v2 =	vmul.f32 v2, v2;
	v3 =	vsub.f32 v3, v9;
	v8 =	vld [tilespmem:s21+$0x8040];
	v0 =	vadd.f32 v1, v0  }
0x28f: {  	v1 =	vld [tilespmem:s21+$0x14040]  }
0x290: {  	v0 =	vadd.f32 v2, v0;
	v2 =	vmul.f32 v3, v3;
	v3 =	vsub.f32 v4, v7;
	v7 =	vld [tilespmem:s21+$0x8050]  }
0x291: {  	v9 =	vld [tilespmem:s21+$0x14050]  }
.Ltmp10:
0x292: {  	v2 =	vadd.f32 v2, v0;
	v4 =	vmul.f32 v3, v3;
	v5 =	vsub.f32 v5, v6;
	v0 =	vld [tilespmem:s21+$0x8060];
	(pc) =	sbr.rel @p0 .LBB2_22-.Ltmp10, $4  }
0x293: {  	v3 =	vld [tilespmem:s21+$0x14060]  }
0x294: {  	v6 =	vadd.f32 v4, v2;
	v5 =	vmul.f32 v5, v5;
	v8 =	vsub.f32 v1, v8;
	v1 =	vld [tilespmem:s21+$0x8070]  }
0x295: {  	v4 =	vld [tilespmem:s21+$0x14070];
	s21 =	sshra.s32 s22, $0x2  }
0x296: {  	s22 =	sadd.s32 $0x200, s22;
	v2 =	vld [tilespmem:s21+$0x8000];
	v5 =	vadd.f32 v5, v6;
	v6 =	vmul.f32 v8, v8;
	v7 =	vsub.f32 v9, v7  }
0x297: {  	v8 =	vld [tilespmem:s21+$0x14000]  }
0x298: {  	v9 =	vld [tilespmem:s21+$0x8010]  }
0x299: {  	v10 =	vld [tilespmem:s21+$0x14010]  }
0x29a: {  	v11 =	vld [tilespmem:s21+$0x8020]  }
0x29b: {  	v12 =	vld [tilespmem:s21+$0x14020]  }
0x29c: {  	v13 =	vld [tilespmem:s21+$0x8030]  }
0x29d: {  	v14 =	vld [tilespmem:s21+$0x14030];
	v5 =	vadd.f32 v6, v5;
	v6 =	vmul.f32 v7, v7;
	v0 =	vsub.f32 v3, v0  }
0x29e: {  	v60 =	vld [tilespmem:s21+$0x14070]  }
0x29f: {  	v3 =	vld [tilespmem:s21+$0x8040];
	v5 =	vadd.f32 v6, v5;
	v0 =	vmul.f32 v0, v0;
	v1 =	vsub.f32 v4, v1  }
0x2a0: {  	v7 =	vld [tilespmem:s21+$0x14040]  }
0x2a1: {  	v4 =	vld [tilespmem:s21+$0x8050];
	v2 =	vsub.f32 v8, v2;
	v0 =	vadd.f32 v0, v5;
	v1 =	vmul.f32 v1, v1  }
0x2a2: {  	v6 =	vld [tilespmem:s21+$0x14050]  }
0x2a3: {  	v5 =	vld [tilespmem:s21+$0x8060];
	v9 =	vsub.f32 v10, v9;
	v2 =	vmul.f32 v2, v2;
	v0 =	vadd.f32 v1, v0  }
0x2a4: {  	v8 =	vld [tilespmem:s21+$0x14060]  }
0x2a5: {  	v1 =	vld [tilespmem:s21+$0x8070];
	v9 =	vmul.f32 v9, v9;
	_ =	swait.ge [sflag:s18], $0x2000;
	v0 =	vadd.f32 v2, v0;
	v2 =	vsub.f32 v12, v11  }
0x2a6: {  	[sflag:s18] =	ssyncset.done $0x0  }
0x2a7: {  	v61 =	vsub.f32 v14, v13;
	[sflag:s18] =	ssyncadd.s32 $0xFFFFE000;
	v0 =	vadd.f32 v9, v0;
	v2 =	vmul.f32 v2, v2  }
0x2a8: {  	_ =	swait.ge [sflag:s18], $0x2000  }
0x2a9: {  	v3 =	vsub.f32 v7, v3;
	[sflag:s18] =	ssyncset.done $0x0;
	v0 =	vadd.f32 v2, v0;
	v2 =	vmul.f32 v61, v61  }
0x2aa: {  	s22 =	simm.s32 $0x0;
	[sflag:s18] =	ssyncadd.s32 $0xFFFFE000  }
0x2ab: {  	v0 =	vadd.f32 v2, v0;
	v2 =	vmul.f32 v3, v3;
	v3 =	vsub.f32 v6, v4;
	v4 =	vld [tilespmem:s22+$0xA000]  }
0x2ac: {  	v6 =	vld [tilespmem:s22+$0x16000]  }
0x2ad: {  	v7 =	vld [tilespmem:s22+$0x16010];
	v0 =	vadd.f32 v2, v0;
	v2 =	vmul.f32 v3, v3;
	v3 =	vsub.f32 v8, v5  }
0x2ae: {  	v5 =	vld [tilespmem:s22+$0xA010]  }
0x2af: {  	v1 =	vsub.f32 v60, v1;
	v8 =	vld [tilespmem:s22+$0x16020];
	v0 =	vadd.f32 v2, v0;
	v2 =	vmul.f32 v3, v3  }
0x2b0: {  	v3 =	vld [tilespmem:s22+$0xA020]  }
0x2b1: {  	v1 =	vmul.f32 v1, v1;
	v0 =	vadd.f32 v2, v0;
	v2 =	vsub.f32 v6, v4;
	v4 =	vld [tilespmem:s22+$0xA030]  }
0x2b2: {  	v6 =	vld [tilespmem:s22+$0x16030]  }
0x2b3: {  	v0 =	vadd.f32 v1, v0;
	v1 =	vmul.f32 v2, v2;
	v2 =	vsub.f32 v7, v5;
	v5 =	vld [tilespmem:s22+$0xA040]  }
0x2b4: {  	v7 =	vld [tilespmem:s22+$0x16040]  }
0x2b5: {  	v62 =	vld [tilespmem:s22+$0x16050];
	v0 =	vadd.f32 v1, v0;
	v1 =	vmul.f32 v2, v2;
	v2 =	vsub.f32 v8, v3  }
0x2b6: {  	v8 =	vld [tilespmem:s22+$0xA050]  }
0x2b7: {  	v3 =	vld [tilespmem:s22+$0x16060];
	v4 =	vsub.f32 v6, v4;
	v1 =	vadd.f32 v1, v0;
	v2 =	vmul.f32 v2, v2  }
0x2b8: {  	v0 =	vld [tilespmem:s22+$0xA060]  }
0x2b9: {  	v63 =	vmul.f32 v4, v4;
	v7 =	vsub.f32 v7, v5;
	v4 =	vld [tilespmem:s22+$0x16070];
	v6 =	vadd.f32 v2, v1  }
0x2ba: {  	s21 =	simm.s32 $0x80;
	v1 =	vld [tilespmem:s22+$0xA070]  }
0x2bb: {  	v2 =	vld [tilespmem:s21+$0xA000];
	s22 =	simm.s32 $0x400;
	v5 =	vadd.f32 v63, v6;
	v6 =	vmul.f32 v7, v7;
	v7 =	vsub.f32 v62, v8  }
.LBB2_24:
0x2bc: {  	p0 =	sne.s32 s22, $0x7E00;
	v8 =	vld [tilespmem:s21+$0x16000]  }
0x2bd: {  	v9 =	vld [tilespmem:s21+$0xA010];
	v5 =	vadd.f32 v6, v5;
	v6 =	vmul.f32 v7, v7;
	v0 =	vsub.f32 v3, v0  }
0x2be: {  	v3 =	vld [tilespmem:s21+$0x16010]  }
0x2bf: {  	v7 =	vld [tilespmem:s21+$0xA020];
	v5 =	vadd.f32 v6, v5;
	v0 =	vmul.f32 v0, v0;
	v1 =	vsub.f32 v4, v1  }
0x2c0: {  	v4 =	vld [tilespmem:s21+$0x16020]  }
0x2c1: {  	v2 =	vsub.f32 v8, v2;
	v6 =	vld [tilespmem:s21+$0xA030];
	v0 =	vadd.f32 v0, v5;
	v1 =	vmul.f32 v1, v1  }
0x2c2: {  	v5 =	vld [tilespmem:s21+$0x16030]  }
0x2c3: {  	v2 =	vmul.f32 v2, v2;
	v3 =	vsub.f32 v3, v9;
	v8 =	vld [tilespmem:s21+$0xA040];
	v0 =	vadd.f32 v1, v0  }
0x2c4: {  	v1 =	vld [tilespmem:s21+$0x16040]  }
0x2c5: {  	v0 =	vadd.f32 v2, v0;
	v2 =	vmul.f32 v3, v3;
	v3 =	vsub.f32 v4, v7;
	v7 =	vld [tilespmem:s21+$0xA050]  }
0x2c6: {  	v9 =	vld [tilespmem:s21+$0x16050]  }
.Ltmp11:
0x2c7: {  	v2 =	vadd.f32 v2, v0;
	v4 =	vmul.f32 v3, v3;
	v5 =	vsub.f32 v5, v6;
	v0 =	vld [tilespmem:s21+$0xA060];
	(pc) =	sbr.rel @p0 .LBB2_24-.Ltmp11, $4  }
0x2c8: {  	v3 =	vld [tilespmem:s21+$0x16060]  }
0x2c9: {  	v6 =	vadd.f32 v4, v2;
	v5 =	vmul.f32 v5, v5;
	v8 =	vsub.f32 v1, v8;
	v1 =	vld [tilespmem:s21+$0xA070]  }
0x2ca: {  	v4 =	vld [tilespmem:s21+$0x16070];
	s21 =	sshra.s32 s22, $0x2  }
0x2cb: {  	s22 =	sadd.s32 $0x200, s22;
	v2 =	vld [tilespmem:s21+$0xA000];
	v5 =	vadd.f32 v5, v6;
	v6 =	vmul.f32 v8, v8;
	v7 =	vsub.f32 v9, v7  }
0x2cc: {  	v8 =	vld [tilespmem:s21+$0x16000]  }
0x2cd: {  	v9 =	vld [tilespmem:s21+$0xA010]  }
0x2ce: {  	v10 =	vld [tilespmem:s21+$0x16010]  }
0x2cf: {  	v11 =	vld [tilespmem:s21+$0xA020]  }
0x2d0: {  	v12 =	vld [tilespmem:s21+$0x16020]  }
0x2d1: {  	v13 =	vld [tilespmem:s21+$0xA030]  }
0x2d2: {  	v14 =	vld [tilespmem:s21+$0x16030];
	v5 =	vadd.f32 v6, v5;
	v6 =	vmul.f32 v7, v7;
	v0 =	vsub.f32 v3, v0  }
0x2d3: {  	v60 =	vld [tilespmem:s21+$0x16070]  }
0x2d4: {  	v3 =	vld [tilespmem:s21+$0xA040];
	v5 =	vadd.f32 v6, v5;
	v0 =	vmul.f32 v0, v0;
	v1 =	vsub.f32 v4, v1  }
0x2d5: {  	v7 =	vld [tilespmem:s21+$0x16040]  }
0x2d6: {  	v4 =	vld [tilespmem:s21+$0xA050];
	v2 =	vsub.f32 v8, v2;
	v0 =	vadd.f32 v0, v5;
	v1 =	vmul.f32 v1, v1  }
0x2d7: {  	v6 =	vld [tilespmem:s21+$0x16050]  }
0x2d8: {  	v5 =	vld [tilespmem:s21+$0xA060];
	v9 =	vsub.f32 v10, v9;
	v2 =	vmul.f32 v2, v2;
	v0 =	vadd.f32 v1, v0  }
0x2d9: {  	v8 =	vld [tilespmem:s21+$0x16060]  }
0x2da: {  	v1 =	vld [tilespmem:s21+$0xA070];
	v9 =	vmul.f32 v9, v9;
	_ =	swait.ge [sflag:s14], $0x2000;
	v0 =	vadd.f32 v2, v0;
	v2 =	vsub.f32 v12, v11  }
0x2db: {  	[sflag:s14] =	ssyncset.done $0x0  }
0x2dc: {  	v61 =	vsub.f32 v14, v13;
	[sflag:s14] =	ssyncadd.s32 $0xFFFFE000;
	v0 =	vadd.f32 v9, v0;
	v2 =	vmul.f32 v2, v2  }
0x2dd: {  	_ =	swait.ge [sflag:s14], $0x2000  }
0x2de: {  	v3 =	vsub.f32 v7, v3;
	[sflag:s14] =	ssyncset.done $0x0;
	v0 =	vadd.f32 v2, v0;
	v2 =	vmul.f32 v61, v61  }
0x2df: {  	s22 =	simm.s32 $0x0;
	[sflag:s14] =	ssyncadd.s32 $0xFFFFE000  }
0x2e0: {  	v0 =	vadd.f32 v2, v0;
	v2 =	vmul.f32 v3, v3;
	v3 =	vsub.f32 v6, v4;
	v4 =	vld [tilespmem:s22+$0x0]  }
0x2e1: {  	v6 =	vld [tilespmem:s22+$0xC000]  }
0x2e2: {  	v7 =	vld [tilespmem:s22+$0xC010];
	v0 =	vadd.f32 v2, v0;
	v2 =	vmul.f32 v3, v3;
	v3 =	vsub.f32 v8, v5  }
0x2e3: {  	v5 =	vld [tilespmem:s22+$0x10]  }
0x2e4: {  	v1 =	vsub.f32 v60, v1;
	v8 =	vld [tilespmem:s22+$0xC020];
	v0 =	vadd.f32 v2, v0;
	v2 =	vmul.f32 v3, v3  }
0x2e5: {  	v3 =	vld [tilespmem:s22+$0x20]  }
0x2e6: {  	v1 =	vmul.f32 v1, v1;
	v0 =	vadd.f32 v2, v0;
	v2 =	vsub.f32 v6, v4;
	v4 =	vld [tilespmem:s22+$0x30]  }
0x2e7: {  	v6 =	vld [tilespmem:s22+$0xC030]  }
0x2e8: {  	v0 =	vadd.f32 v1, v0;
	v1 =	vmul.f32 v2, v2;
	v2 =	vsub.f32 v7, v5;
	v5 =	vld [tilespmem:s22+$0x40]  }
0x2e9: {  	v7 =	vld [tilespmem:s22+$0xC040]  }
0x2ea: {  	v62 =	vld [tilespmem:s22+$0xC050];
	v0 =	vadd.f32 v1, v0;
	v1 =	vmul.f32 v2, v2;
	v2 =	vsub.f32 v8, v3  }
0x2eb: {  	v8 =	vld [tilespmem:s22+$0x50]  }
0x2ec: {  	v3 =	vld [tilespmem:s22+$0xC060];
	v4 =	vsub.f32 v6, v4;
	v1 =	vadd.f32 v1, v0;
	v2 =	vmul.f32 v2, v2  }
0x2ed: {  	v0 =	vld [tilespmem:s22+$0x60]  }
0x2ee: {  	v63 =	vmul.f32 v4, v4;
	v7 =	vsub.f32 v7, v5;
	v4 =	vld [tilespmem:s22+$0xC070];
	v6 =	vadd.f32 v2, v1  }
0x2ef: {  	s21 =	simm.s32 $0x80;
	v1 =	vld [tilespmem:s22+$0x70]  }
0x2f0: {  	v2 =	vld [tilespmem:s21+$0x0];
	s22 =	simm.s32 $0x400;
	v5 =	vadd.f32 v63, v6;
	v6 =	vmul.f32 v7, v7;
	v7 =	vsub.f32 v62, v8  }
.LBB2_26:
0x2f1: {  	p0 =	sne.s32 s22, $0x7E00;
	v8 =	vld [tilespmem:s21+$0xC000]  }
0x2f2: {  	v9 =	vld [tilespmem:s21+$0x10];
	v5 =	vadd.f32 v6, v5;
	v6 =	vmul.f32 v7, v7;
	v0 =	vsub.f32 v3, v0  }
0x2f3: {  	v3 =	vld [tilespmem:s21+$0xC010]  }
0x2f4: {  	v7 =	vld [tilespmem:s21+$0x20];
	v5 =	vadd.f32 v6, v5;
	v0 =	vmul.f32 v0, v0;
	v1 =	vsub.f32 v4, v1  }
0x2f5: {  	v4 =	vld [tilespmem:s21+$0xC020]  }
0x2f6: {  	v2 =	vsub.f32 v8, v2;
	v6 =	vld [tilespmem:s21+$0x30];
	v0 =	vadd.f32 v0, v5;
	v1 =	vmul.f32 v1, v1  }
0x2f7: {  	v5 =	vld [tilespmem:s21+$0xC030]  }
0x2f8: {  	v2 =	vmul.f32 v2, v2;
	v3 =	vsub.f32 v3, v9;
	v8 =	vld [tilespmem:s21+$0x40];
	v0 =	vadd.f32 v1, v0  }
0x2f9: {  	v1 =	vld [tilespmem:s21+$0xC040]  }
0x2fa: {  	v0 =	vadd.f32 v2, v0;
	v2 =	vmul.f32 v3, v3;
	v3 =	vsub.f32 v4, v7;
	v7 =	vld [tilespmem:s21+$0x50]  }
0x2fb: {  	v9 =	vld [tilespmem:s21+$0xC050]  }
.Ltmp12:
0x2fc: {  	v2 =	vadd.f32 v2, v0;
	v4 =	vmul.f32 v3, v3;
	v5 =	vsub.f32 v5, v6;
	v0 =	vld [tilespmem:s21+$0x60];
	(pc) =	sbr.rel @p0 .LBB2_26-.Ltmp12, $4  }
0x2fd: {  	v3 =	vld [tilespmem:s21+$0xC060]  }
0x2fe: {  	v6 =	vadd.f32 v4, v2;
	v5 =	vmul.f32 v5, v5;
	v8 =	vsub.f32 v1, v8;
	v1 =	vld [tilespmem:s21+$0x70]  }
0x2ff: {  	v4 =	vld [tilespmem:s21+$0xC070];
	s21 =	sshra.s32 s22, $0x2  }
0x300: {  	s22 =	sadd.s32 $0x200, s22;
	v2 =	vld [tilespmem:s21+$0x0];
	v5 =	vadd.f32 v5, v6;
	v6 =	vmul.f32 v8, v8;
	v7 =	vsub.f32 v9, v7  }
0x301: {  	v8 =	vld [tilespmem:s21+$0xC000]  }
0x302: {  	v9 =	vld [tilespmem:s21+$0x10]  }
0x303: {  	v10 =	vld [tilespmem:s21+$0xC010]  }
0x304: {  	v11 =	vld [tilespmem:s21+$0x20]  }
0x305: {  	v12 =	vld [tilespmem:s21+$0xC020]  }
0x306: {  	v13 =	vld [tilespmem:s21+$0x30]  }
0x307: {  	v14 =	vld [tilespmem:s21+$0xC030];
	v5 =	vadd.f32 v6, v5;
	v6 =	vmul.f32 v7, v7;
	v0 =	vsub.f32 v3, v0  }
0x308: {  	v60 =	vld [tilespmem:s21+$0xC070]  }
0x309: {  	v3 =	vld [tilespmem:s21+$0x40];
	v5 =	vadd.f32 v6, v5;
	v0 =	vmul.f32 v0, v0;
	v1 =	vsub.f32 v4, v1  }
0x30a: {  	v7 =	vld [tilespmem:s21+$0xC040]  }
0x30b: {  	v4 =	vld [tilespmem:s21+$0x50];
	v2 =	vsub.f32 v8, v2;
	v0 =	vadd.f32 v0, v5;
	v1 =	vmul.f32 v1, v1  }
0x30c: {  	v6 =	vld [tilespmem:s21+$0xC050]  }
0x30d: {  	v5 =	vld [tilespmem:s21+$0x60];
	v9 =	vsub.f32 v10, v9;
	v2 =	vmul.f32 v2, v2;
	v0 =	vadd.f32 v1, v0  }
0x30e: {  	v8 =	vld [tilespmem:s21+$0xC060]  }
0x30f: {  	v1 =	vld [tilespmem:s21+$0x70];
	v9 =	vmul.f32 v9, v9;
	_ =	swait.ge [sflag:s13], $0x2000;
	v0 =	vadd.f32 v2, v0;
	v2 =	vsub.f32 v12, v11  }
0x310: {  	[sflag:s13] =	ssyncset.done $0x0  }
0x311: {  	v61 =	vsub.f32 v14, v13;
	[sflag:s13] =	ssyncadd.s32 $0xFFFFE000;
	v0 =	vadd.f32 v9, v0;
	v2 =	vmul.f32 v2, v2  }
0x312: {  	_ =	swait.ge [sflag:s13], $0x2000  }
0x313: {  	v3 =	vsub.f32 v7, v3;
	[sflag:s13] =	ssyncset.done $0x0;
	v0 =	vadd.f32 v2, v0;
	v2 =	vmul.f32 v61, v61  }
0x314: {  	s22 =	simm.s32 $0x0;
	[sflag:s13] =	ssyncadd.s32 $0xFFFFE000  }
0x315: {  	v0 =	vadd.f32 v2, v0;
	v2 =	vmul.f32 v3, v3;
	v3 =	vsub.f32 v6, v4;
	v4 =	vld [tilespmem:s22+$0x2000]  }
0x316: {  	v6 =	vld [tilespmem:s22+$0xE000]  }
0x317: {  	v7 =	vld [tilespmem:s22+$0xE010];
	v0 =	vadd.f32 v2, v0;
	v2 =	vmul.f32 v3, v3;
	v3 =	vsub.f32 v8, v5  }
0x318: {  	v5 =	vld [tilespmem:s22+$0x2010]  }
0x319: {  	v1 =	vsub.f32 v60, v1;
	v8 =	vld [tilespmem:s22+$0xE020];
	v0 =	vadd.f32 v2, v0;
	v2 =	vmul.f32 v3, v3  }
0x31a: {  	v3 =	vld [tilespmem:s22+$0x2020]  }
0x31b: {  	v1 =	vmul.f32 v1, v1;
	v0 =	vadd.f32 v2, v0;
	v2 =	vsub.f32 v6, v4;
	v4 =	vld [tilespmem:s22+$0x2030]  }
0x31c: {  	v6 =	vld [tilespmem:s22+$0xE030]  }
0x31d: {  	v0 =	vadd.f32 v1, v0;
	v1 =	vmul.f32 v2, v2;
	v2 =	vsub.f32 v7, v5;
	v5 =	vld [tilespmem:s22+$0x2040]  }
0x31e: {  	v7 =	vld [tilespmem:s22+$0xE040]  }
0x31f: {  	v62 =	vld [tilespmem:s22+$0xE050];
	v0 =	vadd.f32 v1, v0;
	v1 =	vmul.f32 v2, v2;
	v2 =	vsub.f32 v8, v3  }
0x320: {  	v8 =	vld [tilespmem:s22+$0x2050]  }
0x321: {  	v3 =	vld [tilespmem:s22+$0xE060];
	v4 =	vsub.f32 v6, v4;
	v1 =	vadd.f32 v1, v0;
	v2 =	vmul.f32 v2, v2  }
0x322: {  	v0 =	vld [tilespmem:s22+$0x2060]  }
0x323: {  	v63 =	vmul.f32 v4, v4;
	v7 =	vsub.f32 v7, v5;
	v4 =	vld [tilespmem:s22+$0xE070];
	v6 =	vadd.f32 v2, v1  }
0x324: {  	s21 =	simm.s32 $0x80;
	v1 =	vld [tilespmem:s22+$0x2070]  }
0x325: {  	v2 =	vld [tilespmem:s21+$0x2000];
	s22 =	simm.s32 $0x400;
	v5 =	vadd.f32 v63, v6;
	v6 =	vmul.f32 v7, v7;
	v7 =	vsub.f32 v62, v8  }
.LBB2_28:
0x326: {  	p0 =	sne.s32 s22, $0x7E00;
	v8 =	vld [tilespmem:s21+$0xE000]  }
0x327: {  	v9 =	vld [tilespmem:s21+$0x2010];
	v5 =	vadd.f32 v6, v5;
	v6 =	vmul.f32 v7, v7;
	v0 =	vsub.f32 v3, v0  }
0x328: {  	v3 =	vld [tilespmem:s21+$0xE010]  }
0x329: {  	v7 =	vld [tilespmem:s21+$0x2020];
	v5 =	vadd.f32 v6, v5;
	v0 =	vmul.f32 v0, v0;
	v1 =	vsub.f32 v4, v1  }
0x32a: {  	v4 =	vld [tilespmem:s21+$0xE020]  }
0x32b: {  	v2 =	vsub.f32 v8, v2;
	v6 =	vld [tilespmem:s21+$0x2030];
	v0 =	vadd.f32 v0, v5;
	v1 =	vmul.f32 v1, v1  }
0x32c: {  	v5 =	vld [tilespmem:s21+$0xE030]  }
0x32d: {  	v2 =	vmul.f32 v2, v2;
	v3 =	vsub.f32 v3, v9;
	v8 =	vld [tilespmem:s21+$0x2040];
	v0 =	vadd.f32 v1, v0  }
0x32e: {  	v1 =	vld [tilespmem:s21+$0xE040]  }
0x32f: {  	v0 =	vadd.f32 v2, v0;
	v2 =	vmul.f32 v3, v3;
	v3 =	vsub.f32 v4, v7;
	v7 =	vld [tilespmem:s21+$0x2050]  }
0x330: {  	v9 =	vld [tilespmem:s21+$0xE050]  }
.Ltmp13:
0x331: {  	v2 =	vadd.f32 v2, v0;
	v4 =	vmul.f32 v3, v3;
	v5 =	vsub.f32 v5, v6;
	v0 =	vld [tilespmem:s21+$0x2060];
	(pc) =	sbr.rel @p0 .LBB2_28-.Ltmp13, $4  }
0x332: {  	v3 =	vld [tilespmem:s21+$0xE060]  }
0x333: {  	v6 =	vadd.f32 v4, v2;
	v5 =	vmul.f32 v5, v5;
	v8 =	vsub.f32 v1, v8;
	v1 =	vld [tilespmem:s21+$0x2070]  }
0x334: {  	v4 =	vld [tilespmem:s21+$0xE070];
	s21 =	sshra.s32 s22, $0x2  }
0x335: {  	s22 =	sadd.s32 $0x200, s22;
	v2 =	vld [tilespmem:s21+$0x2000];
	v5 =	vadd.f32 v5, v6;
	v6 =	vmul.f32 v8, v8;
	v7 =	vsub.f32 v9, v7  }
0x336: {  	v8 =	vld [tilespmem:s21+$0xE000]  }
0x337: {  	v9 =	vld [tilespmem:s21+$0x2010]  }
0x338: {  	v10 =	vld [tilespmem:s21+$0xE010]  }
0x339: {  	v11 =	vld [tilespmem:s21+$0x2020]  }
0x33a: {  	v12 =	vld [tilespmem:s21+$0xE020]  }
0x33b: {  	v13 =	vld [tilespmem:s21+$0x2030]  }
0x33c: {  	v14 =	vld [tilespmem:s21+$0xE030];
	v5 =	vadd.f32 v6, v5;
	v6 =	vmul.f32 v7, v7;
	v0 =	vsub.f32 v3, v0  }
0x33d: {  	v60 =	vld [tilespmem:s21+$0xE070]  }
0x33e: {  	v3 =	vld [tilespmem:s21+$0x2040];
	v5 =	vadd.f32 v6, v5;
	v0 =	vmul.f32 v0, v0;
	v1 =	vsub.f32 v4, v1  }
0x33f: {  	v7 =	vld [tilespmem:s21+$0xE040]  }
0x340: {  	v4 =	vld [tilespmem:s21+$0x2050];
	v2 =	vsub.f32 v8, v2;
	v0 =	vadd.f32 v0, v5;
	v1 =	vmul.f32 v1, v1  }
0x341: {  	v6 =	vld [tilespmem:s21+$0xE050]  }
0x342: {  	v5 =	vld [tilespmem:s21+$0x2060];
	v9 =	vsub.f32 v10, v9;
	v2 =	vmul.f32 v2, v2;
	v0 =	vadd.f32 v1, v0  }
0x343: {  	v8 =	vld [tilespmem:s21+$0xE060]  }
0x344: {  	v1 =	vld [tilespmem:s21+$0x2070];
	v9 =	vmul.f32 v9, v9;
	_ =	swait.ge [sflag:s15], $0x2000;
	v0 =	vadd.f32 v2, v0;
	v2 =	vsub.f32 v12, v11  }
0x345: {  	[sflag:s15] =	ssyncset.done $0x0  }
0x346: {  	v61 =	vsub.f32 v14, v13;
	[sflag:s15] =	ssyncadd.s32 $0xFFFFE000;
	v0 =	vadd.f32 v9, v0;
	v2 =	vmul.f32 v2, v2  }
0x347: {  	_ =	swait.ge [sflag:s15], $0x2000  }
0x348: {  	v3 =	vsub.f32 v7, v3;
	[sflag:s15] =	ssyncset.done $0x0;
	v0 =	vadd.f32 v2, v0;
	v2 =	vmul.f32 v61, v61  }
0x349: {  	s22 =	simm.s32 $0x0;
	[sflag:s15] =	ssyncadd.s32 $0xFFFFE000  }
0x34a: {  	v0 =	vadd.f32 v2, v0;
	v2 =	vmul.f32 v3, v3;
	v3 =	vsub.f32 v6, v4;
	v4 =	vld [tilespmem:s22+$0x4000]  }
0x34b: {  	v6 =	vld [tilespmem:s22+$0x10000]  }
0x34c: {  	v7 =	vld [tilespmem:s22+$0x10010];
	v0 =	vadd.f32 v2, v0;
	v2 =	vmul.f32 v3, v3;
	v3 =	vsub.f32 v8, v5  }
0x34d: {  	v5 =	vld [tilespmem:s22+$0x4010]  }
0x34e: {  	v1 =	vsub.f32 v60, v1;
	v8 =	vld [tilespmem:s22+$0x10020];
	v0 =	vadd.f32 v2, v0;
	v2 =	vmul.f32 v3, v3  }
0x34f: {  	v3 =	vld [tilespmem:s22+$0x4020]  }
0x350: {  	v1 =	vmul.f32 v1, v1;
	v0 =	vadd.f32 v2, v0;
	v2 =	vsub.f32 v6, v4;
	v4 =	vld [tilespmem:s22+$0x4030]  }
0x351: {  	v6 =	vld [tilespmem:s22+$0x10030]  }
0x352: {  	v0 =	vadd.f32 v1, v0;
	v1 =	vmul.f32 v2, v2;
	v2 =	vsub.f32 v7, v5;
	v5 =	vld [tilespmem:s22+$0x4040]  }
0x353: {  	v7 =	vld [tilespmem:s22+$0x10040]  }
0x354: {  	v62 =	vld [tilespmem:s22+$0x10050];
	v0 =	vadd.f32 v1, v0;
	v1 =	vmul.f32 v2, v2;
	v2 =	vsub.f32 v8, v3  }
0x355: {  	v8 =	vld [tilespmem:s22+$0x4050]  }
0x356: {  	v3 =	vld [tilespmem:s22+$0x10060];
	v4 =	vsub.f32 v6, v4;
	v1 =	vadd.f32 v1, v0;
	v2 =	vmul.f32 v2, v2  }
0x357: {  	v0 =	vld [tilespmem:s22+$0x4060]  }
0x358: {  	v63 =	vmul.f32 v4, v4;
	v7 =	vsub.f32 v7, v5;
	v4 =	vld [tilespmem:s22+$0x10070];
	v6 =	vadd.f32 v2, v1  }
0x359: {  	s21 =	simm.s32 $0x80;
	v1 =	vld [tilespmem:s22+$0x4070]  }
0x35a: {  	v2 =	vld [tilespmem:s21+$0x4000];
	s22 =	simm.s32 $0x400;
	v5 =	vadd.f32 v63, v6;
	v6 =	vmul.f32 v7, v7;
	v7 =	vsub.f32 v62, v8  }
.LBB2_30:
0x35b: {  	p0 =	sne.s32 s22, $0x7E00;
	v8 =	vld [tilespmem:s21+$0x10000]  }
0x35c: {  	v9 =	vld [tilespmem:s21+$0x4010];
	v5 =	vadd.f32 v6, v5;
	v6 =	vmul.f32 v7, v7;
	v0 =	vsub.f32 v3, v0  }
0x35d: {  	v3 =	vld [tilespmem:s21+$0x10010]  }
0x35e: {  	v7 =	vld [tilespmem:s21+$0x4020];
	v5 =	vadd.f32 v6, v5;
	v0 =	vmul.f32 v0, v0;
	v1 =	vsub.f32 v4, v1  }
0x35f: {  	v4 =	vld [tilespmem:s21+$0x10020]  }
0x360: {  	v2 =	vsub.f32 v8, v2;
	v6 =	vld [tilespmem:s21+$0x4030];
	v0 =	vadd.f32 v0, v5;
	v1 =	vmul.f32 v1, v1  }
0x361: {  	v5 =	vld [tilespmem:s21+$0x10030]  }
0x362: {  	v2 =	vmul.f32 v2, v2;
	v3 =	vsub.f32 v3, v9;
	v8 =	vld [tilespmem:s21+$0x4040];
	v0 =	vadd.f32 v1, v0  }
0x363: {  	v1 =	vld [tilespmem:s21+$0x10040]  }
0x364: {  	v0 =	vadd.f32 v2, v0;
	v2 =	vmul.f32 v3, v3;
	v3 =	vsub.f32 v4, v7;
	v7 =	vld [tilespmem:s21+$0x4050]  }
0x365: {  	v9 =	vld [tilespmem:s21+$0x10050]  }
.Ltmp14:
0x366: {  	v2 =	vadd.f32 v2, v0;
	v4 =	vmul.f32 v3, v3;
	v5 =	vsub.f32 v5, v6;
	v0 =	vld [tilespmem:s21+$0x4060];
	(pc) =	sbr.rel @p0 .LBB2_30-.Ltmp14, $4  }
0x367: {  	v3 =	vld [tilespmem:s21+$0x10060]  }
0x368: {  	v6 =	vadd.f32 v4, v2;
	v5 =	vmul.f32 v5, v5;
	v8 =	vsub.f32 v1, v8;
	v1 =	vld [tilespmem:s21+$0x4070]  }
0x369: {  	v4 =	vld [tilespmem:s21+$0x10070];
	s21 =	sshra.s32 s22, $0x2  }
0x36a: {  	s22 =	sadd.s32 $0x200, s22;
	v2 =	vld [tilespmem:s21+$0x4000];
	v5 =	vadd.f32 v5, v6;
	v6 =	vmul.f32 v8, v8;
	v7 =	vsub.f32 v9, v7  }
0x36b: {  	v8 =	vld [tilespmem:s21+$0x10000]  }
0x36c: {  	v9 =	vld [tilespmem:s21+$0x4010]  }
0x36d: {  	v10 =	vld [tilespmem:s21+$0x10010]  }
0x36e: {  	v11 =	vld [tilespmem:s21+$0x4020]  }
0x36f: {  	v12 =	vld [tilespmem:s21+$0x10020]  }
0x370: {  	v13 =	vld [tilespmem:s21+$0x4030]  }
0x371: {  	v14 =	vld [tilespmem:s21+$0x10030];
	v5 =	vadd.f32 v6, v5;
	v6 =	vmul.f32 v7, v7;
	v0 =	vsub.f32 v3, v0  }
0x372: {  	v60 =	vld [tilespmem:s21+$0x10070]  }
0x373: {  	v3 =	vld [tilespmem:s21+$0x4040];
	v5 =	vadd.f32 v6, v5;
	v0 =	vmul.f32 v0, v0;
	v1 =	vsub.f32 v4, v1  }
0x374: {  	v7 =	vld [tilespmem:s21+$0x10040]  }
0x375: {  	v4 =	vld [tilespmem:s21+$0x4050];
	v2 =	vsub.f32 v8, v2;
	v0 =	vadd.f32 v0, v5;
	v1 =	vmul.f32 v1, v1  }
0x376: {  	v6 =	vld [tilespmem:s21+$0x10050]  }
0x377: {  	v5 =	vld [tilespmem:s21+$0x4060];
	v9 =	vsub.f32 v10, v9;
	v2 =	vmul.f32 v2, v2;
	v0 =	vadd.f32 v1, v0  }
0x378: {  	v8 =	vld [tilespmem:s21+$0x10060]  }
0x379: {  	v1 =	vld [tilespmem:s21+$0x4070];
	v9 =	vmul.f32 v9, v9;
	_ =	swait.ge [sflag:s16], $0x2000;
	v0 =	vadd.f32 v2, v0;
	v2 =	vsub.f32 v12, v11  }
0x37a: {  	[sflag:s16] =	ssyncset.done $0x0  }
0x37b: {  	v61 =	vsub.f32 v14, v13;
	[sflag:s16] =	ssyncadd.s32 $0xFFFFE000;
	v0 =	vadd.f32 v9, v0;
	v2 =	vmul.f32 v2, v2  }
0x37c: {  	_ =	swait.ge [sflag:s16], $0x2000  }
0x37d: {  	v3 =	vsub.f32 v7, v3;
	[sflag:s16] =	ssyncset.done $0x0;
	v0 =	vadd.f32 v2, v0;
	v2 =	vmul.f32 v61, v61  }
0x37e: {  	s22 =	simm.s32 $0x0;
	[sflag:s16] =	ssyncadd.s32 $0xFFFFE000  }
0x37f: {  	v0 =	vadd.f32 v2, v0;
	v2 =	vmul.f32 v3, v3;
	v3 =	vsub.f32 v6, v4;
	v4 =	vld [tilespmem:s22+$0x6000]  }
0x380: {  	v6 =	vld [tilespmem:s22+$0x12000]  }
0x381: {  	v7 =	vld [tilespmem:s22+$0x12010];
	v0 =	vadd.f32 v2, v0;
	v2 =	vmul.f32 v3, v3;
	v3 =	vsub.f32 v8, v5  }
0x382: {  	v5 =	vld [tilespmem:s22+$0x6010]  }
0x383: {  	v1 =	vsub.f32 v60, v1;
	v8 =	vld [tilespmem:s22+$0x12020];
	v0 =	vadd.f32 v2, v0;
	v2 =	vmul.f32 v3, v3  }
0x384: {  	v3 =	vld [tilespmem:s22+$0x6020]  }
0x385: {  	v1 =	vmul.f32 v1, v1;
	v0 =	vadd.f32 v2, v0;
	v2 =	vsub.f32 v6, v4;
	v4 =	vld [tilespmem:s22+$0x6030]  }
0x386: {  	v6 =	vld [tilespmem:s22+$0x12030]  }
0x387: {  	v0 =	vadd.f32 v1, v0;
	v1 =	vmul.f32 v2, v2;
	v2 =	vsub.f32 v7, v5;
	v5 =	vld [tilespmem:s22+$0x6040]  }
0x388: {  	v7 =	vld [tilespmem:s22+$0x12040]  }
0x389: {  	v62 =	vld [tilespmem:s22+$0x12050];
	v0 =	vadd.f32 v1, v0;
	v1 =	vmul.f32 v2, v2;
	v2 =	vsub.f32 v8, v3  }
0x38a: {  	v8 =	vld [tilespmem:s22+$0x6050]  }
0x38b: {  	v3 =	vld [tilespmem:s22+$0x12060];
	v4 =	vsub.f32 v6, v4;
	v1 =	vadd.f32 v1, v0;
	v2 =	vmul.f32 v2, v2  }
0x38c: {  	v0 =	vld [tilespmem:s22+$0x6060]  }
0x38d: {  	v63 =	vmul.f32 v4, v4;
	v7 =	vsub.f32 v7, v5;
	v4 =	vld [tilespmem:s22+$0x12070];
	v6 =	vadd.f32 v2, v1  }
0x38e: {  	s21 =	simm.s32 $0x80;
	v1 =	vld [tilespmem:s22+$0x6070]  }
0x38f: {  	v2 =	vld [tilespmem:s21+$0x6000];
	s22 =	simm.s32 $0x400;
	v5 =	vadd.f32 v63, v6;
	v6 =	vmul.f32 v7, v7;
	v7 =	vsub.f32 v62, v8  }
.LBB2_32:
0x390: {  	p0 =	sne.s32 s22, $0x7E00;
	v8 =	vld [tilespmem:s21+$0x12000]  }
0x391: {  	v9 =	vld [tilespmem:s21+$0x6010];
	v5 =	vadd.f32 v6, v5;
	v6 =	vmul.f32 v7, v7;
	v0 =	vsub.f32 v3, v0  }
0x392: {  	v3 =	vld [tilespmem:s21+$0x12010]  }
0x393: {  	v7 =	vld [tilespmem:s21+$0x6020];
	v5 =	vadd.f32 v6, v5;
	v0 =	vmul.f32 v0, v0;
	v1 =	vsub.f32 v4, v1  }
0x394: {  	v4 =	vld [tilespmem:s21+$0x12020]  }
0x395: {  	v2 =	vsub.f32 v8, v2;
	v6 =	vld [tilespmem:s21+$0x6030];
	v0 =	vadd.f32 v0, v5;
	v1 =	vmul.f32 v1, v1  }
0x396: {  	v5 =	vld [tilespmem:s21+$0x12030]  }
0x397: {  	v2 =	vmul.f32 v2, v2;
	v3 =	vsub.f32 v3, v9;
	v8 =	vld [tilespmem:s21+$0x6040];
	v0 =	vadd.f32 v1, v0  }
0x398: {  	v1 =	vld [tilespmem:s21+$0x12040]  }
0x399: {  	v0 =	vadd.f32 v2, v0;
	v2 =	vmul.f32 v3, v3;
	v3 =	vsub.f32 v4, v7;
	v7 =	vld [tilespmem:s21+$0x6050]  }
0x39a: {  	v9 =	vld [tilespmem:s21+$0x12050]  }
.Ltmp15:
0x39b: {  	v2 =	vadd.f32 v2, v0;
	v4 =	vmul.f32 v3, v3;
	v5 =	vsub.f32 v5, v6;
	v0 =	vld [tilespmem:s21+$0x6060];
	(pc) =	sbr.rel @p0 .LBB2_32-.Ltmp15, $4  }
0x39c: {  	v3 =	vld [tilespmem:s21+$0x12060]  }
0x39d: {  	v6 =	vadd.f32 v4, v2;
	v5 =	vmul.f32 v5, v5;
	v8 =	vsub.f32 v1, v8;
	v1 =	vld [tilespmem:s21+$0x6070]  }
0x39e: {  	v4 =	vld [tilespmem:s21+$0x12070];
	s21 =	sshra.s32 s22, $0x2  }
0x39f: {  	s22 =	sadd.s32 $0x200, s22;
	v2 =	vld [tilespmem:s21+$0x6000];
	v5 =	vadd.f32 v5, v6;
	v6 =	vmul.f32 v8, v8;
	v7 =	vsub.f32 v9, v7  }
0x3a0: {  	v8 =	vld [tilespmem:s21+$0x12000]  }
0x3a1: {  	v9 =	vld [tilespmem:s21+$0x6010];
	v5 =	vadd.f32 v6, v5;
	v39 =	vmul.f32 v7, v7;
	v0 =	vsub.f32 v3, v0  }
0x3a2: {  	v40 =	vld [tilespmem:s21+$0x12010]  }
0x3a3: {  	v41 =	vld [tilespmem:s21+$0x6020];
	v5 =	vadd.f32 v39, v5;
	v0 =	vmul.f32 v0, v0;
	v1 =	vsub.f32 v4, v1  }
0x3a4: {  	v42 =	vld [tilespmem:s21+$0x12020]  }
0x3a5: {  	v43 =	vld [tilespmem:s21+$0x6030];
	v2 =	vsub.f32 v8, v2;
	v0 =	vadd.f32 v0, v5;
	v1 =	vmul.f32 v1, v1  }
0x3a6: {  	v44 =	vld [tilespmem:s21+$0x12030]  }
0x3a7: {  	v45 =	vld [tilespmem:s21+$0x6040];
	v3 =	vsub.f32 v40, v9;
	v2 =	vmul.f32 v2, v2;
	v0 =	vadd.f32 v1, v0  }
0x3a8: {  	v46 =	vld [tilespmem:s21+$0x12040]  }
0x3a9: {  	v49 =	vld [tilespmem:s21+$0x6050];
	v48 =	vsub.f32 v42, v41;
	v47 =	vmul.f32 v3, v3;
	v0 =	vadd.f32 v2, v0  }
0x3aa: {  	v50 =	vld [tilespmem:s21+$0x12050]  }
0x3ab: {  	v53 =	vld [tilespmem:s21+$0x6060];
	v52 =	vsub.f32 v44, v43;
	v51 =	vmul.f32 v48, v48;
	v0 =	vadd.f32 v47, v0  }
0x3ac: {  	v54 =	vld [tilespmem:s21+$0x12060]  }
0x3ad: {  	v56 =	vld [tilespmem:s21+$0x6070];
	v55 =	vmul.f32 v52, v52;
	v1 =	vsub.f32 v46, v45;
	v0 =	vadd.f32 v51, v0  }
0x3ae: {  	v57 =	vld [tilespmem:s21+$0x12070]  }
0x3af: {  	v58 =	vsub.f32 v50, v49;
	v1 =	vmul.f32 v1, v1;
	v0 =	vadd.f32 v55, v0;
	_ =	sdelay $0x1  }
0x3b0: {  	v60 =	vsub.f32 v54, v53;
	v59 =	vmul.f32 v58, v58;
	v0 =	vadd.f32 v1, v0;
	_ =	sdelay $0x1  }
0x3b1: {  	v62 =	vsub.f32 v57, v56;
	v61 =	vmul.f32 v60, v60;
	v0 =	vadd.f32 v59, v0;
	_ =	sdelay $0x1  }
0x3b2: {  	v63 =	vmul.f32 v62, v62;
	v0 =	vadd.f32 v61, v0;
	_ =	sdelay $0x1  }
0x3b3: {  	v0 =	vadd.f32 v63, v0;
	_ =	sdelay $0x1  }
0x3b4: {  	s20 =	sadd.s32 $0x1, s20;
	v0 =	vmul.f32 $2.384185790e-07, v0  }
0x3b5: {  	p0 =	sne.s32 s20, s5  }
.Ltmp16:
0x3b6: {  	s22 =	simm.s32 $0x18000;
	[tilespmem:$0x18000] =	vst v0;
	(pc) =	sbr.rel @p0 .LBB2_1-.Ltmp16, $4  }
0x3b7: {  	[hbm4b:s4+s1] =	stream.linear.scatter [tilespmem:s22], [sflag:$0x7], $0x80, $0x38;
	[tilespmem:$0x18080] =	vst v63  }
0x3b8: {  	_ =	swait.ge [sflag:s19], $0x80  }
0x3b9: {  	[sflag:s19] =	ssyncset.done $0x0  }
0x3ba: {  	[sflag:s19] =	ssyncadd.s32 $0xFFFFFF80  }
0x3bb: {  	_ =	sfence.sel $0x180000  }
0x3bc: {  	[bflag:$0x0] =	sbarrier.arrive $0xFFFF  }
0x3bd: {  	_ =	strace $0x90000047  }
0x3be: {  	s0 =	stileid.u32;
	[bflag:$0x2] =	sbarrier.arrive $0xFFFF  }
0x3bf: {  	p0 =	sne.s32 s0, $0x0;
	s0 =	rddreg [dreg:$0x3]  }
0x3c0: {  	s0 =	sadd.s32 @!p0 $0x100000, s0  }
0x3c1: {  	[sflag:s0] =	ssyncadd.tile.s32 @!p0 $0x1;
	_ =	shalt  }
.Lfunc_end2:
_tile_overlayer_lowered:
.L_overlay_start_2:
0x3c2: {  	(tag) =	ssettag $0x2  }
0x3c3: {  	s0 =	rddreg [dreg:$0x0];
	s2 =	stileid.u32  }
0x3c4: {  	s1 =	rddreg [dreg:$0x1];
	p0 =	sne.s32 s2, $0x0  }
0x3c5: {  	s3 =	rddreg [dreg:$0x2];
	[bflag:$0x3] =	sbarrier.arrive $0xFFFF;
	s2 =	simm.s32 @!p0 $0x1C07  }
0x3c6: {  	[timem:s3], [sflag:s2] =	dma.local @!p0 [hbm:s0], s1  }
0x3c7: {  	s0 =	simm.s32 @!p0 $0x7  }
0x3c8: {  	_ =	swait.ge @!p0 [sflag:s0], s1  }
0x3c9: {  	s1 =	ssub.s32 @!p0 $0x0, s1;
	[sflag:s0] =	ssyncset.done @!p0 $0x0  }
0x3ca: {  	[sflag:s0] =	ssyncadd.s32 @!p0 s1  }
0x3cb: {  	[bflag:$0x3] =	sbarrier.arrive $0xFFFF  }
0x3cc: {  	_ =	shalt  }

</sc_bundles>
